<compile_context>
chip_gen: v7x
topology: tpu7x:2x2x1
jax: 0.10.2.dev20260603
libtpu: 0.0.44.dev20260713+nightly
codegen_flags: <defaults>
</compile_context>

<pallas_src>
import functools

import jax
import jax.numpy as jnp
from jax import lax
from jax.experimental import pallas as pl
from jax.experimental.pallas import tpu as pltpu
from jax.experimental.pallas import tpu_sc as plsc

B, NMAX, MMAX, D, H = 128, 64, 96, 64, 64
N, M, E = B * NMAX, B * MMAX, 65536
NSLOT = B * NMAX * NMAX

NC, NS = 2, 16
NW = NC * NS
_MESH = functools.partial(plsc.VectorSubcoreMesh,
                          core_axis_name="c", subcore_axis_name="s",
                          num_cores=NC, num_subcores=NS)



def _sc_scatter_add(contrib, row2d, zeros):
    EPW = E // NW
    CH = 512
    KB = CH // 128

    @functools.partial(
        pl.kernel,
        out_type=jax.ShapeDtypeStruct((NC, N, D), jnp.float32),
        mesh=_MESH(),
        scratch_types=[
            pltpu.VMEM((CH, D), jnp.float32),
            pltpu.VMEM((KB, 128), jnp.int32),
            pltpu.VMEM_SHARED((N, D), jnp.float32),
            pltpu.VMEM((CH, D), jnp.float32),
        ],
        compiler_params=pltpu.CompilerParams(use_tc_tiling_on_sc=False),
    )
    def body(contrib_hbm, row_hbm, zeros_hbm, out_hbm, cbuf, rbuf, acc, obuf):
        cid = lax.axis_index("c")
        sid = lax.axis_index("s")
        wid = sid * NC + cid
        stripe = pl.ds(sid * (N // NS), N // NS)
        pltpu.sync_copy(zeros_hbm.at[stripe], cbuf)
        pltpu.sync_copy(cbuf, acc.at[stripe])
        plsc.subcore_barrier()
        for ci in range(EPW // CH):
            off = pl.multiple_of(wid * EPW + ci * CH, CH)
            pltpu.sync_copy(contrib_hbm.at[pl.ds(off, CH)], cbuf)
            pltpu.sync_copy(
                row_hbm.at[pl.ds(pl.multiple_of(off // 128, KB), KB)], rbuf)
            for k in range(KB):
                pltpu.sync_copy(cbuf.at[pl.ds(k * 128, 128)],
                                acc.at[rbuf.at[k]], add=True)
        plsc.subcore_barrier()
        pltpu.sync_copy(acc.at[stripe], obuf)
        pltpu.sync_copy(obuf, out_hbm.at[cid].at[stripe])

    return body(contrib, row2d, zeros)


def _sc_dedupe_table(slot, dummy):
    SPW = NSLOT // NW
    ITERS = E // 16

    @functools.partial(
        pl.kernel,
        out_type=jax.ShapeDtypeStruct((NW, 128, 128), jnp.int32),
        mesh=_MESH(),
        scratch_types=[
            pltpu.VMEM((E,), jnp.int32),
            pltpu.VMEM((128, 128), jnp.int32),
        ],
        compiler_params=pltpu.CompilerParams(use_tc_tiling_on_sc=False,
                                             needs_layout_passes=False),
    )
    def body(slot_hbm, dummy_hbm, out_hbm, sbuf, tbl):
        cid = lax.axis_index("c")
        sid = lax.axis_index("s")
        wid = sid * NC + cid
        lo = wid * SPW

        pltpu.sync_copy(dummy_hbm, tbl)
        pltpu.sync_copy(slot_hbm, sbuf)
        iota = lax.iota(jnp.int32, 16)

        def scan_body(i, _):
            for u in range(4):
                s = sbuf[pl.ds((i * 4 + u) * 16, 16)]
                rel = s - lo
                m = (rel >= 0) & (rel < SPW)
                eidv = iota + (i * 4 + u) * 16
                _, last = plsc.scan_count(rel, mask=m)
                plsc.store_scatter(tbl, [lax.shift_right_arithmetic(rel, 7),
                                         rel & 127], eidv, mask=m & last)
            return ()

        lax.fori_loop(0, ITERS // 4, scan_body, ())
        pltpu.sync_copy(tbl, out_hbm.at[wid])

    return body(slot, dummy)



def _edge_body(xi_ref, xj_ref, attr_ref, coeff_ref, wm_ref, wf_ref, bm_ref,
               bf_ref, out_ref):
    xi = xi_ref[...]
    xj = xj_ref[...]
    at = attr_ref[...]
    wm = wm_ref[...]
    wf = wf_ref[...]
    pre_m = (xj @ wm[:D] + at @ wm[D:] + bm_ref[...])
    pre_f = (xi @ wf[:D] + xj @ wf[D:2 * D] + at @ wf[2 * D:] + bf_ref[...])
    msg = jnp.maximum(pre_m, 0.0) * jax.nn.sigmoid(pre_f)
    out_ref[...] = msg * coeff_ref[...]


def _edge_contrib(x_i, x_j, attr, coeff, W_msg, W_fb, b_msg, b_fb):
    CH = 4096
    grid = (E // CH,)
    return pl.pallas_call(
        _edge_body,
        grid=grid,
        in_specs=[
            pl.BlockSpec((CH, D), lambda i: (i, 0)),
            pl.BlockSpec((CH, D), lambda i: (i, 0)),
            pl.BlockSpec((CH, D), lambda i: (i, 0)),
            pl.BlockSpec((CH, 1), lambda i: (i, 0)),
            pl.BlockSpec((2 * D, D), lambda i: (0, 0)),
            pl.BlockSpec((3 * D, D), lambda i: (0, 0)),
            pl.BlockSpec((1, D), lambda i: (0, 0)),
            pl.BlockSpec((1, D), lambda i: (0, 0)),
        ],
        out_specs=pl.BlockSpec((CH, D), lambda i: (i, 0)),
        out_shape=jax.ShapeDtypeStruct((E, D), jnp.float32),
    )(x_i, x_j, attr, coeff, W_msg, W_fb, b_msg.reshape(1, D),
      b_fb.reshape(1, D))


def _eagg_body(adj_ref, x_ref, out_ref):
    out_ref[0] = jnp.dot(adj_ref[0], x_ref[0],
                         preferred_element_type=jnp.float32)


def _boundary_agg(boundary_adj, dense_b):
    return pl.pallas_call(
        _eagg_body,
        grid=(B,),
        in_specs=[
            pl.BlockSpec((1, MMAX, NMAX), lambda b: (b, 0, 0)),
            pl.BlockSpec((1, NMAX, D), lambda b: (b, 0, 0)),
        ],
        out_specs=pl.BlockSpec((1, MMAX, D), lambda b: (b, 0, 0)),
        out_shape=jax.ShapeDtypeStruct((B, MMAX, D), jnp.float32),
    )(boundary_adj, dense_b)


def _mlp_in_kernel(x, params):
    for W, b, g, be in params:
        x = jnp.dot(x, W, preferred_element_type=jnp.float32) + b
        m = jnp.mean(x, axis=0, keepdims=True)
        v = jnp.mean((x - m) ** 2, axis=0, keepdims=True)
        x = (x - m) * jax.lax.rsqrt(v + 1e-5) * g + be
        x = jnp.maximum(x, 0.0)
    return x


def _tail_body(*refs):
    nin_ref, ein_ref = refs[0], refs[1]
    pn = [tuple(r[...] for r in refs[2 + 4 * i:6 + 4 * i]) for i in range(3)]
    pe = [tuple(r[...] for r in refs[14 + 4 * i:18 + 4 * i]) for i in range(3)]
    on_ref, oe_ref = refs[26], refs[27]
    on_ref[...] = _mlp_in_kernel(nin_ref[...], pn)
    oe_ref[...] = _mlp_in_kernel(ein_ref[...], pe)


def _tail(n_in, e_in, Pn, Pe):
    def flat(P):
        out = []
        for i in (1, 2, 3):
            out += [P['W%d' % i], P['b%d' % i].reshape(1, H),
                    P['g%d' % i].reshape(1, H), P['be%d' % i].reshape(1, H)]
        return out

    args = [n_in, e_in] + flat(Pn) + flat(Pe)
    return pl.pallas_call(
        _tail_body,
        out_shape=(jax.ShapeDtypeStruct((N, H), jnp.float32),
                   jax.ShapeDtypeStruct((M, H), jnp.float32)),
    )(*args)



def kernel(n_x, e_x, up_x_i_idx, up_x_j_idx, up_attr, up_adj, up_index_b,
           up_index_i, up_index_j, n_x_idx_b, n_x_idx_n, boundary_adj,
           boundary_attr_idx_b, boundary_attr_idx_n, boundary_attr_mask,
           e_x_idx_b, e_x_idx_m, W_msg, b_msg, W_fb, b_fb, Pn, Pe):
    eb = up_index_b.astype(jnp.int32)
    ei = up_index_i.astype(jnp.int32)
    ej = up_index_j.astype(jnp.int32)
    slot = (eb * NMAX + ei) * NMAX + ej
    row = slot // NMAX

    win = _sc_dedupe_table(slot, jnp.full((128, 128), E, jnp.int32))
    win = win.reshape(-1)
    coeff = jnp.zeros((E + 1,), jnp.float32).at[win].add(
        jnp.where(win < E, up_adj.reshape(-1), 0.0))[:E]

    x_i = n_x[up_x_i_idx]
    x_j = n_x[up_x_j_idx]
    contrib = _edge_contrib(x_i, x_j, up_attr, coeff.reshape(E, 1),
                            W_msg, W_fb, b_msg, b_fb)
    acc = _sc_scatter_add(contrib, row.reshape(E // 128, 128),
                          jnp.zeros((N, D), jnp.float32))
    n_agg = acc[0] + acc[1]

    dense_b = n_x.reshape(B, NMAX, D)
    e_agg = _boundary_agg(boundary_adj, dense_b).reshape(M, D)

    o_n, o_e = _tail(n_agg + n_x, e_agg + e_x, Pn, Pe)
    return (o_n, o_e)

# --- scband reference (transcript-rebuilt; emitter-appended) ---
"""Pipeline reference for scband-mpnnconv-42941083025512 (READ-ONLY COPY).

The authoritative reference and input builder live on the scoring server;
editing this copy changes nothing except your own understanding.
"""

import jax, jax.numpy as jnp
import numpy as np

B, NMAX, MMAX, D, H = 128, 64, 96, 64, 64
N, M, E = B * NMAX, B * MMAX, 65536

def _bn(x, g, b):
    m = x.mean(axis=0)
    v = x.var(axis=0)
    return (x - m) / jnp.sqrt(v + 1e-5) * g + b

def _mlp(x, P):
    for i in (1, 2, 3):
        x = x @ P['W%d' % i] + P['b%d' % i]
        x = _bn(x, P['g%d' % i], P['be%d' % i])
        x = jax.nn.relu(x)
    return x

def setup_inputs(seed: int = 0):
    key = jax.random.key(seed)
    ks = [jax.random.fold_in(key, i) for i in range(40)]
    n_x = jax.random.normal(ks[0], (N, D), jnp.float32)
    e_x = jax.random.normal(ks[1], (M, D), jnp.float32)
    eb = jax.random.randint(ks[2], (E,), 0, B)
    ei = jax.random.randint(ks[3], (E,), 0, NMAX)
    ej = jax.random.randint(ks[4], (E,), 0, NMAX)
    up_x_i_idx = eb * NMAX + ei
    up_x_j_idx = eb * NMAX + ej
    up_attr = jax.random.normal(ks[5], (E, D), jnp.float32)
    up_adj = jax.random.uniform(ks[6], (B, NMAX, NMAX), jnp.float32)
    boundary_adj = jax.random.uniform(ks[7], (B, MMAX, NMAX), jnp.float32)
    n_b = jnp.arange(N, dtype=jnp.int64) // NMAX
    n_n = jnp.arange(N, dtype=jnp.int64) % NMAX
    e_b2 = jnp.arange(M, dtype=jnp.int64) // MMAX
    e_m = jnp.arange(M, dtype=jnp.int64) % MMAX
    mask = jnp.ones((B, NMAX), bool)
    def lin(k, fi, fo):
        return jax.random.normal(k, (fi, fo), jnp.float32) / np.sqrt(fi)
    W_msg = lin(ks[8], 2 * D, D)
    b_msg = jnp.zeros((D,), jnp.float32)
    W_fb = lin(ks[9], 3 * D, D)
    b_fb = jnp.zeros((D,), jnp.float32)
    def mlpp(koff):
        P = {}
        dims = [(D, H), (H, H), (H, H)]
        for i, (fi, fo) in enumerate(dims, 1):
            P['W%d' % i] = lin(ks[koff + i], fi, fo)
            P['b%d' % i] = jnp.zeros((fo,), jnp.float32)
            P['g%d' % i] = jnp.ones((fo,), jnp.float32)
            P['be%d' % i] = jnp.zeros((fo,), jnp.float32)
        return P
    Pn = mlpp(10)
    Pe = mlpp(15)
    return dict(n_x=n_x, e_x=e_x, up_x_i_idx=up_x_i_idx, up_x_j_idx=up_x_j_idx, up_attr=up_attr, up_adj=up_adj, up_index_b=eb, up_index_i=ei, up_index_j=ej, n_x_idx_b=n_b, n_x_idx_n=n_n, boundary_adj=boundary_adj, boundary_attr_idx_b=n_b, boundary_attr_idx_n=n_n, boundary_attr_mask=mask, e_x_idx_b=e_b2, e_x_idx_m=e_m, W_msg=W_msg, b_msg=b_msg, W_fb=W_fb, b_fb=b_fb, Pn=Pn, Pe=Pe)

def reference(n_x, e_x, up_x_i_idx, up_x_j_idx, up_attr, up_adj, up_index_b, up_index_i, up_index_j, n_x_idx_b, n_x_idx_n, boundary_adj, boundary_attr_idx_b, boundary_attr_idx_n, boundary_attr_mask, e_x_idx_b, e_x_idx_m, W_msg, b_msg, W_fb, b_fb, Pn, Pe):
    x_i = n_x[up_x_i_idx]
    x_j = n_x[up_x_j_idx]
    out_n = jax.nn.relu(jnp.concatenate([x_j, up_attr], axis=-1) @ W_msg + b_msg)
    w = jax.nn.sigmoid(jnp.concatenate([x_i, x_j, up_attr], axis=-1) @ W_fb + b_fb)
    out_n = w * out_n
    dense_up = jnp.zeros((B, NMAX, NMAX, D), jnp.float32).at[up_index_b, up_index_i, up_index_j].set(out_n)
    d_out_up = jnp.einsum('bij,bijd->bid', up_adj, dense_up)
    n_agg = d_out_up[n_x_idx_b, n_x_idx_n]
    dense_b = jnp.zeros((B, NMAX, D), jnp.float32).at[boundary_attr_idx_b, boundary_attr_idx_n].set(n_x)
    e_agg = jnp.einsum('bmn,bnd->bmd', boundary_adj, dense_b)[e_x_idx_b, e_x_idx_m]
    n_out = n_agg + 1.0 * n_x
    e_out = e_agg + 1.0 * e_x
    return (_mlp(n_out, Pn), _mlp(e_out, Pe))

if __name__ == "__main__":
    import jax
    _d = setup_inputs()
    print(jax.jit(kernel)(*tuple(_d.values())))

</pallas_src>

<mosaic_0001>
#map = affine_map<(d0, d1) -> (0)>
#map1 = affine_map<(d0, d1) -> (0, 0)>
#map2 = affine_map<(d0, d1) -> (0, 0, 0)>
module attributes {stable_mosaic.version = 14 : i64} {
  func.func @body(%arg0: i32, %arg1: i32, %arg2: memref<65536xi32, #tpu.memory_space<hbm>>, %arg3: memref<128x128xi32, #tpu.memory_space<hbm>>, %arg4: memref<32x128x128xi32, #tpu.memory_space<hbm>>, %arg5: memref<65536xi32, #tpu.memory_space<vmem>>, %arg6: memref<128x128xi32, #tpu.memory_space<vmem>>) attributes {dimension_semantics = [#tpu.dimension_semantics<core_parallel>, #tpu.dimension_semantics<subcore_parallel>], iteration_bounds = array<i64: 2, 16>, scalar_prefetch = 0 : i64, scratch_operands = 2 : i64, tpu.core_type = #tpu.core_type<sc_vector_subcore>, window_params = [{transform_indices = #map}, {transform_indices = #map1}, {transform_indices = #map2}]} {
    %mul3A = arith.constant 2 : i32
    %mul3A_0 = arith.muli %arg1, %mul3A : i32
    %add3A = arith.addi %mul3A_0, %arg0 : i32
    %mul3A_1 = arith.constant 16384 : i32
    %mul3A_2 = arith.muli %add3A, %mul3A_1 : i32
    "tpu.region"() ({
      %run_scoped3A = tpu.sem_alloc : memref<!tpu.dma_semaphore, #tpu.memory_space<semaphore_mem>>
      tpu.enqueue_dma source(%arg3 : memref<128x128xi32, #tpu.memory_space<hbm>>) target(%arg6 : memref<128x128xi32, #tpu.memory_space<vmem>>) target_semaphore(%run_scoped3A : memref<!tpu.dma_semaphore, #tpu.memory_space<semaphore_mem>>)
      tpu.wait_dma2 semaphore(%run_scoped3A : memref<!tpu.dma_semaphore, #tpu.memory_space<semaphore_mem>>) src(%arg3 : memref<128x128xi32, #tpu.memory_space<hbm>>) dst(%arg6 : memref<128x128xi32, #tpu.memory_space<vmem>>)
      tpu.yield
    }) : () -> ()
    "tpu.region"() ({
      %run_scoped3A = tpu.sem_alloc : memref<!tpu.dma_semaphore, #tpu.memory_space<semaphore_mem>>
      tpu.enqueue_dma source(%arg2 : memref<65536xi32, #tpu.memory_space<hbm>>) target(%arg5 : memref<65536xi32, #tpu.memory_space<vmem>>) target_semaphore(%run_scoped3A : memref<!tpu.dma_semaphore, #tpu.memory_space<semaphore_mem>>)
      tpu.wait_dma2 semaphore(%run_scoped3A : memref<!tpu.dma_semaphore, #tpu.memory_space<semaphore_mem>>) src(%arg2 : memref<65536xi32, #tpu.memory_space<hbm>>) dst(%arg5 : memref<65536xi32, #tpu.memory_space<vmem>>)
      tpu.yield
    }) : () -> ()
    %iota3A = tpu.iota {dimensions = array<i32: 0>} : vector<16xi32>
    %scan3A = arith.constant 0 : i32
    %scan3A_3 = arith.constant 1024 : i32
    %scan3A_4 = arith.addi %scan3A, %scan3A_3 : i32
    %scan3A_5 = arith.constant 1 : i32
    scf.for %scan3A_7 = %scan3A to %scan3A_4 step %scan3A_5  : i32 {
      %mul3A_8 = arith.constant 4 : i32
      %mul3A_9 = arith.muli %scan3A_7, %mul3A_8 : i32
      %add3A_10 = arith.constant 0 : i32
      %add3A_11 = arith.addi %mul3A_9, %add3A_10 : i32
      %mul3A_12 = arith.constant 16 : i32
      %mul3A_13 = arith.muli %add3A_11, %mul3A_12 : i32
      %get3A = arith.index_cast %mul3A_13 : i32 to index
      %get3A_14 = tpu.vector_load %arg5[%get3A] {strides = array<i32>} : memref<65536xi32, #tpu.memory_space<vmem>>, vector<16xi32>,
      %sub3A = vector.broadcast %mul3A_2 : i32 to vector<16xi32>
      %sub3A_15 = arith.subi %get3A_14, %sub3A : vector<16xi32>
      %ge3A = arith.constant 0 : i32
      %ge3A_16 = vector.broadcast %ge3A : i32 to vector<16xi32>
      %ge3A_17 = arith.cmpi sge, %sub3A_15, %ge3A_16 : vector<16xi32>
      %lt3A = arith.constant 16384 : i32
      %lt3A_18 = vector.broadcast %lt3A : i32 to vector<16xi32>
      %lt3A_19 = arith.cmpi slt, %sub3A_15, %lt3A_18 : vector<16xi32>
      %and3A = arith.andi %ge3A_17, %lt3A_19 : vector<16xi1>
      %mul3A_20 = arith.constant 4 : i32
      %mul3A_21 = arith.muli %scan3A_7, %mul3A_20 : i32
      %add3A_22 = arith.constant 0 : i32
      %add3A_23 = arith.addi %mul3A_21, %add3A_22 : i32
      %mul3A_24 = arith.constant 16 : i32
      %mul3A_25 = arith.muli %add3A_23, %mul3A_24 : i32
      %add3A_26 = vector.broadcast %mul3A_25 : i32 to vector<16xi32>
      %add3A_27 = arith.addi %iota3A, %add3A_26 : vector<16xi32>
      %unique3A, %unique3A_28 = tpu.scan_count mask(%and3A : vector<16xi1>) value(%sub3A_15 : vector<16xi32>) : vector<16xi1>, vector<16xi32>
      %shift_right_arithmetic3A = arith.constant 7 : i32
      %shift_right_arithmetic3A_29 = vector.broadcast %shift_right_arithmetic3A : i32 to vector<16xi32>
      %shift_right_arithmetic3A_30 = arith.shrsi %sub3A_15, %shift_right_arithmetic3A_29 : vector<16xi32>
      %and3A_31 = arith.constant 127 : i32
      %and3A_32 = vector.broadcast %and3A_31 : i32 to vector<16xi32>
      %and3A_33 = arith.andi %sub3A_15, %and3A_32 : vector<16xi32>
      %and3A_34 = arith.andi %and3A, %unique3A : vector<16xi1>
      tpu.vector_store_idx %arg6[%shift_right_arithmetic3A_30, %and3A_33], %add3A_27 masked %and3A_34 : memref<128x128xi32, #tpu.memory_space<vmem>>[vector<16xi32>, vector<16xi32>], vector<16xi32>, vector<16xi1>
      %mul3A_35 = arith.constant 4 : i32
      %mul3A_36 = arith.muli %scan3A_7, %mul3A_35 : i32
      %add3A_37 = arith.constant 1 : i32
      %add3A_38 = arith.addi %mul3A_36, %add3A_37 : i32
      %mul3A_39 = arith.constant 16 : i32
      %mul3A_40 = arith.muli %add3A_38, %mul3A_39 : i32
      %get3A_41 = arith.index_cast %mul3A_40 : i32 to index
      %get3A_42 = tpu.vector_load %arg5[%get3A_41] {strides = array<i32>} : memref<65536xi32, #tpu.memory_space<vmem>>, vector<16xi32>,
      %sub3A_43 = vector.broadcast %mul3A_2 : i32 to vector<16xi32>
      %sub3A_44 = arith.subi %get3A_42, %sub3A_43 : vector<16xi32>
      %ge3A_45 = arith.constant 0 : i32
      %ge3A_46 = vector.broadcast %ge3A_45 : i32 to vector<16xi32>
      %ge3A_47 = arith.cmpi sge, %sub3A_44, %ge3A_46 : vector<16xi32>
      %lt3A_48 = arith.constant 16384 : i32
      %lt3A_49 = vector.broadcast %lt3A_48 : i32 to vector<16xi32>
      %lt3A_50 = arith.cmpi slt, %sub3A_44, %lt3A_49 : vector<16xi32>
      %and3A_51 = arith.andi %ge3A_47, %lt3A_50 : vector<16xi1>
      %mul3A_52 = arith.constant 4 : i32
      %mul3A_53 = arith.muli %scan3A_7, %mul3A_52 : i32
      %add3A_54 = arith.constant 1 : i32
      %add3A_55 = arith.addi %mul3A_53, %add3A_54 : i32
      %mul3A_56 = arith.constant 16 : i32
      %mul3A_57 = arith.muli %add3A_55, %mul3A_56 : i32
      %add3A_58 = vector.broadcast %mul3A_57 : i32 to vector<16xi32>
      %add3A_59 = arith.addi %iota3A, %add3A_58 : vector<16xi32>
      %unique3A_60, %unique3A_61 = tpu.scan_count mask(%and3A_51 : vector<16xi1>) value(%sub3A_44 : vector<16xi32>) : vector<16xi1>, vector<16xi32>
      %shift_right_arithmetic3A_62 = arith.constant 7 : i32
      %shift_right_arithmetic3A_63 = vector.broadcast %shift_right_arithmetic3A_62 : i32 to vector<16xi32>
      %shift_right_arithmetic3A_64 = arith.shrsi %sub3A_44, %shift_right_arithmetic3A_63 : vector<16xi32>
      %and3A_65 = arith.constant 127 : i32
      %and3A_66 = vector.broadcast %and3A_65 : i32 to vector<16xi32>
      %and3A_67 = arith.andi %sub3A_44, %and3A_66 : vector<16xi32>
      %and3A_68 = arith.andi %and3A_51, %unique3A_60 : vector<16xi1>
      tpu.vector_store_idx %arg6[%shift_right_arithmetic3A_64, %and3A_67], %add3A_59 masked %and3A_68 : memref<128x128xi32, #tpu.memory_space<vmem>>[vector<16xi32>, vector<16xi32>], vector<16xi32>, vector<16xi1>
      %mul3A_69 = arith.constant 4 : i32
      %mul3A_70 = arith.muli %scan3A_7, %mul3A_69 : i32
      %add3A_71 = arith.constant 2 : i32
      %add3A_72 = arith.addi %mul3A_70, %add3A_71 : i32
      %mul3A_73 = arith.constant 16 : i32
      %mul3A_74 = arith.muli %add3A_72, %mul3A_73 : i32
      %get3A_75 = arith.index_cast %mul3A_74 : i32 to index
      %get3A_76 = tpu.vector_load %arg5[%get3A_75] {strides = array<i32>} : memref<65536xi32, #tpu.memory_space<vmem>>, vector<16xi32>,
      %sub3A_77 = vector.broadcast %mul3A_2 : i32 to vector<16xi32>
      %sub3A_78 = arith.subi %get3A_76, %sub3A_77 : vector<16xi32>
      %ge3A_79 = arith.constant 0 : i32
      %ge3A_80 = vector.broadcast %ge3A_79 : i32 to vector<16xi32>
      %ge3A_81 = arith.cmpi sge, %sub3A_78, %ge3A_80 : vector<16xi32>
      %lt3A_82 = arith.constant 16384 : i32
      %lt3A_83 = vector.broadcast %lt3A_82 : i32 to vector<16xi32>
      %lt3A_84 = arith.cmpi slt, %sub3A_78, %lt3A_83 : vector<16xi32>
      %and3A_85 = arith.andi %ge3A_81, %lt3A_84 : vector<16xi1>
      %mul3A_86 = arith.constant 4 : i32
      %mul3A_87 = arith.muli %scan3A_7, %mul3A_86 : i32
      %add3A_88 = arith.constant 2 : i32
      %add3A_89 = arith.addi %mul3A_87, %add3A_88 : i32
      %mul3A_90 = arith.constant 16 : i32
      %mul3A_91 = arith.muli %add3A_89, %mul3A_90 : i32
      %add3A_92 = vector.broadcast %mul3A_91 : i32 to vector<16xi32>
      %add3A_93 = arith.addi %iota3A, %add3A_92 : vector<16xi32>
      %unique3A_94, %unique3A_95 = tpu.scan_count mask(%and3A_85 : vector<16xi1>) value(%sub3A_78 : vector<16xi32>) : vector<16xi1>, vector<16xi32>
      %shift_right_arithmetic3A_96 = arith.constant 7 : i32
      %shift_right_arithmetic3A_97 = vector.broadcast %shift_right_arithmetic3A_96 : i32 to vector<16xi32>
      %shift_right_arithmetic3A_98 = arith.shrsi %sub3A_78, %shift_right_arithmetic3A_97 : vector<16xi32>
      %and3A_99 = arith.constant 127 : i32
      %and3A_100 = vector.broadcast %and3A_99 : i32 to vector<16xi32>
      %and3A_101 = arith.andi %sub3A_78, %and3A_100 : vector<16xi32>
      %and3A_102 = arith.andi %and3A_85, %unique3A_94 : vector<16xi1>
      tpu.vector_store_idx %arg6[%shift_right_arithmetic3A_98, %and3A_101], %add3A_93 masked %and3A_102 : memref<128x128xi32, #tpu.memory_space<vmem>>[vector<16xi32>, vector<16xi32>], vector<16xi32>, vector<16xi1>
      %mul3A_103 = arith.constant 4 : i32
      %mul3A_104 = arith.muli %scan3A_7, %mul3A_103 : i32
      %add3A_105 = arith.constant 3 : i32
      %add3A_106 = arith.addi %mul3A_104, %add3A_105 : i32
      %mul3A_107 = arith.constant 16 : i32
      %mul3A_108 = arith.muli %add3A_106, %mul3A_107 : i32
      %get3A_109 = arith.index_cast %mul3A_108 : i32 to index
      %get3A_110 = tpu.vector_load %arg5[%get3A_109] {strides = array<i32>} : memref<65536xi32, #tpu.memory_space<vmem>>, vector<16xi32>,
      %sub3A_111 = vector.broadcast %mul3A_2 : i32 to vector<16xi32>
      %sub3A_112 = arith.subi %get3A_110, %sub3A_111 : vector<16xi32>
      %ge3A_113 = arith.constant 0 : i32
      %ge3A_114 = vector.broadcast %ge3A_113 : i32 to vector<16xi32>
      %ge3A_115 = arith.cmpi sge, %sub3A_112, %ge3A_114 : vector<16xi32>
      %lt3A_116 = arith.constant 16384 : i32
      %lt3A_117 = vector.broadcast %lt3A_116 : i32 to vector<16xi32>
      %lt3A_118 = arith.cmpi slt, %sub3A_112, %lt3A_117 : vector<16xi32>
      %and3A_119 = arith.andi %ge3A_115, %lt3A_118 : vector<16xi1>
      %mul3A_120 = arith.constant 4 : i32
      %mul3A_121 = arith.muli %scan3A_7, %mul3A_120 : i32
      %add3A_122 = arith.constant 3 : i32
      %add3A_123 = arith.addi %mul3A_121, %add3A_122 : i32
      %mul3A_124 = arith.constant 16 : i32
      %mul3A_125 = arith.muli %add3A_123, %mul3A_124 : i32
      %add3A_126 = vector.broadcast %mul3A_125 : i32 to vector<16xi32>
      %add3A_127 = arith.addi %iota3A, %add3A_126 : vector<16xi32>
      %unique3A_128, %unique3A_129 = tpu.scan_count mask(%and3A_119 : vector<16xi1>) value(%sub3A_112 : vector<16xi32>) : vector<16xi1>, vector<16xi32>
      %shift_right_arithmetic3A_130 = arith.constant 7 : i32
      %shift_right_arithmetic3A_131 = vector.broadcast %shift_right_arithmetic3A_130 : i32 to vector<16xi32>
      %shift_right_arithmetic3A_132 = arith.shrsi %sub3A_112, %shift_right_arithmetic3A_131 : vector<16xi32>
      %and3A_133 = arith.constant 127 : i32
      %and3A_134 = vector.broadcast %and3A_133 : i32 to vector<16xi32>
      %and3A_135 = arith.andi %sub3A_112, %and3A_134 : vector<16xi32>
      %and3A_136 = arith.andi %and3A_119, %unique3A_128 : vector<16xi1>
      tpu.vector_store_idx %arg6[%shift_right_arithmetic3A_132, %and3A_135], %add3A_127 masked %and3A_136 : memref<128x128xi32, #tpu.memory_space<vmem>>[vector<16xi32>, vector<16xi32>], vector<16xi32>, vector<16xi1>
    }
    %scan3A_6 = arith.constant 1024 : i32
    "tpu.region"() ({
      %run_scoped3A = tpu.sem_alloc : memref<!tpu.dma_semaphore, #tpu.memory_space<semaphore_mem>>
      %dma_start3A = arith.constant 0 : i32
      %dma_start3A_7 = arith.constant 0 : i32
      %dma_start3A_8 = tpu.memref_slice %arg4[%add3A, %dma_start3A, %dma_start3A_7] : memref<32x128x128xi32, #tpu.memory_space<hbm>> -> memref<1x128x128xi32, #tpu.memory_space<hbm>>
      %dma_start3A_9 = tpu.memref_squeeze %dma_start3A_8 : memref<1x128x128xi32, #tpu.memory_space<hbm>> -> memref<128x128xi32, #tpu.memory_space<hbm>>
      %dma_start3A_10 = arith.constant 0 : i32
      %dma_start3A_11 = arith.constant 0 : i32
      %dma_start3A_12 = tpu.memref_slice %arg4[%add3A, %dma_start3A_10, %dma_start3A_11] : memref<32x128x128xi32, #tpu.memory_space<hbm>> -> memref<1x128x128xi32, #tpu.memory_space<hbm>>
      %dma_start3A_13 = tpu.memref_squeeze %dma_start3A_12 : memref<1x128x128xi32, #tpu.memory_space<hbm>> -> memref<128x128xi32, #tpu.memory_space<hbm>>
      tpu.enqueue_dma source(%arg6 : memref<128x128xi32, #tpu.memory_space<vmem>>) target(%dma_start3A_13 : memref<128x128xi32, #tpu.memory_space<hbm>>) target_semaphore(%run_scoped3A : memref<!tpu.dma_semaphore, #tpu.memory_space<semaphore_mem>>)
      %dma_wait3A = arith.constant 0 : i32
      %dma_wait3A_14 = arith.constant 0 : i32
      %dma_wait3A_15 = tpu.memref_slice %arg4[%add3A, %dma_wait3A, %dma_wait3A_14] : memref<32x128x128xi32, #tpu.memory_space<hbm>> -> memref<1x128x128xi32, #tpu.memory_space<hbm>>
      %dma_wait3A_16 = tpu.memref_squeeze %dma_wait3A_15 : memref<1x128x128xi32, #tpu.memory_space<hbm>> -> memref<128x128xi32, #tpu.memory_space<hbm>>
      %dma_wait3A_17 = arith.constant 0 : i32
      %dma_wait3A_18 = arith.constant 0 : i32
      %dma_wait3A_19 = tpu.memref_slice %arg4[%add3A, %dma_wait3A_17, %dma_wait3A_18] : memref<32x128x128xi32, #tpu.memory_space<hbm>> -> memref<1x128x128xi32, #tpu.memory_space<hbm>>
      %dma_wait3A_20 = tpu.memref_squeeze %dma_wait3A_19 : memref<1x128x128xi32, #tpu.memory_space<hbm>> -> memref<128x128xi32, #tpu.memory_space<hbm>>
      tpu.wait_dma2 semaphore(%run_scoped3A : memref<!tpu.dma_semaphore, #tpu.memory_space<semaphore_mem>>) src(%arg6 : memref<128x128xi32, #tpu.memory_space<vmem>>) dst(%dma_wait3A_20 : memref<128x128xi32, #tpu.memory_space<hbm>>)
      tpu.yield
    }) : () -> ()
    return
  }
}

#map = affine_map<(d0, d1) -> (0, 0)>
#map1 = affine_map<(d0, d1) -> (0, 0, 0)>
module attributes {stable_mosaic.version = 14 : i64} {
  func.func @body(%arg0: i32, %arg1: i32, %arg2: memref<65536x64xf32, #tpu.memory_space<hbm>>, %arg3: memref<512x128xi32, #tpu.memory_space<hbm>>, %arg4: memref<8192x64xf32, #tpu.memory_space<hbm>>, %arg5: memref<2x8192x64xf32, #tpu.memory_space<hbm>>, %arg6: memref<512x64xf32, #tpu.memory_space<vmem>>, %arg7: memref<4x128xi32, #tpu.memory_space<vmem>>, %arg8: memref<8192x64xf32, #tpu.memory_space<vmem_shared>>, %arg9: memref<512x64xf32, #tpu.memory_space<vmem>>) attributes {dimension_semantics = [#tpu.dimension_semantics<core_parallel>, #tpu.dimension_semantics<subcore_parallel>], iteration_bounds = array<i64: 2, 16>, scalar_prefetch = 0 : i64, scratch_operands = 4 : i64, tpu.core_type = #tpu.core_type<sc_vector_subcore>, window_params = [{transform_indices = #map}, {transform_indices = #map}, {transform_indices = #map}, {transform_indices = #map1}]} {
    %mul3A = arith.constant 2 : i32
    %mul3A_0 = arith.muli %arg1, %mul3A : i32
    %add3A = arith.addi %mul3A_0, %arg0 : i32
    %mul3A_1 = arith.constant 512 : i32
    %mul3A_2 = arith.muli %arg1, %mul3A_1 : i32
    "tpu.region"() ({
      %run_scoped3A_130 = tpu.sem_alloc : memref<!tpu.dma_semaphore, #tpu.memory_space<semaphore_mem>>
      %dma_start3A = arith.constant 0 : i32
      %dma_start3A_131 = tpu.memref_slice %arg4[%mul3A_2, %dma_start3A] : memref<8192x64xf32, #tpu.memory_space<hbm>> -> memref<512x64xf32, #tpu.memory_space<hbm>>
      %dma_start3A_132 = arith.constant 0 : i32
      %dma_start3A_133 = tpu.memref_slice %arg4[%mul3A_2, %dma_start3A_132] : memref<8192x64xf32, #tpu.memory_space<hbm>> -> memref<512x64xf32, #tpu.memory_space<hbm>>
      tpu.enqueue_dma source(%dma_start3A_133 : memref<512x64xf32, #tpu.memory_space<hbm>>) target(%arg6 : memref<512x64xf32, #tpu.memory_space<vmem>>) target_semaphore(%run_scoped3A_130 : memref<!tpu.dma_semaphore, #tpu.memory_space<semaphore_mem>>)
      %dma_wait3A = arith.constant 0 : i32
      %dma_wait3A_134 = tpu.memref_slice %arg4[%mul3A_2, %dma_wait3A] : memref<8192x64xf32, #tpu.memory_space<hbm>> -> memref<512x64xf32, #tpu.memory_space<hbm>>
      %dma_wait3A_135 = arith.constant 0 : i32
      %dma_wait3A_136 = tpu.memref_slice %arg4[%mul3A_2, %dma_wait3A_135] : memref<8192x64xf32, #tpu.memory_space<hbm>> -> memref<512x64xf32, #tpu.memory_space<hbm>>
      tpu.wait_dma2 semaphore(%run_scoped3A_130 : memref<!tpu.dma_semaphore, #tpu.memory_space<semaphore_mem>>) src(%dma_wait3A_136 : memref<512x64xf32, #tpu.memory_space<hbm>>) dst(%arg6 : memref<512x64xf32, #tpu.memory_space<vmem>>)
      tpu.yield
    }) : () -> ()
    "tpu.region"() ({
      %run_scoped3A_130 = tpu.sem_alloc : memref<!tpu.dma_semaphore, #tpu.memory_space<semaphore_mem>>
      %dma_start3A = arith.constant 0 : i32
      %dma_start3A_131 = tpu.memref_slice %arg8[%mul3A_2, %dma_start3A] : memref<8192x64xf32, #tpu.memory_space<vmem_shared>> -> memref<512x64xf32, #tpu.memory_space<vmem_shared>>
      %dma_start3A_132 = arith.constant 0 : i32
      %dma_start3A_133 = tpu.memref_slice %arg8[%mul3A_2, %dma_start3A_132] : memref<8192x64xf32, #tpu.memory_space<vmem_shared>> -> memref<512x64xf32, #tpu.memory_space<vmem_shared>>
      tpu.enqueue_dma source(%arg6 : memref<512x64xf32, #tpu.memory_space<vmem>>) target(%dma_start3A_133 : memref<512x64xf32, #tpu.memory_space<vmem_shared>>) target_semaphore(%run_scoped3A_130 : memref<!tpu.dma_semaphore, #tpu.memory_space<semaphore_mem>>)
      %dma_wait3A = arith.constant 0 : i32
      %dma_wait3A_134 = tpu.memref_slice %arg8[%mul3A_2, %dma_wait3A] : memref<8192x64xf32, #tpu.memory_space<vmem_shared>> -> memref<512x64xf32, #tpu.memory_space<vmem_shared>>
      %dma_wait3A_135 = arith.constant 0 : i32
      %dma_wait3A_136 = tpu.memref_slice %arg8[%mul3A_2, %dma_wait3A_135] : memref<8192x64xf32, #tpu.memory_space<vmem_shared>> -> memref<512x64xf32, #tpu.memory_space<vmem_shared>>
      tpu.wait_dma2 semaphore(%run_scoped3A_130 : memref<!tpu.dma_semaphore, #tpu.memory_space<semaphore_mem>>) src(%arg6 : memref<512x64xf32, #tpu.memory_space<vmem>>) dst(%dma_wait3A_136 : memref<512x64xf32, #tpu.memory_space<vmem_shared>>)
      tpu.yield
    }) : () -> ()
    %barrier3A = arith.constant 0 : index
    tpu.barrier barrier_id(%barrier3A)
    %mul3A_3 = arith.constant 2048 : i32
    %mul3A_4 = arith.muli %add3A, %mul3A_3 : i32
    %add3A_5 = arith.constant 0 : i32
    %add3A_6 = arith.addi %mul3A_4, %add3A_5 : i32
    %multiple_of3A = tpu.assume_multiple %add3A_6, 512 : i32
    "tpu.region"() ({
      %run_scoped3A_130 = tpu.sem_alloc : memref<!tpu.dma_semaphore, #tpu.memory_space<semaphore_mem>>
      %dma_start3A = arith.constant 0 : i32
      %dma_start3A_131 = tpu.memref_slice %arg2[%multiple_of3A, %dma_start3A] : memref<65536x64xf32, #tpu.memory_space<hbm>> -> memref<512x64xf32, #tpu.memory_space<hbm>>
      %dma_start3A_132 = arith.constant 0 : i32
      %dma_start3A_133 = tpu.memref_slice %arg2[%multiple_of3A, %dma_start3A_132] : memref<65536x64xf32, #tpu.memory_space<hbm>> -> memref<512x64xf32, #tpu.memory_space<hbm>>
      tpu.enqueue_dma source(%dma_start3A_133 : memref<512x64xf32, #tpu.memory_space<hbm>>) target(%arg6 : memref<512x64xf32, #tpu.memory_space<vmem>>) target_semaphore(%run_scoped3A_130 : memref<!tpu.dma_semaphore, #tpu.memory_space<semaphore_mem>>)
      %dma_wait3A = arith.constant 0 : i32
      %dma_wait3A_134 = tpu.memref_slice %arg2[%multiple_of3A, %dma_wait3A] : memref<65536x64xf32, #tpu.memory_space<hbm>> -> memref<512x64xf32, #tpu.memory_space<hbm>>
      %dma_wait3A_135 = arith.constant 0 : i32
      %dma_wait3A_136 = tpu.memref_slice %arg2[%multiple_of3A, %dma_wait3A_135] : memref<65536x64xf32, #tpu.memory_space<hbm>> -> memref<512x64xf32, #tpu.memory_space<hbm>>
      tpu.wait_dma2 semaphore(%run_scoped3A_130 : memref<!tpu.dma_semaphore, #tpu.memory_space<semaphore_mem>>) src(%dma_wait3A_136 : memref<512x64xf32, #tpu.memory_space<hbm>>) dst(%arg6 : memref<512x64xf32, #tpu.memory_space<vmem>>)
      tpu.yield
    }) : () -> ()
    %jit3A = arith.constant 128 : i32
    %div3A = arith.divsi %multiple_of3A, %jit3A : i32
    %sign3A = arith.constant 0 : i32
    %sign3A_7 = arith.cmpi sgt, %multiple_of3A, %sign3A : i32
    %sign3A_8 = arith.extui %sign3A_7 : i1 to i32
    %sign3A_9 = arith.constant 0 : i32
    %sign3A_10 = arith.cmpi slt, %multiple_of3A, %sign3A_9 : i32
    %sign3A_11 = arith.extui %sign3A_10 : i1 to i32
    %sign3A_12 = arith.subi %sign3A_8, %sign3A_11 : i32
    %sign3A_13 = arith.constant 0 : i32
    %sign3A_14 = arith.cmpi sgt, %jit3A, %sign3A_13 : i32
    %sign3A_15 = arith.extui %sign3A_14 : i1 to i32
    %sign3A_16 = arith.constant 0 : i32
    %sign3A_17 = arith.cmpi slt, %jit3A, %sign3A_16 : i32
    %sign3A_18 = arith.extui %sign3A_17 : i1 to i32
    %sign3A_19 = arith.subi %sign3A_15, %sign3A_18 : i32
    %ne3A = arith.cmpi ne, %sign3A_12, %sign3A_19 : i32
    %rem3A = arith.remsi %multiple_of3A, %jit3A : i32
    %ne3A_20 = arith.constant 0 : i32
    %ne3A_21 = arith.cmpi ne, %rem3A, %ne3A_20 : i32
    %and3A = arith.andi %ne3A, %ne3A_21 : i1
    %sub3A = arith.constant 1 : i32
    %sub3A_22 = arith.subi %div3A, %sub3A : i32
    %select_n3A = arith.select %and3A, %sub3A_22, %div3A : i32
    %multiple_of3A_23 = tpu.assume_multiple %select_n3A, 4 : i32
    "tpu.region"() ({
      %run_scoped3A_130 = tpu.sem_alloc : memref<!tpu.dma_semaphore, #tpu.memory_space<semaphore_mem>>
      %dma_start3A = arith.constant 0 : i32
      %dma_start3A_131 = tpu.memref_slice %arg3[%multiple_of3A_23, %dma_start3A] : memref<512x128xi32, #tpu.memory_space<hbm>> -> memref<4x128xi32, #tpu.memory_space<hbm>>
      %dma_start3A_132 = arith.constant 0 : i32
      %dma_start3A_133 = tpu.memref_slice %arg3[%multiple_of3A_23, %dma_start3A_132] : memref<512x128xi32, #tpu.memory_space<hbm>> -> memref<4x128xi32, #tpu.memory_space<hbm>>
      tpu.enqueue_dma source(%dma_start3A_133 : memref<4x128xi32, #tpu.memory_space<hbm>>) target(%arg7 : memref<4x128xi32, #tpu.memory_space<vmem>>) target_semaphore(%run_scoped3A_130 : memref<!tpu.dma_semaphore, #tpu.memory_space<semaphore_mem>>)
      %dma_wait3A = arith.constant 0 : i32
      %dma_wait3A_134 = tpu.memref_slice %arg3[%multiple_of3A_23, %dma_wait3A] : memref<512x128xi32, #tpu.memory_space<hbm>> -> memref<4x128xi32, #tpu.memory_space<hbm>>
      %dma_wait3A_135 = arith.constant 0 : i32
      %dma_wait3A_136 = tpu.memref_slice %arg3[%multiple_of3A_23, %dma_wait3A_135] : memref<512x128xi32, #tpu.memory_space<hbm>> -> memref<4x128xi32, #tpu.memory_space<hbm>>
      tpu.wait_dma2 semaphore(%run_scoped3A_130 : memref<!tpu.dma_semaphore, #tpu.memory_space<semaphore_mem>>) src(%dma_wait3A_136 : memref<4x128xi32, #tpu.memory_space<hbm>>) dst(%arg7 : memref<4x128xi32, #tpu.memory_space<vmem>>)
      tpu.yield
    }) : () -> ()
    %run_scoped3A = arith.constant 0 : i32
    "tpu.region"() ({
      %run_scoped3A_130 = tpu.sem_alloc : memref<!tpu.dma_semaphore, #tpu.memory_space<semaphore_mem>>
      %dma_start3A = arith.constant 0 : i32
      %dma_start3A_131 = arith.constant 0 : i32
      %dma_start3A_132 = tpu.memref_slice %arg6[%dma_start3A, %dma_start3A_131] : memref<512x64xf32, #tpu.memory_space<vmem>> -> memref<128x64xf32, #tpu.memory_space<vmem>>
      %dma_start3A_133 = arith.constant 0 : i32
      %dma_start3A_134 = tpu.memref_slice %arg7[%run_scoped3A, %dma_start3A_133] : memref<4x128xi32, #tpu.memory_space<vmem>> -> memref<1x128xi32, #tpu.memory_space<vmem>>
      %dma_start3A_135 = tpu.memref_squeeze %dma_start3A_134 : memref<1x128xi32, #tpu.memory_space<vmem>> -> memref<128xi32, #tpu.memory_space<vmem>>
      %dma_start3A_136 = arith.constant 0 : i32
      %dma_start3A_137 = arith.constant 0 : i32
      %dma_start3A_138 = tpu.memref_slice %arg8[%dma_start3A_136, %dma_start3A_137] : memref<8192x64xf32, #tpu.memory_space<vmem_shared>> -> memref<8192x64xf32, #tpu.memory_space<vmem_shared>>
      tpu.enqueue_indirect_dma source(%dma_start3A_132 : memref<128x64xf32, #tpu.memory_space<vmem>>) target(%dma_start3A_138 : memref<8192x64xf32, #tpu.memory_space<vmem_shared>>) offsets(%dma_start3A_135 : memref<128xi32, #tpu.memory_space<vmem>>) semaphore(%run_scoped3A_130 : memref<!tpu.dma_semaphore, #tpu.memory_space<semaphore_mem>>) {add = true}
      %dma_wait3A = arith.constant 0 : i32
      %dma_wait3A_139 = arith.constant 0 : i32
      %dma_wait3A_140 = tpu.memref_slice %arg6[%dma_wait3A, %dma_wait3A_139] : memref<512x64xf32, #tpu.memory_space<vmem>> -> memref<128x64xf32, #tpu.memory_space<vmem>>
      %dma_wait3A_141 = arith.constant 0 : i32
      %dma_wait3A_142 = tpu.memref_slice %arg7[%run_scoped3A, %dma_wait3A_141] : memref<4x128xi32, #tpu.memory_space<vmem>> -> memref<1x128xi32, #tpu.memory_space<vmem>>
      %dma_wait3A_143 = tpu.memref_squeeze %dma_wait3A_142 : memref<1x128xi32, #tpu.memory_space<vmem>> -> memref<128xi32, #tpu.memory_space<vmem>>
      %dma_wait3A_144 = arith.constant 0 : i32
      %dma_wait3A_145 = arith.constant 0 : i32
      %dma_wait3A_146 = tpu.memref_slice %arg8[%dma_wait3A_144, %dma_wait3A_145] : memref<8192x64xf32, #tpu.memory_space<vmem_shared>> -> memref<8192x64xf32, #tpu.memory_space<vmem_shared>>
      tpu.wait_indirect_dma semaphore(%run_scoped3A_130 : memref<!tpu.dma_semaphore, #tpu.memory_space<semaphore_mem>>) src(%dma_wait3A_140 : memref<128x64xf32, #tpu.memory_space<vmem>>) dst(%dma_wait3A_146 : memref<8192x64xf32, #tpu.memory_space<vmem_shared>>)
      tpu.yield
    }) : () -> ()
    %run_scoped3A_24 = arith.constant 1 : i32
    "tpu.region"() ({
      %run_scoped3A_130 = tpu.sem_alloc : memref<!tpu.dma_semaphore, #tpu.memory_space<semaphore_mem>>
      %dma_start3A = arith.constant 128 : i32
      %dma_start3A_131 = arith.constant 0 : i32
      %dma_start3A_132 = tpu.memref_slice %arg6[%dma_start3A, %dma_start3A_131] : memref<512x64xf32, #tpu.memory_space<vmem>> -> memref<128x64xf32, #tpu.memory_space<vmem>>
      %dma_start3A_133 = arith.constant 0 : i32
      %dma_start3A_134 = tpu.memref_slice %arg7[%run_scoped3A_24, %dma_start3A_133] : memref<4x128xi32, #tpu.memory_space<vmem>> -> memref<1x128xi32, #tpu.memory_space<vmem>>
      %dma_start3A_135 = tpu.memref_squeeze %dma_start3A_134 : memref<1x128xi32, #tpu.memory_space<vmem>> -> memref<128xi32, #tpu.memory_space<vmem>>
      %dma_start3A_136 = arith.constant 0 : i32
      %dma_start3A_137 = arith.constant 0 : i32
      %dma_start3A_138 = tpu.memref_slice %arg8[%dma_start3A_136, %dma_start3A_137] : memref<8192x64xf32, #tpu.memory_space<vmem_shared>> -> memref<8192x64xf32, #tpu.memory_space<vmem_shared>>
      tpu.enqueue_indirect_dma source(%dma_start3A_132 : memref<128x64xf32, #tpu.memory_space<vmem>>) target(%dma_start3A_138 : memref<8192x64xf32, #tpu.memory_space<vmem_shared>>) offsets(%dma_start3A_135 : memref<128xi32, #tpu.memory_space<vmem>>) semaphore(%run_scoped3A_130 : memref<!tpu.dma_semaphore, #tpu.memory_space<semaphore_mem>>) {add = true}
      %dma_wait3A = arith.constant 128 : i32
      %dma_wait3A_139 = arith.constant 0 : i32
      %dma_wait3A_140 = tpu.memref_slice %arg6[%dma_wait3A, %dma_wait3A_139] : memref<512x64xf32, #tpu.memory_space<vmem>> -> memref<128x64xf32, #tpu.memory_space<vmem>>
      %dma_wait3A_141 = arith.constant 0 : i32
      %dma_wait3A_142 = tpu.memref_slice %arg7[%run_scoped3A_24, %dma_wait3A_141] : memref<4x128xi32, #tpu.memory_space<vmem>> -> memref<1x128xi32, #tpu.memory_space<vmem>>
      %dma_wait3A_143 = tpu.memref_squeeze %dma_wait3A_142 : memref<1x128xi32, #tpu.memory_space<vmem>> -> memref<128xi32, #tpu.memory_space<vmem>>
      %dma_wait3A_144 = arith.constant 0 : i32
      %dma_wait3A_145 = arith.constant 0 : i32
      %dma_wait3A_146 = tpu.memref_slice %arg8[%dma_wait3A_144, %dma_wait3A_145] : memref<8192x64xf32, #tpu.memory_space<vmem_shared>> -> memref<8192x64xf32, #tpu.memory_space<vmem_shared>>
      tpu.wait_indirect_dma semaphore(%run_scoped3A_130 : memref<!tpu.dma_semaphore, #tpu.memory_space<semaphore_mem>>) src(%dma_wait3A_140 : memref<128x64xf32, #tpu.memory_space<vmem>>) dst(%dma_wait3A_146 : memref<8192x64xf32, #tpu.memory_space<vmem_shared>>)
      tpu.yield
    }) : () -> ()
    %run_scoped3A_25 = arith.constant 2 : i32
    "tpu.region"() ({
      %run_scoped3A_130 = tpu.sem_alloc : memref<!tpu.dma_semaphore, #tpu.memory_space<semaphore_mem>>
      %dma_start3A = arith.constant 256 : i32
      %dma_start3A_131 = arith.constant 0 : i32
      %dma_start3A_132 = tpu.memref_slice %arg6[%dma_start3A, %dma_start3A_131] : memref<512x64xf32, #tpu.memory_space<vmem>> -> memref<128x64xf32, #tpu.memory_space<vmem>>
      %dma_start3A_133 = arith.constant 0 : i32
      %dma_start3A_134 = tpu.memref_slice %arg7[%run_scoped3A_25, %dma_start3A_133] : memref<4x128xi32, #tpu.memory_space<vmem>> -> memref<1x128xi32, #tpu.memory_space<vmem>>
      %dma_start3A_135 = tpu.memref_squeeze %dma_start3A_134 : memref<1x128xi32, #tpu.memory_space<vmem>> -> memref<128xi32, #tpu.memory_space<vmem>>
      %dma_start3A_136 = arith.constant 0 : i32
      %dma_start3A_137 = arith.constant 0 : i32
      %dma_start3A_138 = tpu.memref_slice %arg8[%dma_start3A_136, %dma_start3A_137] : memref<8192x64xf32, #tpu.memory_space<vmem_shared>> -> memref<8192x64xf32, #tpu.memory_space<vmem_shared>>
      tpu.enqueue_indirect_dma source(%dma_start3A_132 : memref<128x64xf32, #tpu.memory_space<vmem>>) target(%dma_start3A_138 : memref<8192x64xf32, #tpu.memory_space<vmem_shared>>) offsets(%dma_start3A_135 : memref<128xi32, #tpu.memory_space<vmem>>) semaphore(%run_scoped3A_130 : memref<!tpu.dma_semaphore, #tpu.memory_space<semaphore_mem>>) {add = true}
      %dma_wait3A = arith.constant 256 : i32
      %dma_wait3A_139 = arith.constant 0 : i32
      %dma_wait3A_140 = tpu.memref_slice %arg6[%dma_wait3A, %dma_wait3A_139] : memref<512x64xf32, #tpu.memory_space<vmem>> -> memref<128x64xf32, #tpu.memory_space<vmem>>
      %dma_wait3A_141 = arith.constant 0 : i32
      %dma_wait3A_142 = tpu.memref_slice %arg7[%run_scoped3A_25, %dma_wait3A_141] : memref<4x128xi32, #tpu.memory_space<vmem>> -> memref<1x128xi32, #tpu.memory_space<vmem>>
      %dma_wait3A_143 = tpu.memref_squeeze %dma_wait3A_142 : memref<1x128xi32, #tpu.memory_space<vmem>> -> memref<128xi32, #tpu.memory_space<vmem>>
      %dma_wait3A_144 = arith.constant 0 : i32
      %dma_wait3A_145 = arith.constant 0 : i32
      %dma_wait3A_146 = tpu.memref_slice %arg8[%dma_wait3A_144, %dma_wait3A_145] : memref<8192x64xf32, #tpu.memory_space<vmem_shared>> -> memref<8192x64xf32, #tpu.memory_space<vmem_shared>>
      tpu.wait_indirect_dma semaphore(%run_scoped3A_130 : memref<!tpu.dma_semaphore, #tpu.memory_space<semaphore_mem>>) src(%dma_wait3A_140 : memref<128x64xf32, #tpu.memory_space<vmem>>) dst(%dma_wait3A_146 : memref<8192x64xf32, #tpu.memory_space<vmem_shared>>)
      tpu.yield
    }) : () -> ()
    %run_scoped3A_26 = arith.constant 3 : i32
    "tpu.region"() ({
      %run_scoped3A_130 = tpu.sem_alloc : memref<!tpu.dma_semaphore, #tpu.memory_space<semaphore_mem>>
      %dma_start3A = arith.constant 384 : i32
      %dma_start3A_131 = arith.constant 0 : i32
      %dma_start3A_132 = tpu.memref_slice %arg6[%dma_start3A, %dma_start3A_131] : memref<512x64xf32, #tpu.memory_space<vmem>> -> memref<128x64xf32, #tpu.memory_space<vmem>>
      %dma_start3A_133 = arith.constant 0 : i32
      %dma_start3A_134 = tpu.memref_slice %arg7[%run_scoped3A_26, %dma_start3A_133] : memref<4x128xi32, #tpu.memory_space<vmem>> -> memref<1x128xi32, #tpu.memory_space<vmem>>
      %dma_start3A_135 = tpu.memref_squeeze %dma_start3A_134 : memref<1x128xi32, #tpu.memory_space<vmem>> -> memref<128xi32, #tpu.memory_space<vmem>>
      %dma_start3A_136 = arith.constant 0 : i32
      %dma_start3A_137 = arith.constant 0 : i32
      %dma_start3A_138 = tpu.memref_slice %arg8[%dma_start3A_136, %dma_start3A_137] : memref<8192x64xf32, #tpu.memory_space<vmem_shared>> -> memref<8192x64xf32, #tpu.memory_space<vmem_shared>>
      tpu.enqueue_indirect_dma source(%dma_start3A_132 : memref<128x64xf32, #tpu.memory_space<vmem>>) target(%dma_start3A_138 : memref<8192x64xf32, #tpu.memory_space<vmem_shared>>) offsets(%dma_start3A_135 : memref<128xi32, #tpu.memory_space<vmem>>) semaphore(%run_scoped3A_130 : memref<!tpu.dma_semaphore, #tpu.memory_space<semaphore_mem>>) {add = true}
      %dma_wait3A = arith.constant 384 : i32
      %dma_wait3A_139 = arith.constant 0 : i32
      %dma_wait3A_140 = tpu.memref_slice %arg6[%dma_wait3A, %dma_wait3A_139] : memref<512x64xf32, #tpu.memory_space<vmem>> -> memref<128x64xf32, #tpu.memory_space<vmem>>
      %dma_wait3A_141 = arith.constant 0 : i32
      %dma_wait3A_142 = tpu.memref_slice %arg7[%run_scoped3A_26, %dma_wait3A_141] : memref<4x128xi32, #tpu.memory_space<vmem>> -> memref<1x128xi32, #tpu.memory_space<vmem>>
      %dma_wait3A_143 = tpu.memref_squeeze %dma_wait3A_142 : memref<1x128xi32, #tpu.memory_space<vmem>> -> memref<128xi32, #tpu.memory_space<vmem>>
      %dma_wait3A_144 = arith.constant 0 : i32
      %dma_wait3A_145 = arith.constant 0 : i32
      %dma_wait3A_146 = tpu.memref_slice %arg8[%dma_wait3A_144, %dma_wait3A_145] : memref<8192x64xf32, #tpu.memory_space<vmem_shared>> -> memref<8192x64xf32, #tpu.memory_space<vmem_shared>>
      tpu.wait_indirect_dma semaphore(%run_scoped3A_130 : memref<!tpu.dma_semaphore, #tpu.memory_space<semaphore_mem>>) src(%dma_wait3A_140 : memref<128x64xf32, #tpu.memory_space<vmem>>) dst(%dma_wait3A_146 : memref<8192x64xf32, #tpu.memory_space<vmem_shared>>)
      tpu.yield
    }) : () -> ()
    %mul3A_27 = arith.constant 2048 : i32
    %mul3A_28 = arith.muli %add3A, %mul3A_27 : i32
    %add3A_29 = arith.constant 512 : i32
    %add3A_30 = arith.addi %mul3A_28, %add3A_29 : i32
    %multiple_of3A_31 = tpu.assume_multiple %add3A_30, 512 : i32
    "tpu.region"() ({
      %run_scoped3A_130 = tpu.sem_alloc : memref<!tpu.dma_semaphore, #tpu.memory_space<semaphore_mem>>
      %dma_start3A = arith.constant 0 : i32
      %dma_start3A_131 = tpu.memref_slice %arg2[%multiple_of3A_31, %dma_start3A] : memref<65536x64xf32, #tpu.memory_space<hbm>> -> memref<512x64xf32, #tpu.memory_space<hbm>>
      %dma_start3A_132 = arith.constant 0 : i32
      %dma_start3A_133 = tpu.memref_slice %arg2[%multiple_of3A_31, %dma_start3A_132] : memref<65536x64xf32, #tpu.memory_space<hbm>> -> memref<512x64xf32, #tpu.memory_space<hbm>>
      tpu.enqueue_dma source(%dma_start3A_133 : memref<512x64xf32, #tpu.memory_space<hbm>>) target(%arg6 : memref<512x64xf32, #tpu.memory_space<vmem>>) target_semaphore(%run_scoped3A_130 : memref<!tpu.dma_semaphore, #tpu.memory_space<semaphore_mem>>)
      %dma_wait3A = arith.constant 0 : i32
      %dma_wait3A_134 = tpu.memref_slice %arg2[%multiple_of3A_31, %dma_wait3A] : memref<65536x64xf32, #tpu.memory_space<hbm>> -> memref<512x64xf32, #tpu.memory_space<hbm>>
      %dma_wait3A_135 = arith.constant 0 : i32
      %dma_wait3A_136 = tpu.memref_slice %arg2[%multiple_of3A_31, %dma_wait3A_135] : memref<65536x64xf32, #tpu.memory_space<hbm>> -> memref<512x64xf32, #tpu.memory_space<hbm>>
      tpu.wait_dma2 semaphore(%run_scoped3A_130 : memref<!tpu.dma_semaphore, #tpu.memory_space<semaphore_mem>>) src(%dma_wait3A_136 : memref<512x64xf32, #tpu.memory_space<hbm>>) dst(%arg6 : memref<512x64xf32, #tpu.memory_space<vmem>>)
      tpu.yield
    }) : () -> ()
    %jit3A_32 = arith.constant 128 : i32
    %div3A_33 = arith.divsi %multiple_of3A_31, %jit3A_32 : i32
    %sign3A_34 = arith.constant 0 : i32
    %sign3A_35 = arith.cmpi sgt, %multiple_of3A_31, %sign3A_34 : i32
    %sign3A_36 = arith.extui %sign3A_35 : i1 to i32
    %sign3A_37 = arith.constant 0 : i32
    %sign3A_38 = arith.cmpi slt, %multiple_of3A_31, %sign3A_37 : i32
    %sign3A_39 = arith.extui %sign3A_38 : i1 to i32
    %sign3A_40 = arith.subi %sign3A_36, %sign3A_39 : i32
    %sign3A_41 = arith.constant 0 : i32
    %sign3A_42 = arith.cmpi sgt, %jit3A_32, %sign3A_41 : i32
    %sign3A_43 = arith.extui %sign3A_42 : i1 to i32
    %sign3A_44 = arith.constant 0 : i32
    %sign3A_45 = arith.cmpi slt, %jit3A_32, %sign3A_44 : i32
    %sign3A_46 = arith.extui %sign3A_45 : i1 to i32
    %sign3A_47 = arith.subi %sign3A_43, %sign3A_46 : i32
    %ne3A_48 = arith.cmpi ne, %sign3A_40, %sign3A_47 : i32
    %rem3A_49 = arith.remsi %multiple_of3A_31, %jit3A_32 : i32
    %ne3A_50 = arith.constant 0 : i32
    %ne3A_51 = arith.cmpi ne, %rem3A_49, %ne3A_50 : i32
    %and3A_52 = arith.andi %ne3A_48, %ne3A_51 : i1
    %sub3A_53 = arith.constant 1 : i32
    %sub3A_54 = arith.subi %div3A_33, %sub3A_53 : i32
    %select_n3A_55 = arith.select %and3A_52, %sub3A_54, %div3A_33 : i32
    %multiple_of3A_56 = tpu.assume_multiple %select_n3A_55, 4 : i32
    "tpu.region"() ({
      %run_scoped3A_130 = tpu.sem_alloc : memref<!tpu.dma_semaphore, #tpu.memory_space<semaphore_mem>>
      %dma_start3A = arith.constant 0 : i32
      %dma_start3A_131 = tpu.memref_slice %arg3[%multiple_of3A_56, %dma_start3A] : memref<512x128xi32, #tpu.memory_space<hbm>> -> memref<4x128xi32, #tpu.memory_space<hbm>>
      %dma_start3A_132 = arith.constant 0 : i32
      %dma_start3A_133 = tpu.memref_slice %arg3[%multiple_of3A_56, %dma_start3A_132] : memref<512x128xi32, #tpu.memory_space<hbm>> -> memref<4x128xi32, #tpu.memory_space<hbm>>
      tpu.enqueue_dma source(%dma_start3A_133 : memref<4x128xi32, #tpu.memory_space<hbm>>) target(%arg7 : memref<4x128xi32, #tpu.memory_space<vmem>>) target_semaphore(%run_scoped3A_130 : memref<!tpu.dma_semaphore, #tpu.memory_space<semaphore_mem>>)
      %dma_wait3A = arith.constant 0 : i32
      %dma_wait3A_134 = tpu.memref_slice %arg3[%multiple_of3A_56, %dma_wait3A] : memref<512x128xi32, #tpu.memory_space<hbm>> -> memref<4x128xi32, #tpu.memory_space<hbm>>
      %dma_wait3A_135 = arith.constant 0 : i32
      %dma_wait3A_136 = tpu.memref_slice %arg3[%multiple_of3A_56, %dma_wait3A_135] : memref<512x128xi32, #tpu.memory_space<hbm>> -> memref<4x128xi32, #tpu.memory_space<hbm>>
      tpu.wait_dma2 semaphore(%run_scoped3A_130 : memref<!tpu.dma_semaphore, #tpu.memory_space<semaphore_mem>>) src(%dma_wait3A_136 : memref<4x128xi32, #tpu.memory_space<hbm>>) dst(%arg7 : memref<4x128xi32, #tpu.memory_space<vmem>>)
      tpu.yield
    }) : () -> ()
    %run_scoped3A_57 = arith.constant 0 : i32
    "tpu.region"() ({
      %run_scoped3A_130 = tpu.sem_alloc : memref<!tpu.dma_semaphore, #tpu.memory_space<semaphore_mem>>
      %dma_start3A = arith.constant 0 : i32
      %dma_start3A_131 = arith.constant 0 : i32
      %dma_start3A_132 = tpu.memref_slice %arg6[%dma_start3A, %dma_start3A_131] : memref<512x64xf32, #tpu.memory_space<vmem>> -> memref<128x64xf32, #tpu.memory_space<vmem>>
      %dma_start3A_133 = arith.constant 0 : i32
      %dma_start3A_134 = tpu.memref_slice %arg7[%run_scoped3A_57, %dma_start3A_133] : memref<4x128xi32, #tpu.memory_space<vmem>> -> memref<1x128xi32, #tpu.memory_space<vmem>>
      %dma_start3A_135 = tpu.memref_squeeze %dma_start3A_134 : memref<1x128xi32, #tpu.memory_space<vmem>> -> memref<128xi32, #tpu.memory_space<vmem>>
      %dma_start3A_136 = arith.constant 0 : i32
      %dma_start3A_137 = arith.constant 0 : i32
      %dma_start3A_138 = tpu.memref_slice %arg8[%dma_start3A_136, %dma_start3A_137] : memref<8192x64xf32, #tpu.memory_space<vmem_shared>> -> memref<8192x64xf32, #tpu.memory_space<vmem_shared>>
      tpu.enqueue_indirect_dma source(%dma_start3A_132 : memref<128x64xf32, #tpu.memory_space<vmem>>) target(%dma_start3A_138 : memref<8192x64xf32, #tpu.memory_space<vmem_shared>>) offsets(%dma_start3A_135 : memref<128xi32, #tpu.memory_space<vmem>>) semaphore(%run_scoped3A_130 : memref<!tpu.dma_semaphore, #tpu.memory_space<semaphore_mem>>) {add = true}
      %dma_wait3A = arith.constant 0 : i32
      %dma_wait3A_139 = arith.constant 0 : i32
      %dma_wait3A_140 = tpu.memref_slice %arg6[%dma_wait3A, %dma_wait3A_139] : memref<512x64xf32, #tpu.memory_space<vmem>> -> memref<128x64xf32, #tpu.memory_space<vmem>>
      %dma_wait3A_141 = arith.constant 0 : i32
      %dma_wait3A_142 = tpu.memref_slice %arg7[%run_scoped3A_57, %dma_wait3A_141] : memref<4x128xi32, #tpu.memory_space<vmem>> -> memref<1x128xi32, #tpu.memory_space<vmem>>
      %dma_wait3A_143 = tpu.memref_squeeze %dma_wait3A_142 : memref<1x128xi32, #tpu.memory_space<vmem>> -> memref<128xi32, #tpu.memory_space<vmem>>
      %dma_wait3A_144 = arith.constant 0 : i32
      %dma_wait3A_145 = arith.constant 0 : i32
      %dma_wait3A_146 = tpu.memref_slice %arg8[%dma_wait3A_144, %dma_wait3A_145] : memref<8192x64xf32, #tpu.memory_space<vmem_shared>> -> memref<8192x64xf32, #tpu.memory_space<vmem_shared>>
      tpu.wait_indirect_dma semaphore(%run_scoped3A_130 : memref<!tpu.dma_semaphore, #tpu.memory_space<semaphore_mem>>) src(%dma_wait3A_140 : memref<128x64xf32, #tpu.memory_space<vmem>>) dst(%dma_wait3A_146 : memref<8192x64xf32, #tpu.memory_space<vmem_shared>>)
      tpu.yield
    }) : () -> ()
    %run_scoped3A_58 = arith.constant 1 : i32
    "tpu.region"() ({
      %run_scoped3A_130 = tpu.sem_alloc : memref<!tpu.dma_semaphore, #tpu.memory_space<semaphore_mem>>
      %dma_start3A = arith.constant 128 : i32
      %dma_start3A_131 = arith.constant 0 : i32
      %dma_start3A_132 = tpu.memref_slice %arg6[%dma_start3A, %dma_start3A_131] : memref<512x64xf32, #tpu.memory_space<vmem>> -> memref<128x64xf32, #tpu.memory_space<vmem>>
      %dma_start3A_133 = arith.constant 0 : i32
      %dma_start3A_134 = tpu.memref_slice %arg7[%run_scoped3A_58, %dma_start3A_133] : memref<4x128xi32, #tpu.memory_space<vmem>> -> memref<1x128xi32, #tpu.memory_space<vmem>>
      %dma_start3A_135 = tpu.memref_squeeze %dma_start3A_134 : memref<1x128xi32, #tpu.memory_space<vmem>> -> memref<128xi32, #tpu.memory_space<vmem>>
      %dma_start3A_136 = arith.constant 0 : i32
      %dma_start3A_137 = arith.constant 0 : i32
      %dma_start3A_138 = tpu.memref_slice %arg8[%dma_start3A_136, %dma_start3A_137] : memref<8192x64xf32, #tpu.memory_space<vmem_shared>> -> memref<8192x64xf32, #tpu.memory_space<vmem_shared>>
      tpu.enqueue_indirect_dma source(%dma_start3A_132 : memref<128x64xf32, #tpu.memory_space<vmem>>) target(%dma_start3A_138 : memref<8192x64xf32, #tpu.memory_space<vmem_shared>>) offsets(%dma_start3A_135 : memref<128xi32, #tpu.memory_space<vmem>>) semaphore(%run_scoped3A_130 : memref<!tpu.dma_semaphore, #tpu.memory_space<semaphore_mem>>) {add = true}
      %dma_wait3A = arith.constant 128 : i32
      %dma_wait3A_139 = arith.constant 0 : i32
      %dma_wait3A_140 = tpu.memref_slice %arg6[%dma_wait3A, %dma_wait3A_139] : memref<512x64xf32, #tpu.memory_space<vmem>> -> memref<128x64xf32, #tpu.memory_space<vmem>>
      %dma_wait3A_141 = arith.constant 0 : i32
      %dma_wait3A_142 = tpu.memref_slice %arg7[%run_scoped3A_58, %dma_wait3A_141] : memref<4x128xi32, #tpu.memory_space<vmem>> -> memref<1x128xi32, #tpu.memory_space<vmem>>
      %dma_wait3A_143 = tpu.memref_squeeze %dma_wait3A_142 : memref<1x128xi32, #tpu.memory_space<vmem>> -> memref<128xi32, #tpu.memory_space<vmem>>
      %dma_wait3A_144 = arith.constant 0 : i32
      %dma_wait3A_145 = arith.constant 0 : i32
      %dma_wait3A_146 = tpu.memref_slice %arg8[%dma_wait3A_144, %dma_wait3A_145] : memref<8192x64xf32, #tpu.memory_space<vmem_shared>> -> memref<8192x64xf32, #tpu.memory_space<vmem_shared>>
      tpu.wait_indirect_dma semaphore(%run_scoped3A_130 : memref<!tpu.dma_semaphore, #tpu.memory_space<semaphore_mem>>) src(%dma_wait3A_140 : memref<128x64xf32, #tpu.memory_space<vmem>>) dst(%dma_wait3A_146 : memref<8192x64xf32, #tpu.memory_space<vmem_shared>>)
      tpu.yield
    }) : () -> ()
    %run_scoped3A_59 = arith.constant 2 : i32
    "tpu.region"() ({
      %run_scoped3A_130 = tpu.sem_alloc : memref<!tpu.dma_semaphore, #tpu.memory_space<semaphore_mem>>
      %dma_start3A = arith.constant 256 : i32
      %dma_start3A_131 = arith.constant 0 : i32
      %dma_start3A_132 = tpu.memref_slice %arg6[%dma_start3A, %dma_start3A_131] : memref<512x64xf32, #tpu.memory_space<vmem>> -> memref<128x64xf32, #tpu.memory_space<vmem>>
      %dma_start3A_133 = arith.constant 0 : i32
      %dma_start3A_134 = tpu.memref_slice %arg7[%run_scoped3A_59, %dma_start3A_133] : memref<4x128xi32, #tpu.memory_space<vmem>> -> memref<1x128xi32, #tpu.memory_space<vmem>>
      %dma_start3A_135 = tpu.memref_squeeze %dma_start3A_134 : memref<1x128xi32, #tpu.memory_space<vmem>> -> memref<128xi32, #tpu.memory_space<vmem>>
      %dma_start3A_136 = arith.constant 0 : i32
      %dma_start3A_137 = arith.constant 0 : i32
      %dma_start3A_138 = tpu.memref_slice %arg8[%dma_start3A_136, %dma_start3A_137] : memref<8192x64xf32, #tpu.memory_space<vmem_shared>> -> memref<8192x64xf32, #tpu.memory_space<vmem_shared>>
      tpu.enqueue_indirect_dma source(%dma_start3A_132 : memref<128x64xf32, #tpu.memory_space<vmem>>) target(%dma_start3A_138 : memref<8192x64xf32, #tpu.memory_space<vmem_shared>>) offsets(%dma_start3A_135 : memref<128xi32, #tpu.memory_space<vmem>>) semaphore(%run_scoped3A_130 : memref<!tpu.dma_semaphore, #tpu.memory_space<semaphore_mem>>) {add = true}
      %dma_wait3A = arith.constant 256 : i32
      %dma_wait3A_139 = arith.constant 0 : i32
      %dma_wait3A_140 = tpu.memref_slice %arg6[%dma_wait3A, %dma_wait3A_139] : memref<512x64xf32, #tpu.memory_space<vmem>> -> memref<128x64xf32, #tpu.memory_space<vmem>>
      %dma_wait3A_141 = arith.constant 0 : i32
      %dma_wait3A_142 = tpu.memref_slice %arg7[%run_scoped3A_59, %dma_wait3A_141] : memref<4x128xi32, #tpu.memory_space<vmem>> -> memref<1x128xi32, #tpu.memory_space<vmem>>
      %dma_wait3A_143 = tpu.memref_squeeze %dma_wait3A_142 : memref<1x128xi32, #tpu.memory_space<vmem>> -> memref<128xi32, #tpu.memory_space<vmem>>
      %dma_wait3A_144 = arith.constant 0 : i32
      %dma_wait3A_145 = arith.constant 0 : i32
      %dma_wait3A_146 = tpu.memref_slice %arg8[%dma_wait3A_144, %dma_wait3A_145] : memref<8192x64xf32, #tpu.memory_space<vmem_shared>> -> memref<8192x64xf32, #tpu.memory_space<vmem_shared>>
      tpu.wait_indirect_dma semaphore(%run_scoped3A_130 : memref<!tpu.dma_semaphore, #tpu.memory_space<semaphore_mem>>) src(%dma_wait3A_140 : memref<128x64xf32, #tpu.memory_space<vmem>>) dst(%dma_wait3A_146 : memref<8192x64xf32, #tpu.memory_space<vmem_shared>>)
      tpu.yield
    }) : () -> ()
    %run_scoped3A_60 = arith.constant 3 : i32
    "tpu.region"() ({
      %run_scoped3A_130 = tpu.sem_alloc : memref<!tpu.dma_semaphore, #tpu.memory_space<semaphore_mem>>
      %dma_start3A = arith.constant 384 : i32
      %dma_start3A_131 = arith.constant 0 : i32
      %dma_start3A_132 = tpu.memref_slice %arg6[%dma_start3A, %dma_start3A_131] : memref<512x64xf32, #tpu.memory_space<vmem>> -> memref<128x64xf32, #tpu.memory_space<vmem>>
      %dma_start3A_133 = arith.constant 0 : i32
      %dma_start3A_134 = tpu.memref_slice %arg7[%run_scoped3A_60, %dma_start3A_133] : memref<4x128xi32, #tpu.memory_space<vmem>> -> memref<1x128xi32, #tpu.memory_space<vmem>>
      %dma_start3A_135 = tpu.memref_squeeze %dma_start3A_134 : memref<1x128xi32, #tpu.memory_space<vmem>> -> memref<128xi32, #tpu.memory_space<vmem>>
      %dma_start3A_136 = arith.constant 0 : i32
      %dma_start3A_137 = arith.constant 0 : i32
      %dma_start3A_138 = tpu.memref_slice %arg8[%dma_start3A_136, %dma_start3A_137] : memref<8192x64xf32, #tpu.memory_space<vmem_shared>> -> memref<8192x64xf32, #tpu.memory_space<vmem_shared>>
      tpu.enqueue_indirect_dma source(%dma_start3A_132 : memref<128x64xf32, #tpu.memory_space<vmem>>) target(%dma_start3A_138 : memref<8192x64xf32, #tpu.memory_space<vmem_shared>>) offsets(%dma_start3A_135 : memref<128xi32, #tpu.memory_space<vmem>>) semaphore(%run_scoped3A_130 : memref<!tpu.dma_semaphore, #tpu.memory_space<semaphore_mem>>) {add = true}
      %dma_wait3A = arith.constant 384 : i32
      %dma_wait3A_139 = arith.constant 0 : i32
      %dma_wait3A_140 = tpu.memref_slice %arg6[%dma_wait3A, %dma_wait3A_139] : memref<512x64xf32, #tpu.memory_space<vmem>> -> memref<128x64xf32, #tpu.memory_space<vmem>>
      %dma_wait3A_141 = arith.constant 0 : i32
      %dma_wait3A_142 = tpu.memref_slice %arg7[%run_scoped3A_60, %dma_wait3A_141] : memref<4x128xi32, #tpu.memory_space<vmem>> -> memref<1x128xi32, #tpu.memory_space<vmem>>
      %dma_wait3A_143 = tpu.memref_squeeze %dma_wait3A_142 : memref<1x128xi32, #tpu.memory_space<vmem>> -> memref<128xi32, #tpu.memory_space<vmem>>
      %dma_wait3A_144 = arith.constant 0 : i32
      %dma_wait3A_145 = arith.constant 0 : i32
      %dma_wait3A_146 = tpu.memref_slice %arg8[%dma_wait3A_144, %dma_wait3A_145] : memref<8192x64xf32, #tpu.memory_space<vmem_shared>> -> memref<8192x64xf32, #tpu.memory_space<vmem_shared>>
      tpu.wait_indirect_dma semaphore(%run_scoped3A_130 : memref<!tpu.dma_semaphore, #tpu.memory_space<semaphore_mem>>) src(%dma_wait3A_140 : memref<128x64xf32, #tpu.memory_space<vmem>>) dst(%dma_wait3A_146 : memref<8192x64xf32, #tpu.memory_space<vmem_shared>>)
      tpu.yield
    }) : () -> ()
    %mul3A_61 = arith.constant 2048 : i32
    %mul3A_62 = arith.muli %add3A, %mul3A_61 : i32
    %add3A_63 = arith.constant 1024 : i32
    %add3A_64 = arith.addi %mul3A_62, %add3A_63 : i32
    %multiple_of3A_65 = tpu.assume_multiple %add3A_64, 512 : i32
    "tpu.region"() ({
      %run_scoped3A_130 = tpu.sem_alloc : memref<!tpu.dma_semaphore, #tpu.memory_space<semaphore_mem>>
      %dma_start3A = arith.constant 0 : i32
      %dma_start3A_131 = tpu.memref_slice %arg2[%multiple_of3A_65, %dma_start3A] : memref<65536x64xf32, #tpu.memory_space<hbm>> -> memref<512x64xf32, #tpu.memory_space<hbm>>
      %dma_start3A_132 = arith.constant 0 : i32
      %dma_start3A_133 = tpu.memref_slice %arg2[%multiple_of3A_65, %dma_start3A_132] : memref<65536x64xf32, #tpu.memory_space<hbm>> -> memref<512x64xf32, #tpu.memory_space<hbm>>
      tpu.enqueue_dma source(%dma_start3A_133 : memref<512x64xf32, #tpu.memory_space<hbm>>) target(%arg6 : memref<512x64xf32, #tpu.memory_space<vmem>>) target_semaphore(%run_scoped3A_130 : memref<!tpu.dma_semaphore, #tpu.memory_space<semaphore_mem>>)
      %dma_wait3A = arith.constant 0 : i32
      %dma_wait3A_134 = tpu.memref_slice %arg2[%multiple_of3A_65, %dma_wait3A] : memref<65536x64xf32, #tpu.memory_space<hbm>> -> memref<512x64xf32, #tpu.memory_space<hbm>>
      %dma_wait3A_135 = arith.constant 0 : i32
      %dma_wait3A_136 = tpu.memref_slice %arg2[%multiple_of3A_65, %dma_wait3A_135] : memref<65536x64xf32, #tpu.memory_space<hbm>> -> memref<512x64xf32, #tpu.memory_space<hbm>>
      tpu.wait_dma2 semaphore(%run_scoped3A_130 : memref<!tpu.dma_semaphore, #tpu.memory_space<semaphore_mem>>) src(%dma_wait3A_136 : memref<512x64xf32, #tpu.memory_space<hbm>>) dst(%arg6 : memref<512x64xf32, #tpu.memory_space<vmem>>)
      tpu.yield
    }) : () -> ()
    %jit3A_66 = arith.constant 128 : i32
    %div3A_67 = arith.divsi %multiple_of3A_65, %jit3A_66 : i32
    %sign3A_68 = arith.constant 0 : i32
    %sign3A_69 = arith.cmpi sgt, %multiple_of3A_65, %sign3A_68 : i32
    %sign3A_70 = arith.extui %sign3A_69 : i1 to i32
    %sign3A_71 = arith.constant 0 : i32
    %sign3A_72 = arith.cmpi slt, %multiple_of3A_65, %sign3A_71 : i32
    %sign3A_73 = arith.extui %sign3A_72 : i1 to i32
    %sign3A_74 = arith.subi %sign3A_70, %sign3A_73 : i32
    %sign3A_75 = arith.constant 0 : i32
    %sign3A_76 = arith.cmpi sgt, %jit3A_66, %sign3A_75 : i32
    %sign3A_77 = arith.extui %sign3A_76 : i1 to i32
    %sign3A_78 = arith.constant 0 : i32
    %sign3A_79 = arith.cmpi slt, %jit3A_66, %sign3A_78 : i32
    %sign3A_80 = arith.extui %sign3A_79 : i1 to i32
    %sign3A_81 = arith.subi %sign3A_77, %sign3A_80 : i32
    %ne3A_82 = arith.cmpi ne, %sign3A_74, %sign3A_81 : i32
    %rem3A_83 = arith.remsi %multiple_of3A_65, %jit3A_66 : i32
    %ne3A_84 = arith.constant 0 : i32
    %ne3A_85 = arith.cmpi ne, %rem3A_83, %ne3A_84 : i32
    %and3A_86 = arith.andi %ne3A_82, %ne3A_85 : i1
    %sub3A_87 = arith.constant 1 : i32
    %sub3A_88 = arith.subi %div3A_67, %sub3A_87 : i32
    %select_n3A_89 = arith.select %and3A_86, %sub3A_88, %div3A_67 : i32
    %multiple_of3A_90 = tpu.assume_multiple %select_n3A_89, 4 : i32
    "tpu.region"() ({
      %run_scoped3A_130 = tpu.sem_alloc : memref<!tpu.dma_semaphore, #tpu.memory_space<semaphore_mem>>
      %dma_start3A = arith.constant 0 : i32
      %dma_start3A_131 = tpu.memref_slice %arg3[%multiple_of3A_90, %dma_start3A] : memref<512x128xi32, #tpu.memory_space<hbm>> -> memref<4x128xi32, #tpu.memory_space<hbm>>
      %dma_start3A_132 = arith.constant 0 : i32
      %dma_start3A_133 = tpu.memref_slice %arg3[%multiple_of3A_90, %dma_start3A_132] : memref<512x128xi32, #tpu.memory_space<hbm>> -> memref<4x128xi32, #tpu.memory_space<hbm>>
      tpu.enqueue_dma source(%dma_start3A_133 : memref<4x128xi32, #tpu.memory_space<hbm>>) target(%arg7 : memref<4x128xi32, #tpu.memory_space<vmem>>) target_semaphore(%run_scoped3A_130 : memref<!tpu.dma_semaphore, #tpu.memory_space<semaphore_mem>>)
      %dma_wait3A = arith.constant 0 : i32
      %dma_wait3A_134 = tpu.memref_slice %arg3[%multiple_of3A_90, %dma_wait3A] : memref<512x128xi32, #tpu.memory_space<hbm>> -> memref<4x128xi32, #tpu.memory_space<hbm>>
      %dma_wait3A_135 = arith.constant 0 : i32
      %dma_wait3A_136 = tpu.memref_slice %arg3[%multiple_of3A_90, %dma_wait3A_135] : memref<512x128xi32, #tpu.memory_space<hbm>> -> memref<4x128xi32, #tpu.memory_space<hbm>>
      tpu.wait_dma2 semaphore(%run_scoped3A_130 : memref<!tpu.dma_semaphore, #tpu.memory_space<semaphore_mem>>) src(%dma_wait3A_136 : memref<4x128xi32, #tpu.memory_space<hbm>>) dst(%arg7 : memref<4x128xi32, #tpu.memory_space<vmem>>)
      tpu.yield
    }) : () -> ()
    %run_scoped3A_91 = arith.constant 0 : i32
    "tpu.region"() ({
      %run_scoped3A_130 = tpu.sem_alloc : memref<!tpu.dma_semaphore, #tpu.memory_space<semaphore_mem>>
      %dma_start3A = arith.constant 0 : i32
      %dma_start3A_131 = arith.constant 0 : i32
      %dma_start3A_132 = tpu.memref_slice %arg6[%dma_start3A, %dma_start3A_131] : memref<512x64xf32, #tpu.memory_space<vmem>> -> memref<128x64xf32, #tpu.memory_space<vmem>>
      %dma_start3A_133 = arith.constant 0 : i32
      %dma_start3A_134 = tpu.memref_slice %arg7[%run_scoped3A_91, %dma_start3A_133] : memref<4x128xi32, #tpu.memory_space<vmem>> -> memref<1x128xi32, #tpu.memory_space<vmem>>
      %dma_start3A_135 = tpu.memref_squeeze %dma_start3A_134 : memref<1x128xi32, #tpu.memory_space<vmem>> -> memref<128xi32, #tpu.memory_space<vmem>>
      %dma_start3A_136 = arith.constant 0 : i32
      %dma_start3A_137 = arith.constant 0 : i32
      %dma_start3A_138 = tpu.memref_slice %arg8[%dma_start3A_136, %dma_start3A_137] : memref<8192x64xf32, #tpu.memory_space<vmem_shared>> -> memref<8192x64xf32, #tpu.memory_space<vmem_shared>>
      tpu.enqueue_indirect_dma source(%dma_start3A_132 : memref<128x64xf32, #tpu.memory_space<vmem>>) target(%dma_start3A_138 : memref<8192x64xf32, #tpu.memory_space<vmem_shared>>) offsets(%dma_start3A_135 : memref<128xi32, #tpu.memory_space<vmem>>) semaphore(%run_scoped3A_130 : memref<!tpu.dma_semaphore, #tpu.memory_space<semaphore_mem>>) {add = true}
      %dma_wait3A = arith.constant 0 : i32
      %dma_wait3A_139 = arith.constant 0 : i32
      %dma_wait3A_140 = tpu.memref_slice %arg6[%dma_wait3A, %dma_wait3A_139] : memref<512x64xf32, #tpu.memory_space<vmem>> -> memref<128x64xf32, #tpu.memory_space<vmem>>
      %dma_wait3A_141 = arith.constant 0 : i32
      %dma_wait3A_142 = tpu.memref_slice %arg7[%run_scoped3A_91, %dma_wait3A_141] : memref<4x128xi32, #tpu.memory_space<vmem>> -> memref<1x128xi32, #tpu.memory_space<vmem>>
      %dma_wait3A_143 = tpu.memref_squeeze %dma_wait3A_142 : memref<1x128xi32, #tpu.memory_space<vmem>> -> memref<128xi32, #tpu.memory_space<vmem>>
      %dma_wait3A_144 = arith.constant 0 : i32
      %dma_wait3A_145 = arith.constant 0 : i32
      %dma_wait3A_146 = tpu.memref_slice %arg8[%dma_wait3A_144, %dma_wait3A_145] : memref<8192x64xf32, #tpu.memory_space<vmem_shared>> -> memref<8192x64xf32, #tpu.memory_space<vmem_shared>>
      tpu.wait_indirect_dma semaphore(%run_scoped3A_130 : memref<!tpu.dma_semaphore, #tpu.memory_space<semaphore_mem>>) src(%dma_wait3A_140 : memref<128x64xf32, #tpu.memory_space<vmem>>) dst(%dma_wait3A_146 : memref<8192x64xf32, #tpu.memory_space<vmem_shared>>)
      tpu.yield
    }) : () -> ()
    %run_scoped3A_92 = arith.constant 1 : i32
    "tpu.region"() ({
      %run_scoped3A_130 = tpu.sem_alloc : memref<!tpu.dma_semaphore, #tpu.memory_space<semaphore_mem>>
      %dma_start3A = arith.constant 128 : i32
      %dma_start3A_131 = arith.constant 0 : i32
      %dma_start3A_132 = tpu.memref_slice %arg6[%dma_start3A, %dma_start3A_131] : memref<512x64xf32, #tpu.memory_space<vmem>> -> memref<128x64xf32, #tpu.memory_space<vmem>>
      %dma_start3A_133 = arith.constant 0 : i32
      %dma_start3A_134 = tpu.memref_slice %arg7[%run_scoped3A_92, %dma_start3A_133] : memref<4x128xi32, #tpu.memory_space<vmem>> -> memref<1x128xi32, #tpu.memory_space<vmem>>
      %dma_start3A_135 = tpu.memref_squeeze %dma_start3A_134 : memref<1x128xi32, #tpu.memory_space<vmem>> -> memref<128xi32, #tpu.memory_space<vmem>>
      %dma_start3A_136 = arith.constant 0 : i32
      %dma_start3A_137 = arith.constant 0 : i32
      %dma_start3A_138 = tpu.memref_slice %arg8[%dma_start3A_136, %dma_start3A_137] : memref<8192x64xf32, #tpu.memory_space<vmem_shared>> -> memref<8192x64xf32, #tpu.memory_space<vmem_shared>>
      tpu.enqueue_indirect_dma source(%dma_start3A_132 : memref<128x64xf32, #tpu.memory_space<vmem>>) target(%dma_start3A_138 : memref<8192x64xf32, #tpu.memory_space<vmem_shared>>) offsets(%dma_start3A_135 : memref<128xi32, #tpu.memory_space<vmem>>) semaphore(%run_scoped3A_130 : memref<!tpu.dma_semaphore, #tpu.memory_space<semaphore_mem>>) {add = true}
      %dma_wait3A = arith.constant 128 : i32
      %dma_wait3A_139 = arith.constant 0 : i32
      %dma_wait3A_140 = tpu.memref_slice %arg6[%dma_wait3A, %dma_wait3A_139] : memref<512x64xf32, #tpu.memory_space<vmem>> -> memref<128x64xf32, #tpu.memory_space<vmem>>
      %dma_wait3A_141 = arith.constant 0 : i32
      %dma_wait3A_142 = tpu.memref_slice %arg7[%run_scoped3A_92, %dma_wait3A_141] : memref<4x128xi32, #tpu.memory_space<vmem>> -> memref<1x128xi32, #tpu.memory_space<vmem>>
      %dma_wait3A_143 = tpu.memref_squeeze %dma_wait3A_142 : memref<1x128xi32, #tpu.memory_space<vmem>> -> memref<128xi32, #tpu.memory_space<vmem>>
      %dma_wait3A_144 = arith.constant 0 : i32
      %dma_wait3A_145 = arith.constant 0 : i32
      %dma_wait3A_146 = tpu.memref_slice %arg8[%dma_wait3A_144, %dma_wait3A_145] : memref<8192x64xf32, #tpu.memory_space<vmem_shared>> -> memref<8192x64xf32, #tpu.memory_space<vmem_shared>>
      tpu.wait_indirect_dma semaphore(%run_scoped3A_130 : memref<!tpu.dma_semaphore, #tpu.memory_space<semaphore_mem>>) src(%dma_wait3A_140 : memref<128x64xf32, #tpu.memory_space<vmem>>) dst(%dma_wait3A_146 : memref<8192x64xf32, #tpu.memory_space<vmem_shared>>)
      tpu.yield
    }) : () -> ()
    %run_scoped3A_93 = arith.constant 2 : i32
    "tpu.region"() ({
      %run_scoped3A_130 = tpu.sem_alloc : memref<!tpu.dma_semaphore, #tpu.memory_space<semaphore_mem>>
      %dma_start3A = arith.constant 256 : i32
      %dma_start3A_131 = arith.constant 0 : i32
      %dma_start3A_132 = tpu.memref_slice %arg6[%dma_start3A, %dma_start3A_131] : memref<512x64xf32, #tpu.memory_space<vmem>> -> memref<128x64xf32, #tpu.memory_space<vmem>>
      %dma_start3A_133 = arith.constant 0 : i32
      %dma_start3A_134 = tpu.memref_slice %arg7[%run_scoped3A_93, %dma_start3A_133] : memref<4x128xi32, #tpu.memory_space<vmem>> -> memref<1x128xi32, #tpu.memory_space<vmem>>
      %dma_start3A_135 = tpu.memref_squeeze %dma_start3A_134 : memref<1x128xi32, #tpu.memory_space<vmem>> -> memref<128xi32, #tpu.memory_space<vmem>>
      %dma_start3A_136 = arith.constant 0 : i32
      %dma_start3A_137 = arith.constant 0 : i32
      %dma_start3A_138 = tpu.memref_slice %arg8[%dma_start3A_136, %dma_start3A_137] : memref<8192x64xf32, #tpu.memory_space<vmem_shared>> -> memref<8192x64xf32, #tpu.memory_space<vmem_shared>>
      tpu.enqueue_indirect_dma source(%dma_start3A_132 : memref<128x64xf32, #tpu.memory_space<vmem>>) target(%dma_start3A_138 : memref<8192x64xf32, #tpu.memory_space<vmem_shared>>) offsets(%dma_start3A_135 : memref<128xi32, #tpu.memory_space<vmem>>) semaphore(%run_scoped3A_130 : memref<!tpu.dma_semaphore, #tpu.memory_space<semaphore_mem>>) {add = true}
      %dma_wait3A = arith.constant 256 : i32
      %dma_wait3A_139 = arith.constant 0 : i32
      %dma_wait3A_140 = tpu.memref_slice %arg6[%dma_wait3A, %dma_wait3A_139] : memref<512x64xf32, #tpu.memory_space<vmem>> -> memref<128x64xf32, #tpu.memory_space<vmem>>
      %dma_wait3A_141 = arith.constant 0 : i32
      %dma_wait3A_142 = tpu.memref_slice %arg7[%run_scoped3A_93, %dma_wait3A_141] : memref<4x128xi32, #tpu.memory_space<vmem>> -> memref<1x128xi32, #tpu.memory_space<vmem>>
      %dma_wait3A_143 = tpu.memref_squeeze %dma_wait3A_142 : memref<1x128xi32, #tpu.memory_space<vmem>> -> memref<128xi32, #tpu.memory_space<vmem>>
      %dma_wait3A_144 = arith.constant 0 : i32
      %dma_wait3A_145 = arith.constant 0 : i32
      %dma_wait3A_146 = tpu.memref_slice %arg8[%dma_wait3A_144, %dma_wait3A_145] : memref<8192x64xf32, #tpu.memory_space<vmem_shared>> -> memref<8192x64xf32, #tpu.memory_space<vmem_shared>>
      tpu.wait_indirect_dma semaphore(%run_scoped3A_130 : memref<!tpu.dma_semaphore, #tpu.memory_space<semaphore_mem>>) src(%dma_wait3A_140 : memref<128x64xf32, #tpu.memory_space<vmem>>) dst(%dma_wait3A_146 : memref<8192x64xf32, #tpu.memory_space<vmem_shared>>)
      tpu.yield
    }) : () -> ()
    %run_scoped3A_94 = arith.constant 3 : i32
    "tpu.region"() ({
      %run_scoped3A_130 = tpu.sem_alloc : memref<!tpu.dma_semaphore, #tpu.memory_space<semaphore_mem>>
      %dma_start3A = arith.constant 384 : i32
      %dma_start3A_131 = arith.constant 0 : i32
      %dma_start3A_132 = tpu.memref_slice %arg6[%dma_start3A, %dma_start3A_131] : memref<512x64xf32, #tpu.memory_space<vmem>> -> memref<128x64xf32, #tpu.memory_space<vmem>>
      %dma_start3A_133 = arith.constant 0 : i32
      %dma_start3A_134 = tpu.memref_slice %arg7[%run_scoped3A_94, %dma_start3A_133] : memref<4x128xi32, #tpu.memory_space<vmem>> -> memref<1x128xi32, #tpu.memory_space<vmem>>
      %dma_start3A_135 = tpu.memref_squeeze %dma_start3A_134 : memref<1x128xi32, #tpu.memory_space<vmem>> -> memref<128xi32, #tpu.memory_space<vmem>>
      %dma_start3A_136 = arith.constant 0 : i32
      %dma_start3A_137 = arith.constant 0 : i32
      %dma_start3A_138 = tpu.memref_slice %arg8[%dma_start3A_136, %dma_start3A_137] : memref<8192x64xf32, #tpu.memory_space<vmem_shared>> -> memref<8192x64xf32, #tpu.memory_space<vmem_shared>>
      tpu.enqueue_indirect_dma source(%dma_start3A_132 : memref<128x64xf32, #tpu.memory_space<vmem>>) target(%dma_start3A_138 : memref<8192x64xf32, #tpu.memory_space<vmem_shared>>) offsets(%dma_start3A_135 : memref<128xi32, #tpu.memory_space<vmem>>) semaphore(%run_scoped3A_130 : memref<!tpu.dma_semaphore, #tpu.memory_space<semaphore_mem>>) {add = true}
      %dma_wait3A = arith.constant 384 : i32
      %dma_wait3A_139 = arith.constant 0 : i32
      %dma_wait3A_140 = tpu.memref_slice %arg6[%dma_wait3A, %dma_wait3A_139] : memref<512x64xf32, #tpu.memory_space<vmem>> -> memref<128x64xf32, #tpu.memory_space<vmem>>
      %dma_wait3A_141 = arith.constant 0 : i32
      %dma_wait3A_142 = tpu.memref_slice %arg7[%run_scoped3A_94, %dma_wait3A_141] : memref<4x128xi32, #tpu.memory_space<vmem>> -> memref<1x128xi32, #tpu.memory_space<vmem>>
      %dma_wait3A_143 = tpu.memref_squeeze %dma_wait3A_142 : memref<1x128xi32, #tpu.memory_space<vmem>> -> memref<128xi32, #tpu.memory_space<vmem>>
      %dma_wait3A_144 = arith.constant 0 : i32
      %dma_wait3A_145 = arith.constant 0 : i32
      %dma_wait3A_146 = tpu.memref_slice %arg8[%dma_wait3A_144, %dma_wait3A_145] : memref<8192x64xf32, #tpu.memory_space<vmem_shared>> -> memref<8192x64xf32, #tpu.memory_space<vmem_shared>>
      tpu.wait_indirect_dma semaphore(%run_scoped3A_130 : memref<!tpu.dma_semaphore, #tpu.memory_space<semaphore_mem>>) src(%dma_wait3A_140 : memref<128x64xf32, #tpu.memory_space<vmem>>) dst(%dma_wait3A_146 : memref<8192x64xf32, #tpu.memory_space<vmem_shared>>)
      tpu.yield
    }) : () -> ()
    %mul3A_95 = arith.constant 2048 : i32
    %mul3A_96 = arith.muli %add3A, %mul3A_95 : i32
    %add3A_97 = arith.constant 1536 : i32
    %add3A_98 = arith.addi %mul3A_96, %add3A_97 : i32
    %multiple_of3A_99 = tpu.assume_multiple %add3A_98, 512 : i32
    "tpu.region"() ({
      %run_scoped3A_130 = tpu.sem_alloc : memref<!tpu.dma_semaphore, #tpu.memory_space<semaphore_mem>>
      %dma_start3A = arith.constant 0 : i32
      %dma_start3A_131 = tpu.memref_slice %arg2[%multiple_of3A_99, %dma_start3A] : memref<65536x64xf32, #tpu.memory_space<hbm>> -> memref<512x64xf32, #tpu.memory_space<hbm>>
      %dma_start3A_132 = arith.constant 0 : i32
      %dma_start3A_133 = tpu.memref_slice %arg2[%multiple_of3A_99, %dma_start3A_132] : memref<65536x64xf32, #tpu.memory_space<hbm>> -> memref<512x64xf32, #tpu.memory_space<hbm>>
      tpu.enqueue_dma source(%dma_start3A_133 : memref<512x64xf32, #tpu.memory_space<hbm>>) target(%arg6 : memref<512x64xf32, #tpu.memory_space<vmem>>) target_semaphore(%run_scoped3A_130 : memref<!tpu.dma_semaphore, #tpu.memory_space<semaphore_mem>>)
      %dma_wait3A = arith.constant 0 : i32
      %dma_wait3A_134 = tpu.memref_slice %arg2[%multiple_of3A_99, %dma_wait3A] : memref<65536x64xf32, #tpu.memory_space<hbm>> -> memref<512x64xf32, #tpu.memory_space<hbm>>
      %dma_wait3A_135 = arith.constant 0 : i32
      %dma_wait3A_136 = tpu.memref_slice %arg2[%multiple_of3A_99, %dma_wait3A_135] : memref<65536x64xf32, #tpu.memory_space<hbm>> -> memref<512x64xf32, #tpu.memory_space<hbm>>
      tpu.wait_dma2 semaphore(%run_scoped3A_130 : memref<!tpu.dma_semaphore, #tpu.memory_space<semaphore_mem>>) src(%dma_wait3A_136 : memref<512x64xf32, #tpu.memory_space<hbm>>) dst(%arg6 : memref<512x64xf32, #tpu.memory_space<vmem>>)
      tpu.yield
    }) : () -> ()
    %jit3A_100 = arith.constant 128 : i32
    %div3A_101 = arith.divsi %multiple_of3A_99, %jit3A_100 : i32
    %sign3A_102 = arith.constant 0 : i32
    %sign3A_103 = arith.cmpi sgt, %multiple_of3A_99, %sign3A_102 : i32
    %sign3A_104 = arith.extui %sign3A_103 : i1 to i32
    %sign3A_105 = arith.constant 0 : i32
    %sign3A_106 = arith.cmpi slt, %multiple_of3A_99, %sign3A_105 : i32
    %sign3A_107 = arith.extui %sign3A_106 : i1 to i32
    %sign3A_108 = arith.subi %sign3A_104, %sign3A_107 : i32
    %sign3A_109 = arith.constant 0 : i32
    %sign3A_110 = arith.cmpi sgt, %jit3A_100, %sign3A_109 : i32
    %sign3A_111 = arith.extui %sign3A_110 : i1 to i32
    %sign3A_112 = arith.constant 0 : i32
    %sign3A_113 = arith.cmpi slt, %jit3A_100, %sign3A_112 : i32
    %sign3A_114 = arith.extui %sign3A_113 : i1 to i32
    %sign3A_115 = arith.subi %sign3A_111, %sign3A_114 : i32
    %ne3A_116 = arith.cmpi ne, %sign3A_108, %sign3A_115 : i32
    %rem3A_117 = arith.remsi %multiple_of3A_99, %jit3A_100 : i32
    %ne3A_118 = arith.constant 0 : i32
    %ne3A_119 = arith.cmpi ne, %rem3A_117, %ne3A_118 : i32
    %and3A_120 = arith.andi %ne3A_116, %ne3A_119 : i1
    %sub3A_121 = arith.constant 1 : i32
    %sub3A_122 = arith.subi %div3A_101, %sub3A_121 : i32
    %select_n3A_123 = arith.select %and3A_120, %sub3A_122, %div3A_101 : i32
    %multiple_of3A_124 = tpu.assume_multiple %select_n3A_123, 4 : i32
    "tpu.region"() ({
      %run_scoped3A_130 = tpu.sem_alloc : memref<!tpu.dma_semaphore, #tpu.memory_space<semaphore_mem>>
      %dma_start3A = arith.constant 0 : i32
      %dma_start3A_131 = tpu.memref_slice %arg3[%multiple_of3A_124, %dma_start3A] : memref<512x128xi32, #tpu.memory_space<hbm>> -> memref<4x128xi32, #tpu.memory_space<hbm>>
      %dma_start3A_132 = arith.constant 0 : i32
      %dma_start3A_133 = tpu.memref_slice %arg3[%multiple_of3A_124, %dma_start3A_132] : memref<512x128xi32, #tpu.memory_space<hbm>> -> memref<4x128xi32, #tpu.memory_space<hbm>>
      tpu.enqueue_dma source(%dma_start3A_133 : memref<4x128xi32, #tpu.memory_space<hbm>>) target(%arg7 : memref<4x128xi32, #tpu.memory_space<vmem>>) target_semaphore(%run_scoped3A_130 : memref<!tpu.dma_semaphore, #tpu.memory_space<semaphore_mem>>)
      %dma_wait3A = arith.constant 0 : i32
      %dma_wait3A_134 = tpu.memref_slice %arg3[%multiple_of3A_124, %dma_wait3A] : memref<512x128xi32, #tpu.memory_space<hbm>> -> memref<4x128xi32, #tpu.memory_space<hbm>>
      %dma_wait3A_135 = arith.constant 0 : i32
      %dma_wait3A_136 = tpu.memref_slice %arg3[%multiple_of3A_124, %dma_wait3A_135] : memref<512x128xi32, #tpu.memory_space<hbm>> -> memref<4x128xi32, #tpu.memory_space<hbm>>
      tpu.wait_dma2 semaphore(%run_scoped3A_130 : memref<!tpu.dma_semaphore, #tpu.memory_space<semaphore_mem>>) src(%dma_wait3A_136 : memref<4x128xi32, #tpu.memory_space<hbm>>) dst(%arg7 : memref<4x128xi32, #tpu.memory_space<vmem>>)
      tpu.yield
    }) : () -> ()
    %run_scoped3A_125 = arith.constant 0 : i32
    "tpu.region"() ({
      %run_scoped3A_130 = tpu.sem_alloc : memref<!tpu.dma_semaphore, #tpu.memory_space<semaphore_mem>>
      %dma_start3A = arith.constant 0 : i32
      %dma_start3A_131 = arith.constant 0 : i32
      %dma_start3A_132 = tpu.memref_slice %arg6[%dma_start3A, %dma_start3A_131] : memref<512x64xf32, #tpu.memory_space<vmem>> -> memref<128x64xf32, #tpu.memory_space<vmem>>
      %dma_start3A_133 = arith.constant 0 : i32
      %dma_start3A_134 = tpu.memref_slice %arg7[%run_scoped3A_125, %dma_start3A_133] : memref<4x128xi32, #tpu.memory_space<vmem>> -> memref<1x128xi32, #tpu.memory_space<vmem>>
      %dma_start3A_135 = tpu.memref_squeeze %dma_start3A_134 : memref<1x128xi32, #tpu.memory_space<vmem>> -> memref<128xi32, #tpu.memory_space<vmem>>
      %dma_start3A_136 = arith.constant 0 : i32
      %dma_start3A_137 = arith.constant 0 : i32
      %dma_start3A_138 = tpu.memref_slice %arg8[%dma_start3A_136, %dma_start3A_137] : memref<8192x64xf32, #tpu.memory_space<vmem_shared>> -> memref<8192x64xf32, #tpu.memory_space<vmem_shared>>
      tpu.enqueue_indirect_dma source(%dma_start3A_132 : memref<128x64xf32, #tpu.memory_space<vmem>>) target(%dma_start3A_138 : memref<8192x64xf32, #tpu.memory_space<vmem_shared>>) offsets(%dma_start3A_135 : memref<128xi32, #tpu.memory_space<vmem>>) semaphore(%run_scoped3A_130 : memref<!tpu.dma_semaphore, #tpu.memory_space<semaphore_mem>>) {add = true}
      %dma_wait3A = arith.constant 0 : i32
      %dma_wait3A_139 = arith.constant 0 : i32
      %dma_wait3A_140 = tpu.memref_slice %arg6[%dma_wait3A, %dma_wait3A_139] : memref<512x64xf32, #tpu.memory_space<vmem>> -> memref<128x64xf32, #tpu.memory_space<vmem>>
      %dma_wait3A_141 = arith.constant 0 : i32
      %dma_wait3A_142 = tpu.memref_slice %arg7[%run_scoped3A_125, %dma_wait3A_141] : memref<4x128xi32, #tpu.memory_space<vmem>> -> memref<1x128xi32, #tpu.memory_space<vmem>>
      %dma_wait3A_143 = tpu.memref_squeeze %dma_wait3A_142 : memref<1x128xi32, #tpu.memory_space<vmem>> -> memref<128xi32, #tpu.memory_space<vmem>>
      %dma_wait3A_144 = arith.constant 0 : i32
      %dma_wait3A_145 = arith.constant 0 : i32
      %dma_wait3A_146 = tpu.memref_slice %arg8[%dma_wait3A_144, %dma_wait3A_145] : memref<8192x64xf32, #tpu.memory_space<vmem_shared>> -> memref<8192x64xf32, #tpu.memory_space<vmem_shared>>
      tpu.wait_indirect_dma semaphore(%run_scoped3A_130 : memref<!tpu.dma_semaphore, #tpu.memory_space<semaphore_mem>>) src(%dma_wait3A_140 : memref<128x64xf32, #tpu.memory_space<vmem>>) dst(%dma_wait3A_146 : memref<8192x64xf32, #tpu.memory_space<vmem_shared>>)
      tpu.yield
    }) : () -> ()
    %run_scoped3A_126 = arith.constant 1 : i32
    "tpu.region"() ({
      %run_scoped3A_130 = tpu.sem_alloc : memref<!tpu.dma_semaphore, #tpu.memory_space<semaphore_mem>>
      %dma_start3A = arith.constant 128 : i32
      %dma_start3A_131 = arith.constant 0 : i32
      %dma_start3A_132 = tpu.memref_slice %arg6[%dma_start3A, %dma_start3A_131] : memref<512x64xf32, #tpu.memory_space<vmem>> -> memref<128x64xf32, #tpu.memory_space<vmem>>
      %dma_start3A_133 = arith.constant 0 : i32
      %dma_start3A_134 = tpu.memref_slice %arg7[%run_scoped3A_126, %dma_start3A_133] : memref<4x128xi32, #tpu.memory_space<vmem>> -> memref<1x128xi32, #tpu.memory_space<vmem>>
      %dma_start3A_135 = tpu.memref_squeeze %dma_start3A_134 : memref<1x128xi32, #tpu.memory_space<vmem>> -> memref<128xi32, #tpu.memory_space<vmem>>
      %dma_start3A_136 = arith.constant 0 : i32
      %dma_start3A_137 = arith.constant 0 : i32
      %dma_start3A_138 = tpu.memref_slice %arg8[%dma_start3A_136, %dma_start3A_137] : memref<8192x64xf32, #tpu.memory_space<vmem_shared>> -> memref<8192x64xf32, #tpu.memory_space<vmem_shared>>
      tpu.enqueue_indirect_dma source(%dma_start3A_132 : memref<128x64xf32, #tpu.memory_space<vmem>>) target(%dma_start3A_138 : memref<8192x64xf32, #tpu.memory_space<vmem_shared>>) offsets(%dma_start3A_135 : memref<128xi32, #tpu.memory_space<vmem>>) semaphore(%run_scoped3A_130 : memref<!tpu.dma_semaphore, #tpu.memory_space<semaphore_mem>>) {add = true}
      %dma_wait3A = arith.constant 128 : i32
      %dma_wait3A_139 = arith.constant 0 : i32
      %dma_wait3A_140 = tpu.memref_slice %arg6[%dma_wait3A, %dma_wait3A_139] : memref<512x64xf32, #tpu.memory_space<vmem>> -> memref<128x64xf32, #tpu.memory_space<vmem>>
      %dma_wait3A_141 = arith.constant 0 : i32
      %dma_wait3A_142 = tpu.memref_slice %arg7[%run_scoped3A_126, %dma_wait3A_141] : memref<4x128xi32, #tpu.memory_space<vmem>> -> memref<1x128xi32, #tpu.memory_space<vmem>>
      %dma_wait3A_143 = tpu.memref_squeeze %dma_wait3A_142 : memref<1x128xi32, #tpu.memory_space<vmem>> -> memref<128xi32, #tpu.memory_space<vmem>>
      %dma_wait3A_144 = arith.constant 0 : i32
      %dma_wait3A_145 = arith.constant 0 : i32
      %dma_wait3A_146 = tpu.memref_slice %arg8[%dma_wait3A_144, %dma_wait3A_145] : memref<8192x64xf32, #tpu.memory_space<vmem_shared>> -> memref<8192x64xf32, #tpu.memory_space<vmem_shared>>
      tpu.wait_indirect_dma semaphore(%run_scoped3A_130 : memref<!tpu.dma_semaphore, #tpu.memory_space<semaphore_mem>>) src(%dma_wait3A_140 : memref<128x64xf32, #tpu.memory_space<vmem>>) dst(%dma_wait3A_146 : memref<8192x64xf32, #tpu.memory_space<vmem_shared>>)
      tpu.yield
    }) : () -> ()
    %run_scoped3A_127 = arith.constant 2 : i32
    "tpu.region"() ({
      %run_scoped3A_130 = tpu.sem_alloc : memref<!tpu.dma_semaphore, #tpu.memory_space<semaphore_mem>>
      %dma_start3A = arith.constant 256 : i32
      %dma_start3A_131 = arith.constant 0 : i32
      %dma_start3A_132 = tpu.memref_slice %arg6[%dma_start3A, %dma_start3A_131] : memref<512x64xf32, #tpu.memory_space<vmem>> -> memref<128x64xf32, #tpu.memory_space<vmem>>
      %dma_start3A_133 = arith.constant 0 : i32
      %dma_start3A_134 = tpu.memref_slice %arg7[%run_scoped3A_127, %dma_start3A_133] : memref<4x128xi32, #tpu.memory_space<vmem>> -> memref<1x128xi32, #tpu.memory_space<vmem>>
      %dma_start3A_135 = tpu.memref_squeeze %dma_start3A_134 : memref<1x128xi32, #tpu.memory_space<vmem>> -> memref<128xi32, #tpu.memory_space<vmem>>
      %dma_start3A_136 = arith.constant 0 : i32
      %dma_start3A_137 = arith.constant 0 : i32
      %dma_start3A_138 = tpu.memref_slice %arg8[%dma_start3A_136, %dma_start3A_137] : memref<8192x64xf32, #tpu.memory_space<vmem_shared>> -> memref<8192x64xf32, #tpu.memory_space<vmem_shared>>
      tpu.enqueue_indirect_dma source(%dma_start3A_132 : memref<128x64xf32, #tpu.memory_space<vmem>>) target(%dma_start3A_138 : memref<8192x64xf32, #tpu.memory_space<vmem_shared>>) offsets(%dma_start3A_135 : memref<128xi32, #tpu.memory_space<vmem>>) semaphore(%run_scoped3A_130 : memref<!tpu.dma_semaphore, #tpu.memory_space<semaphore_mem>>) {add = true}
      %dma_wait3A = arith.constant 256 : i32
      %dma_wait3A_139 = arith.constant 0 : i32
      %dma_wait3A_140 = tpu.memref_slice %arg6[%dma_wait3A, %dma_wait3A_139] : memref<512x64xf32, #tpu.memory_space<vmem>> -> memref<128x64xf32, #tpu.memory_space<vmem>>
      %dma_wait3A_141 = arith.constant 0 : i32
      %dma_wait3A_142 = tpu.memref_slice %arg7[%run_scoped3A_127, %dma_wait3A_141] : memref<4x128xi32, #tpu.memory_space<vmem>> -> memref<1x128xi32, #tpu.memory_space<vmem>>
      %dma_wait3A_143 = tpu.memref_squeeze %dma_wait3A_142 : memref<1x128xi32, #tpu.memory_space<vmem>> -> memref<128xi32, #tpu.memory_space<vmem>>
      %dma_wait3A_144 = arith.constant 0 : i32
      %dma_wait3A_145 = arith.constant 0 : i32
      %dma_wait3A_146 = tpu.memref_slice %arg8[%dma_wait3A_144, %dma_wait3A_145] : memref<8192x64xf32, #tpu.memory_space<vmem_shared>> -> memref<8192x64xf32, #tpu.memory_space<vmem_shared>>
      tpu.wait_indirect_dma semaphore(%run_scoped3A_130 : memref<!tpu.dma_semaphore, #tpu.memory_space<semaphore_mem>>) src(%dma_wait3A_140 : memref<128x64xf32, #tpu.memory_space<vmem>>) dst(%dma_wait3A_146 : memref<8192x64xf32, #tpu.memory_space<vmem_shared>>)
      tpu.yield
    }) : () -> ()
    %run_scoped3A_128 = arith.constant 3 : i32
    "tpu.region"() ({
      %run_scoped3A_130 = tpu.sem_alloc : memref<!tpu.dma_semaphore, #tpu.memory_space<semaphore_mem>>
      %dma_start3A = arith.constant 384 : i32
      %dma_start3A_131 = arith.constant 0 : i32
      %dma_start3A_132 = tpu.memref_slice %arg6[%dma_start3A, %dma_start3A_131] : memref<512x64xf32, #tpu.memory_space<vmem>> -> memref<128x64xf32, #tpu.memory_space<vmem>>
      %dma_start3A_133 = arith.constant 0 : i32
      %dma_start3A_134 = tpu.memref_slice %arg7[%run_scoped3A_128, %dma_start3A_133] : memref<4x128xi32, #tpu.memory_space<vmem>> -> memref<1x128xi32, #tpu.memory_space<vmem>>
      %dma_start3A_135 = tpu.memref_squeeze %dma_start3A_134 : memref<1x128xi32, #tpu.memory_space<vmem>> -> memref<128xi32, #tpu.memory_space<vmem>>
      %dma_start3A_136 = arith.constant 0 : i32
      %dma_start3A_137 = arith.constant 0 : i32
      %dma_start3A_138 = tpu.memref_slice %arg8[%dma_start3A_136, %dma_start3A_137] : memref<8192x64xf32, #tpu.memory_space<vmem_shared>> -> memref<8192x64xf32, #tpu.memory_space<vmem_shared>>
      tpu.enqueue_indirect_dma source(%dma_start3A_132 : memref<128x64xf32, #tpu.memory_space<vmem>>) target(%dma_start3A_138 : memref<8192x64xf32, #tpu.memory_space<vmem_shared>>) offsets(%dma_start3A_135 : memref<128xi32, #tpu.memory_space<vmem>>) semaphore(%run_scoped3A_130 : memref<!tpu.dma_semaphore, #tpu.memory_space<semaphore_mem>>) {add = true}
      %dma_wait3A = arith.constant 384 : i32
      %dma_wait3A_139 = arith.constant 0 : i32
      %dma_wait3A_140 = tpu.memref_slice %arg6[%dma_wait3A, %dma_wait3A_139] : memref<512x64xf32, #tpu.memory_space<vmem>> -> memref<128x64xf32, #tpu.memory_space<vmem>>
      %dma_wait3A_141 = arith.constant 0 : i32
      %dma_wait3A_142 = tpu.memref_slice %arg7[%run_scoped3A_128, %dma_wait3A_141] : memref<4x128xi32, #tpu.memory_space<vmem>> -> memref<1x128xi32, #tpu.memory_space<vmem>>
      %dma_wait3A_143 = tpu.memref_squeeze %dma_wait3A_142 : memref<1x128xi32, #tpu.memory_space<vmem>> -> memref<128xi32, #tpu.memory_space<vmem>>
      %dma_wait3A_144 = arith.constant 0 : i32
      %dma_wait3A_145 = arith.constant 0 : i32
      %dma_wait3A_146 = tpu.memref_slice %arg8[%dma_wait3A_144, %dma_wait3A_145] : memref<8192x64xf32, #tpu.memory_space<vmem_shared>> -> memref<8192x64xf32, #tpu.memory_space<vmem_shared>>
      tpu.wait_indirect_dma semaphore(%run_scoped3A_130 : memref<!tpu.dma_semaphore, #tpu.memory_space<semaphore_mem>>) src(%dma_wait3A_140 : memref<128x64xf32, #tpu.memory_space<vmem>>) dst(%dma_wait3A_146 : memref<8192x64xf32, #tpu.memory_space<vmem_shared>>)
      tpu.yield
    }) : () -> ()
    %barrier3A_129 = arith.constant 0 : index
    tpu.barrier barrier_id(%barrier3A_129)
    "tpu.region"() ({
      %run_scoped3A_130 = tpu.sem_alloc : memref<!tpu.dma_semaphore, #tpu.memory_space<semaphore_mem>>
      %dma_start3A = arith.constant 0 : i32
      %dma_start3A_131 = tpu.memref_slice %arg8[%mul3A_2, %dma_start3A] : memref<8192x64xf32, #tpu.memory_space<vmem_shared>> -> memref<512x64xf32, #tpu.memory_space<vmem_shared>>
      %dma_start3A_132 = arith.constant 0 : i32
      %dma_start3A_133 = tpu.memref_slice %arg8[%mul3A_2, %dma_start3A_132] : memref<8192x64xf32, #tpu.memory_space<vmem_shared>> -> memref<512x64xf32, #tpu.memory_space<vmem_shared>>
      tpu.enqueue_dma source(%dma_start3A_133 : memref<512x64xf32, #tpu.memory_space<vmem_shared>>) target(%arg9 : memref<512x64xf32, #tpu.memory_space<vmem>>) target_semaphore(%run_scoped3A_130 : memref<!tpu.dma_semaphore, #tpu.memory_space<semaphore_mem>>)
      %dma_wait3A = arith.constant 0 : i32
      %dma_wait3A_134 = tpu.memref_slice %arg8[%mul3A_2, %dma_wait3A] : memref<8192x64xf32, #tpu.memory_space<vmem_shared>> -> memref<512x64xf32, #tpu.memory_space<vmem_shared>>
      %dma_wait3A_135 = arith.constant 0 : i32
      %dma_wait3A_136 = tpu.memref_slice %arg8[%mul3A_2, %dma_wait3A_135] : memref<8192x64xf32, #tpu.memory_space<vmem_shared>> -> memref<512x64xf32, #tpu.memory_space<vmem_shared>>
      tpu.wait_dma2 semaphore(%run_scoped3A_130 : memref<!tpu.dma_semaphore, #tpu.memory_space<semaphore_mem>>) src(%dma_wait3A_136 : memref<512x64xf32, #tpu.memory_space<vmem_shared>>) dst(%arg9 : memref<512x64xf32, #tpu.memory_space<vmem>>)
      tpu.yield
    }) : () -> ()
    "tpu.region"() ({
      %run_scoped3A_130 = tpu.sem_alloc : memref<!tpu.dma_semaphore, #tpu.memory_space<semaphore_mem>>
      %dma_start3A = arith.constant 0 : i32
      %dma_start3A_131 = arith.constant 0 : i32
      %dma_start3A_132 = tpu.memref_slice %arg5[%arg0, %dma_start3A, %dma_start3A_131] : memref<2x8192x64xf32, #tpu.memory_space<hbm>> -> memref<1x8192x64xf32, #tpu.memory_space<hbm>>
      %dma_start3A_133 = tpu.memref_squeeze %dma_start3A_132 : memref<1x8192x64xf32, #tpu.memory_space<hbm>> -> memref<8192x64xf32, #tpu.memory_space<hbm>>
      %dma_start3A_134 = arith.constant 0 : i32
      %dma_start3A_135 = tpu.memref_slice %dma_start3A_133[%mul3A_2, %dma_start3A_134] : memref<8192x64xf32, #tpu.memory_space<hbm>> -> memref<512x64xf32, #tpu.memory_space<hbm>>
      %dma_start3A_136 = arith.constant 0 : i32
      %dma_start3A_137 = arith.constant 0 : i32
      %dma_start3A_138 = tpu.memref_slice %arg5[%arg0, %dma_start3A_136, %dma_start3A_137] : memref<2x8192x64xf32, #tpu.memory_space<hbm>> -> memref<1x8192x64xf32, #tpu.memory_space<hbm>>
      %dma_start3A_139 = tpu.memref_squeeze %dma_start3A_138 : memref<1x8192x64xf32, #tpu.memory_space<hbm>> -> memref<8192x64xf32, #tpu.memory_space<hbm>>
      %dma_start3A_140 = arith.constant 0 : i32
      %dma_start3A_141 = tpu.memref_slice %dma_start3A_139[%mul3A_2, %dma_start3A_140] : memref<8192x64xf32, #tpu.memory_space<hbm>> -> memref<512x64xf32, #tpu.memory_space<hbm>>
      tpu.enqueue_dma source(%arg9 : memref<512x64xf32, #tpu.memory_space<vmem>>) target(%dma_start3A_141 : memref<512x64xf32, #tpu.memory_space<hbm>>) target_semaphore(%run_scoped3A_130 : memref<!tpu.dma_semaphore, #tpu.memory_space<semaphore_mem>>)
      %dma_wait3A = arith.constant 0 : i32
      %dma_wait3A_142 = arith.constant 0 : i32
      %dma_wait3A_143 = tpu.memref_slice %arg5[%arg0, %dma_wait3A, %dma_wait3A_142] : memref<2x8192x64xf32, #tpu.memory_space<hbm>> -> memref<1x8192x64xf32, #tpu.memory_space<hbm>>
      %dma_wait3A_144 = tpu.memref_squeeze %dma_wait3A_143 : memref<1x8192x64xf32, #tpu.memory_space<hbm>> -> memref<8192x64xf32, #tpu.memory_space<hbm>>
      %dma_wait3A_145 = arith.constant 0 : i32
      %dma_wait3A_146 = tpu.memref_slice %dma_wait3A_144[%mul3A_2, %dma_wait3A_145] : memref<8192x64xf32, #tpu.memory_space<hbm>> -> memref<512x64xf32, #tpu.memory_space<hbm>>
      %dma_wait3A_147 = arith.constant 0 : i32
      %dma_wait3A_148 = arith.constant 0 : i32
      %dma_wait3A_149 = tpu.memref_slice %arg5[%arg0, %dma_wait3A_147, %dma_wait3A_148] : memref<2x8192x64xf32, #tpu.memory_space<hbm>> -> memref<1x8192x64xf32, #tpu.memory_space<hbm>>
      %dma_wait3A_150 = tpu.memref_squeeze %dma_wait3A_149 : memref<1x8192x64xf32, #tpu.memory_space<hbm>> -> memref<8192x64xf32, #tpu.memory_space<hbm>>
      %dma_wait3A_151 = arith.constant 0 : i32
      %dma_wait3A_152 = tpu.memref_slice %dma_wait3A_150[%mul3A_2, %dma_wait3A_151] : memref<8192x64xf32, #tpu.memory_space<hbm>> -> memref<512x64xf32, #tpu.memory_space<hbm>>
      tpu.wait_dma2 semaphore(%run_scoped3A_130 : memref<!tpu.dma_semaphore, #tpu.memory_space<semaphore_mem>>) src(%arg9 : memref<512x64xf32, #tpu.memory_space<vmem>>) dst(%dma_wait3A_152 : memref<512x64xf32, #tpu.memory_space<hbm>>)
      tpu.yield
    }) : () -> ()
    return
  }
}

module attributes {stable_mosaic.version = 14 : i64} {
  func.func @_edge_body(%arg0: i32, %arg1: memref<4096x64xf32, #tpu.memory_space<vmem>>, %arg2: memref<4096x64xf32, #tpu.memory_space<vmem>>, %arg3: memref<4096x64xf32, #tpu.memory_space<vmem>>, %arg4: memref<4096x1xf32, #tpu.memory_space<vmem>>, %arg5: memref<128x64xf32, #tpu.memory_space<vmem>>, %arg6: memref<192x64xf32, #tpu.memory_space<vmem>>, %arg7: memref<1x64xf32, #tpu.memory_space<vmem>>, %arg8: memref<1x64xf32, #tpu.memory_space<vmem>>, %arg9: memref<4096x64xf32, #tpu.memory_space<vmem>>) attributes {dimension_semantics = [#tpu.dimension_semantics<arbitrary>], iteration_bounds = array<i64: 16>, scalar_prefetch = 0 : i64, scratch_operands = 0 : i64, tpu.core_type = #tpu.core_type<tc>, window_params = [{transform_indices = @transform_0, window_bounds = array<i64: 4096, 64>}, {transform_indices = @transform_1, window_bounds = array<i64: 4096, 64>}, {transform_indices = @transform_2, window_bounds = array<i64: 4096, 64>}, {transform_indices = @transform_3, window_bounds = array<i64: 4096, 1>}, {pipeline_mode = #tpu.pipeline_mode<synchronous>, transform_indices = @transform_4, window_bounds = array<i64: 128, 64>}, {pipeline_mode = #tpu.pipeline_mode<synchronous>, transform_indices = @transform_5, window_bounds = array<i64: 192, 64>}, {pipeline_mode = #tpu.pipeline_mode<synchronous>, transform_indices = @transform_6, window_bounds = array<i64: 1, 64>}, {pipeline_mode = #tpu.pipeline_mode<synchronous>, transform_indices = @transform_7, window_bounds = array<i64: 1, 64>}, {transform_indices = @transform_8, window_bounds = array<i64: 4096, 64>}]} {
    %get3A = arith.constant 0 : index
    %get3A_0 = arith.constant 0 : index
    %get3A_1 = vector.load %arg1[%get3A, %get3A_0] : memref<4096x64xf32, #tpu.memory_space<vmem>>, vector<4096x64xf32>
    %get3A_2 = arith.constant 0 : index
    %get3A_3 = arith.constant 0 : index
    %get3A_4 = vector.load %arg2[%get3A_2, %get3A_3] : memref<4096x64xf32, #tpu.memory_space<vmem>>, vector<4096x64xf32>
    %get3A_5 = arith.constant 0 : index
    %get3A_6 = arith.constant 0 : index
    %get3A_7 = vector.load %arg3[%get3A_5, %get3A_6] : memref<4096x64xf32, #tpu.memory_space<vmem>>, vector<4096x64xf32>
    %get3A_8 = arith.constant 0 : index
    %get3A_9 = arith.constant 0 : index
    %get3A_10 = vector.load %arg5[%get3A_8, %get3A_9] : memref<128x64xf32, #tpu.memory_space<vmem>>, vector<128x64xf32>
    %get3A_11 = arith.constant 0 : index
    %get3A_12 = arith.constant 0 : index
    %get3A_13 = vector.load %arg6[%get3A_11, %get3A_12] : memref<192x64xf32, #tpu.memory_space<vmem>>, vector<192x64xf32>
    %slice3A = vector.extract_strided_slice %get3A_10 {offsets = [0, 0], sizes = [64, 64], strides = [1, 1]} : vector<128x64xf32> to vector<64x64xf32>
    %dot_general3A = arith.constant dense<0.000000e+00> : vector<4096x64xf32>
    %dot_general3A_14 = tpu.matmul %get3A_4, %slice3A, %dot_general3A {dimension_numbers = #tpu.dot_dimension_numbers<[1], [0], [0], [1], [0, 0, 1, 1], [], []>, transpose_lhs_hint = false} : vector<4096x64xf32>, vector<64x64xf32>, vector<4096x64xf32> -> vector<4096x64xf32>
    %slice3A_15 = vector.extract_strided_slice %get3A_10 {offsets = [64, 0], sizes = [64, 64], strides = [1, 1]} : vector<128x64xf32> to vector<64x64xf32>
    %dot_general3A_16 = arith.constant dense<0.000000e+00> : vector<4096x64xf32>
    %dot_general3A_17 = tpu.matmul %get3A_7, %slice3A_15, %dot_general3A_16 {dimension_numbers = #tpu.dot_dimension_numbers<[1], [0], [0], [1], [0, 0, 1, 1], [], []>, transpose_lhs_hint = false} : vector<4096x64xf32>, vector<64x64xf32>, vector<4096x64xf32> -> vector<4096x64xf32>
    %add3A = arith.addf %dot_general3A_14, %dot_general3A_17 : vector<4096x64xf32>
    %get3A_18 = arith.constant 0 : index
    %get3A_19 = arith.constant 0 : index
    %get3A_20 = vector.load %arg7[%get3A_18, %get3A_19] : memref<1x64xf32, #tpu.memory_space<vmem>>, vector<1x64xf32>
    %add3A_21 = vector.broadcast %get3A_20 : vector<1x64xf32> to vector<4096x64xf32>
    %add3A_22 = arith.addf %add3A, %add3A_21 : vector<4096x64xf32>
    %slice3A_23 = vector.extract_strided_slice %get3A_13 {offsets = [0, 0], sizes = [64, 64], strides = [1, 1]} : vector<192x64xf32> to vector<64x64xf32>
    %dot_general3A_24 = arith.constant dense<0.000000e+00> : vector<4096x64xf32>
    %dot_general3A_25 = tpu.matmul %get3A_1, %slice3A_23, %dot_general3A_24 {dimension_numbers = #tpu.dot_dimension_numbers<[1], [0], [0], [1], [0, 0, 1, 1], [], []>, transpose_lhs_hint = false} : vector<4096x64xf32>, vector<64x64xf32>, vector<4096x64xf32> -> vector<4096x64xf32>
    %slice3A_26 = vector.extract_strided_slice %get3A_13 {offsets = [64, 0], sizes = [64, 64], strides = [1, 1]} : vector<192x64xf32> to vector<64x64xf32>
    %dot_general3A_27 = arith.constant dense<0.000000e+00> : vector<4096x64xf32>
    %dot_general3A_28 = tpu.matmul %get3A_4, %slice3A_26, %dot_general3A_27 {dimension_numbers = #tpu.dot_dimension_numbers<[1], [0], [0], [1], [0, 0, 1, 1], [], []>, transpose_lhs_hint = false} : vector<4096x64xf32>, vector<64x64xf32>, vector<4096x64xf32> -> vector<4096x64xf32>
    %add3A_29 = arith.addf %dot_general3A_25, %dot_general3A_28 : vector<4096x64xf32>
    %slice3A_30 = vector.extract_strided_slice %get3A_13 {offsets = [128, 0], sizes = [64, 64], strides = [1, 1]} : vector<192x64xf32> to vector<64x64xf32>
    %dot_general3A_31 = arith.constant dense<0.000000e+00> : vector<4096x64xf32>
    %dot_general3A_32 = tpu.matmul %get3A_7, %slice3A_30, %dot_general3A_31 {dimension_numbers = #tpu.dot_dimension_numbers<[1], [0], [0], [1], [0, 0, 1, 1], [], []>, transpose_lhs_hint = false} : vector<4096x64xf32>, vector<64x64xf32>, vector<4096x64xf32> -> vector<4096x64xf32>
    %add3A_33 = arith.addf %add3A_29, %dot_general3A_32 : vector<4096x64xf32>
    %get3A_34 = arith.constant 0 : index
    %get3A_35 = arith.constant 0 : index
    %get3A_36 = vector.load %arg8[%get3A_34, %get3A_35] : memref<1x64xf32, #tpu.memory_space<vmem>>, vector<1x64xf32>
    %add3A_37 = vector.broadcast %get3A_36 : vector<1x64xf32> to vector<4096x64xf32>
    %add3A_38 = arith.addf %add3A_33, %add3A_37 : vector<4096x64xf32>
    %max3A = arith.constant 0.000000e+00 : f32
    %max3A_39 = vector.broadcast %max3A : f32 to vector<4096x64xf32>
    %max3A_40 = arith.maximumf %add3A_22, %max3A_39 : vector<4096x64xf32>
    %logistic3A = arith.negf %add3A_38 : vector<4096x64xf32>
    %logistic3A_41 = math.exp %logistic3A : vector<4096x64xf32>
    %logistic3A_42 = arith.constant 1.000000e+00 : f32
    %logistic3A_43 = vector.broadcast %logistic3A_42 : f32 to vector<4096x64xf32>
    %logistic3A_44 = arith.addf %logistic3A_43, %logistic3A_41 : vector<4096x64xf32>
    %logistic3A_45 = arith.divf %logistic3A_43, %logistic3A_44 : vector<4096x64xf32>
    %mul3A = arith.mulf %max3A_40, %logistic3A_45 : vector<4096x64xf32>
    %get3A_46 = arith.constant 0 : index
    %get3A_47 = arith.constant 0 : index
    %get3A_48 = vector.load %arg4[%get3A_46, %get3A_47] : memref<4096x1xf32, #tpu.memory_space<vmem>>, vector<4096x1xf32>
    %mul3A_49 = vector.broadcast %get3A_48 : vector<4096x1xf32> to vector<4096x64xf32>
    %mul3A_50 = arith.mulf %mul3A, %mul3A_49 : vector<4096x64xf32>
    %swap3A = arith.constant 0 : index
    %swap3A_51 = arith.constant 0 : index
    %swap3A_52 = vector.load %arg9[%swap3A, %swap3A_51] : memref<4096x64xf32, #tpu.memory_space<vmem>>, vector<4096x64xf32>
    tpu.vector_store %arg9[%swap3A, %swap3A_51], %mul3A_50 {strides = array<i32>} : memref<4096x64xf32, #tpu.memory_space<vmem>>, vector<4096x64xf32>,
    return
  }
  func.func @transform_0(%arg0: i32) -> (i32, i32) {
    %c0_i32 = arith.constant 0 : i32
    %c0_i32_0 = arith.constant 0 : i32
    return %arg0, %c0_i32 : i32, i32
  }
  func.func @transform_1(%arg0: i32) -> (i32, i32) {
    %c0_i32 = arith.constant 0 : i32
    %c0_i32_0 = arith.constant 0 : i32
    return %arg0, %c0_i32 : i32, i32
  }
  func.func @transform_2(%arg0: i32) -> (i32, i32) {
    %c0_i32 = arith.constant 0 : i32
    %c0_i32_0 = arith.constant 0 : i32
    return %arg0, %c0_i32 : i32, i32
  }
  func.func @transform_3(%arg0: i32) -> (i32, i32) {
    %c0_i32 = arith.constant 0 : i32
    %c0_i32_0 = arith.constant 0 : i32
    return %arg0, %c0_i32 : i32, i32
  }
  func.func @transform_4(%arg0: i32) -> (i32, i32) {
    %c0_i32 = arith.constant 0 : i32
    %c0_i32_0 = arith.constant 0 : i32
    %c0_i32_1 = arith.constant 0 : i32
    return %c0_i32, %c0_i32_0 : i32, i32
  }
  func.func @transform_5(%arg0: i32) -> (i32, i32) {
    %c0_i32 = arith.constant 0 : i32
    %c0_i32_0 = arith.constant 0 : i32
    %c0_i32_1 = arith.constant 0 : i32
    return %c0_i32, %c0_i32_0 : i32, i32
  }
  func.func @transform_6(%arg0: i32) -> (i32, i32) {
    %c0_i32 = arith.constant 0 : i32
    %c0_i32_0 = arith.constant 0 : i32
    %c0_i32_1 = arith.constant 0 : i32
    return %c0_i32, %c0_i32_0 : i32, i32
  }
  func.func @transform_7(%arg0: i32) -> (i32, i32) {
    %c0_i32 = arith.constant 0 : i32
    %c0_i32_0 = arith.constant 0 : i32
    %c0_i32_1 = arith.constant 0 : i32
    return %c0_i32, %c0_i32_0 : i32, i32
  }
  func.func @transform_8(%arg0: i32) -> (i32, i32) {
    %c0_i32 = arith.constant 0 : i32
    %c0_i32_0 = arith.constant 0 : i32
    return %arg0, %c0_i32 : i32, i32
  }
}

module attributes {stable_mosaic.version = 14 : i64} {
  func.func @_eagg_body(%arg0: i32, %arg1: memref<1x96x64xf32, #tpu.memory_space<vmem>>, %arg2: memref<1x64x64xf32, #tpu.memory_space<vmem>>, %arg3: memref<1x96x64xf32, #tpu.memory_space<vmem>>) attributes {dimension_semantics = [#tpu.dimension_semantics<arbitrary>], iteration_bounds = array<i64: 128>, scalar_prefetch = 0 : i64, scratch_operands = 0 : i64, tpu.core_type = #tpu.core_type<tc>, window_params = [{transform_indices = @transform_0, window_bounds = array<i64: 1, 96, 64>}, {transform_indices = @transform_1, window_bounds = array<i64: 1, 64, 64>}, {transform_indices = @transform_2, window_bounds = array<i64: 1, 96, 64>}]} {
    %get3A = arith.constant 0 : index
    %get3A_0 = arith.constant 0 : index
    %get3A_1 = arith.constant 0 : index
    %get3A_2 = vector.load %arg1[%get3A, %get3A_0, %get3A_1] : memref<1x96x64xf32, #tpu.memory_space<vmem>>, vector<1x96x64xf32>
    %get3A_3 = vector.shape_cast %get3A_2 : vector<1x96x64xf32> to vector<96x64xf32>
    %get3A_4 = arith.constant 0 : index
    %get3A_5 = arith.constant 0 : index
    %get3A_6 = arith.constant 0 : index
    %get3A_7 = vector.load %arg2[%get3A_4, %get3A_5, %get3A_6] : memref<1x64x64xf32, #tpu.memory_space<vmem>>, vector<1x64x64xf32>
    %get3A_8 = vector.shape_cast %get3A_7 : vector<1x64x64xf32> to vector<64x64xf32>
    %dot_general3A = arith.constant dense<0.000000e+00> : vector<96x64xf32>
    %dot_general3A_9 = tpu.matmul %get3A_3, %get3A_8, %dot_general3A {dimension_numbers = #tpu.dot_dimension_numbers<[1], [0], [0], [1], [0, 0, 1, 1], [], []>, transpose_lhs_hint = false} : vector<96x64xf32>, vector<64x64xf32>, vector<96x64xf32> -> vector<96x64xf32>
    %swap3A = arith.constant 0 : index
    %swap3A_10 = arith.constant 0 : index
    %swap3A_11 = arith.constant 0 : index
    %swap3A_12 = vector.load %arg3[%swap3A, %swap3A_10, %swap3A_11] : memref<1x96x64xf32, #tpu.memory_space<vmem>>, vector<1x96x64xf32>
    %swap3A_13 = vector.shape_cast %swap3A_12 : vector<1x96x64xf32> to vector<96x64xf32>
    %swap3A_14 = vector.shape_cast %dot_general3A_9 : vector<96x64xf32> to vector<1x96x64xf32>
    tpu.vector_store %arg3[%swap3A, %swap3A_10, %swap3A_11], %swap3A_14 {strides = array<i32>} : memref<1x96x64xf32, #tpu.memory_space<vmem>>, vector<1x96x64xf32>,
    return
  }
  func.func @transform_0(%arg0: i32) -> (i32, i32, i32) {
    %c0_i32 = arith.constant 0 : i32
    %c0_i32_0 = arith.constant 0 : i32
    %c0_i32_1 = arith.constant 0 : i32
    return %arg0, %c0_i32, %c0_i32_0 : i32, i32, i32
  }
  func.func @transform_1(%arg0: i32) -> (i32, i32, i32) {
    %c0_i32 = arith.constant 0 : i32
    %c0_i32_0 = arith.constant 0 : i32
    %c0_i32_1 = arith.constant 0 : i32
    return %arg0, %c0_i32, %c0_i32_0 : i32, i32, i32
  }
  func.func @transform_2(%arg0: i32) -> (i32, i32, i32) {
    %c0_i32 = arith.constant 0 : i32
    %c0_i32_0 = arith.constant 0 : i32
    %c0_i32_1 = arith.constant 0 : i32
    return %arg0, %c0_i32, %c0_i32_0 : i32, i32, i32
  }
}

module attributes {stable_mosaic.version = 14 : i64} {
  func.func @_tail_body(%arg0: memref<8192x64xf32, #tpu.memory_space<vmem>>, %arg1: memref<12288x64xf32, #tpu.memory_space<vmem>>, %arg2: memref<64x64xf32, #tpu.memory_space<vmem>>, %arg3: memref<1x64xf32, #tpu.memory_space<vmem>>, %arg4: memref<1x64xf32, #tpu.memory_space<vmem>>, %arg5: memref<1x64xf32, #tpu.memory_space<vmem>>, %arg6: memref<64x64xf32, #tpu.memory_space<vmem>>, %arg7: memref<1x64xf32, #tpu.memory_space<vmem>>, %arg8: memref<1x64xf32, #tpu.memory_space<vmem>>, %arg9: memref<1x64xf32, #tpu.memory_space<vmem>>, %arg10: memref<64x64xf32, #tpu.memory_space<vmem>>, %arg11: memref<1x64xf32, #tpu.memory_space<vmem>>, %arg12: memref<1x64xf32, #tpu.memory_space<vmem>>, %arg13: memref<1x64xf32, #tpu.memory_space<vmem>>, %arg14: memref<64x64xf32, #tpu.memory_space<vmem>>, %arg15: memref<1x64xf32, #tpu.memory_space<vmem>>, %arg16: memref<1x64xf32, #tpu.memory_space<vmem>>, %arg17: memref<1x64xf32, #tpu.memory_space<vmem>>, %arg18: memref<64x64xf32, #tpu.memory_space<vmem>>, %arg19: memref<1x64xf32, #tpu.memory_space<vmem>>, %arg20: memref<1x64xf32, #tpu.memory_space<vmem>>, %arg21: memref<1x64xf32, #tpu.memory_space<vmem>>, %arg22: memref<64x64xf32, #tpu.memory_space<vmem>>, %arg23: memref<1x64xf32, #tpu.memory_space<vmem>>, %arg24: memref<1x64xf32, #tpu.memory_space<vmem>>, %arg25: memref<1x64xf32, #tpu.memory_space<vmem>>, %arg26: memref<8192x64xf32, #tpu.memory_space<vmem>>, %arg27: memref<12288x64xf32, #tpu.memory_space<vmem>>) attributes {dimension_semantics = [], scalar_prefetch = 0 : i64, scratch_operands = 0 : i64, tpu.core_type = #tpu.core_type<tc>} {
    %get3A = arith.constant 0 : index
    %get3A_0 = arith.constant 0 : index
    %get3A_1 = vector.load %arg2[%get3A, %get3A_0] : memref<64x64xf32, #tpu.memory_space<vmem>>, vector<64x64xf32>
    %get3A_2 = arith.constant 0 : index
    %get3A_3 = arith.constant 0 : index
    %get3A_4 = vector.load %arg3[%get3A_2, %get3A_3] : memref<1x64xf32, #tpu.memory_space<vmem>>, vector<1x64xf32>
    %get3A_5 = arith.constant 0 : index
    %get3A_6 = arith.constant 0 : index
    %get3A_7 = vector.load %arg4[%get3A_5, %get3A_6] : memref<1x64xf32, #tpu.memory_space<vmem>>, vector<1x64xf32>
    %get3A_8 = arith.constant 0 : index
    %get3A_9 = arith.constant 0 : index
    %get3A_10 = vector.load %arg5[%get3A_8, %get3A_9] : memref<1x64xf32, #tpu.memory_space<vmem>>, vector<1x64xf32>
    %get3A_11 = arith.constant 0 : index
    %get3A_12 = arith.constant 0 : index
    %get3A_13 = vector.load %arg6[%get3A_11, %get3A_12] : memref<64x64xf32, #tpu.memory_space<vmem>>, vector<64x64xf32>
    %get3A_14 = arith.constant 0 : index
    %get3A_15 = arith.constant 0 : index
    %get3A_16 = vector.load %arg7[%get3A_14, %get3A_15] : memref<1x64xf32, #tpu.memory_space<vmem>>, vector<1x64xf32>
    %get3A_17 = arith.constant 0 : index
    %get3A_18 = arith.constant 0 : index
    %get3A_19 = vector.load %arg8[%get3A_17, %get3A_18] : memref<1x64xf32, #tpu.memory_space<vmem>>, vector<1x64xf32>
    %get3A_20 = arith.constant 0 : index
    %get3A_21 = arith.constant 0 : index
    %get3A_22 = vector.load %arg9[%get3A_20, %get3A_21] : memref<1x64xf32, #tpu.memory_space<vmem>>, vector<1x64xf32>
    %get3A_23 = arith.constant 0 : index
    %get3A_24 = arith.constant 0 : index
    %get3A_25 = vector.load %arg10[%get3A_23, %get3A_24] : memref<64x64xf32, #tpu.memory_space<vmem>>, vector<64x64xf32>
    %get3A_26 = arith.constant 0 : index
    %get3A_27 = arith.constant 0 : index
    %get3A_28 = vector.load %arg11[%get3A_26, %get3A_27] : memref<1x64xf32, #tpu.memory_space<vmem>>, vector<1x64xf32>
    %get3A_29 = arith.constant 0 : index
    %get3A_30 = arith.constant 0 : index
    %get3A_31 = vector.load %arg12[%get3A_29, %get3A_30] : memref<1x64xf32, #tpu.memory_space<vmem>>, vector<1x64xf32>
    %get3A_32 = arith.constant 0 : index
    %get3A_33 = arith.constant 0 : index
    %get3A_34 = vector.load %arg13[%get3A_32, %get3A_33] : memref<1x64xf32, #tpu.memory_space<vmem>>, vector<1x64xf32>
    %get3A_35 = arith.constant 0 : index
    %get3A_36 = arith.constant 0 : index
    %get3A_37 = vector.load %arg14[%get3A_35, %get3A_36] : memref<64x64xf32, #tpu.memory_space<vmem>>, vector<64x64xf32>
    %get3A_38 = arith.constant 0 : index
    %get3A_39 = arith.constant 0 : index
    %get3A_40 = vector.load %arg15[%get3A_38, %get3A_39] : memref<1x64xf32, #tpu.memory_space<vmem>>, vector<1x64xf32>
    %get3A_41 = arith.constant 0 : index
    %get3A_42 = arith.constant 0 : index
    %get3A_43 = vector.load %arg16[%get3A_41, %get3A_42] : memref<1x64xf32, #tpu.memory_space<vmem>>, vector<1x64xf32>
    %get3A_44 = arith.constant 0 : index
    %get3A_45 = arith.constant 0 : index
    %get3A_46 = vector.load %arg17[%get3A_44, %get3A_45] : memref<1x64xf32, #tpu.memory_space<vmem>>, vector<1x64xf32>
    %get3A_47 = arith.constant 0 : index
    %get3A_48 = arith.constant 0 : index
    %get3A_49 = vector.load %arg18[%get3A_47, %get3A_48] : memref<64x64xf32, #tpu.memory_space<vmem>>, vector<64x64xf32>
    %get3A_50 = arith.constant 0 : index
    %get3A_51 = arith.constant 0 : index
    %get3A_52 = vector.load %arg19[%get3A_50, %get3A_51] : memref<1x64xf32, #tpu.memory_space<vmem>>, vector<1x64xf32>
    %get3A_53 = arith.constant 0 : index
    %get3A_54 = arith.constant 0 : index
    %get3A_55 = vector.load %arg20[%get3A_53, %get3A_54] : memref<1x64xf32, #tpu.memory_space<vmem>>, vector<1x64xf32>
    %get3A_56 = arith.constant 0 : index
    %get3A_57 = arith.constant 0 : index
    %get3A_58 = vector.load %arg21[%get3A_56, %get3A_57] : memref<1x64xf32, #tpu.memory_space<vmem>>, vector<1x64xf32>
    %get3A_59 = arith.constant 0 : index
    %get3A_60 = arith.constant 0 : index
    %get3A_61 = vector.load %arg22[%get3A_59, %get3A_60] : memref<64x64xf32, #tpu.memory_space<vmem>>, vector<64x64xf32>
    %get3A_62 = arith.constant 0 : index
    %get3A_63 = arith.constant 0 : index
    %get3A_64 = vector.load %arg23[%get3A_62, %get3A_63] : memref<1x64xf32, #tpu.memory_space<vmem>>, vector<1x64xf32>
    %get3A_65 = arith.constant 0 : index
    %get3A_66 = arith.constant 0 : index
    %get3A_67 = vector.load %arg24[%get3A_65, %get3A_66] : memref<1x64xf32, #tpu.memory_space<vmem>>, vector<1x64xf32>
    %get3A_68 = arith.constant 0 : index
    %get3A_69 = arith.constant 0 : index
    %get3A_70 = vector.load %arg25[%get3A_68, %get3A_69] : memref<1x64xf32, #tpu.memory_space<vmem>>, vector<1x64xf32>
    %get3A_71 = arith.constant 0 : index
    %get3A_72 = arith.constant 0 : index
    %get3A_73 = vector.load %arg0[%get3A_71, %get3A_72] : memref<8192x64xf32, #tpu.memory_space<vmem>>, vector<8192x64xf32>
    %dot_general3A = arith.constant dense<0.000000e+00> : vector<8192x64xf32>
    %dot_general3A_74 = tpu.matmul %get3A_73, %get3A_1, %dot_general3A {dimension_numbers = #tpu.dot_dimension_numbers<[1], [0], [0], [1], [0, 0, 1, 1], [], []>, transpose_lhs_hint = false} : vector<8192x64xf32>, vector<64x64xf32>, vector<8192x64xf32> -> vector<8192x64xf32>
    %add3A = vector.broadcast %get3A_4 : vector<1x64xf32> to vector<8192x64xf32>
    %add3A_75 = arith.addf %dot_general3A_74, %add3A : vector<8192x64xf32>
    %reduce_sum3A = arith.constant dense<0.000000e+00> : vector<64xf32>
    %reduce_sum3A_76 = vector.multi_reduction <add>, %add3A_75, %reduce_sum3A [0] : vector<8192x64xf32> to vector<64xf32>
    %broadcast_in_dim3A = vector.shape_cast %reduce_sum3A_76 : vector<64xf32> to vector<1x64xf32>
    %div3A = arith.constant 8.192000e+03 : f32
    %div3A_77 = vector.broadcast %div3A : f32 to vector<1x64xf32>
    %div3A_78 = arith.divf %broadcast_in_dim3A, %div3A_77 : vector<1x64xf32>
    %sub3A = vector.broadcast %div3A_78 : vector<1x64xf32> to vector<8192x64xf32>
    %sub3A_79 = arith.subf %add3A_75, %sub3A : vector<8192x64xf32>
    %integer_pow3A = arith.mulf %sub3A_79, %sub3A_79 : vector<8192x64xf32>
    %reduce_sum3A_80 = arith.constant dense<0.000000e+00> : vector<64xf32>
    %reduce_sum3A_81 = vector.multi_reduction <add>, %integer_pow3A, %reduce_sum3A_80 [0] : vector<8192x64xf32> to vector<64xf32>
    %broadcast_in_dim3A_82 = vector.shape_cast %reduce_sum3A_81 : vector<64xf32> to vector<1x64xf32>
    %div3A_83 = arith.constant 8.192000e+03 : f32
    %div3A_84 = vector.broadcast %div3A_83 : f32 to vector<1x64xf32>
    %div3A_85 = arith.divf %broadcast_in_dim3A_82, %div3A_84 : vector<1x64xf32>
    %sub3A_86 = vector.broadcast %div3A_78 : vector<1x64xf32> to vector<8192x64xf32>
    %sub3A_87 = arith.subf %add3A_75, %sub3A_86 : vector<8192x64xf32>
    %add3A_88 = arith.constant 9.99999974E-6 : f32
    %add3A_89 = vector.broadcast %add3A_88 : f32 to vector<1x64xf32>
    %add3A_90 = arith.addf %div3A_85, %add3A_89 : vector<1x64xf32>
    %rsqrt3A = math.rsqrt %add3A_90 : vector<1x64xf32>
    %mul3A = vector.broadcast %rsqrt3A : vector<1x64xf32> to vector<8192x64xf32>
    %mul3A_91 = arith.mulf %sub3A_87, %mul3A : vector<8192x64xf32>
    %mul3A_92 = vector.broadcast %get3A_7 : vector<1x64xf32> to vector<8192x64xf32>
    %mul3A_93 = arith.mulf %mul3A_91, %mul3A_92 : vector<8192x64xf32>
    %add3A_94 = vector.broadcast %get3A_10 : vector<1x64xf32> to vector<8192x64xf32>
    %add3A_95 = arith.addf %mul3A_93, %add3A_94 : vector<8192x64xf32>
    %max3A = arith.constant 0.000000e+00 : f32
    %max3A_96 = vector.broadcast %max3A : f32 to vector<8192x64xf32>
    %max3A_97 = arith.maximumf %add3A_95, %max3A_96 : vector<8192x64xf32>
    %dot_general3A_98 = arith.constant dense<0.000000e+00> : vector<8192x64xf32>
    %dot_general3A_99 = tpu.matmul %max3A_97, %get3A_13, %dot_general3A_98 {dimension_numbers = #tpu.dot_dimension_numbers<[1], [0], [0], [1], [0, 0, 1, 1], [], []>, transpose_lhs_hint = false} : vector<8192x64xf32>, vector<64x64xf32>, vector<8192x64xf32> -> vector<8192x64xf32>
    %add3A_100 = vector.broadcast %get3A_16 : vector<1x64xf32> to vector<8192x64xf32>
    %add3A_101 = arith.addf %dot_general3A_99, %add3A_100 : vector<8192x64xf32>
    %reduce_sum3A_102 = arith.constant dense<0.000000e+00> : vector<64xf32>
    %reduce_sum3A_103 = vector.multi_reduction <add>, %add3A_101, %reduce_sum3A_102 [0] : vector<8192x64xf32> to vector<64xf32>
    %broadcast_in_dim3A_104 = vector.shape_cast %reduce_sum3A_103 : vector<64xf32> to vector<1x64xf32>
    %div3A_105 = arith.constant 8.192000e+03 : f32
    %div3A_106 = vector.broadcast %div3A_105 : f32 to vector<1x64xf32>
    %div3A_107 = arith.divf %broadcast_in_dim3A_104, %div3A_106 : vector<1x64xf32>
    %sub3A_108 = vector.broadcast %div3A_107 : vector<1x64xf32> to vector<8192x64xf32>
    %sub3A_109 = arith.subf %add3A_101, %sub3A_108 : vector<8192x64xf32>
    %integer_pow3A_110 = arith.mulf %sub3A_109, %sub3A_109 : vector<8192x64xf32>
    %reduce_sum3A_111 = arith.constant dense<0.000000e+00> : vector<64xf32>
    %reduce_sum3A_112 = vector.multi_reduction <add>, %integer_pow3A_110, %reduce_sum3A_111 [0] : vector<8192x64xf32> to vector<64xf32>
    %broadcast_in_dim3A_113 = vector.shape_cast %reduce_sum3A_112 : vector<64xf32> to vector<1x64xf32>
    %div3A_114 = arith.constant 8.192000e+03 : f32
    %div3A_115 = vector.broadcast %div3A_114 : f32 to vector<1x64xf32>
    %div3A_116 = arith.divf %broadcast_in_dim3A_113, %div3A_115 : vector<1x64xf32>
    %sub3A_117 = vector.broadcast %div3A_107 : vector<1x64xf32> to vector<8192x64xf32>
    %sub3A_118 = arith.subf %add3A_101, %sub3A_117 : vector<8192x64xf32>
    %add3A_119 = arith.constant 9.99999974E-6 : f32
    %add3A_120 = vector.broadcast %add3A_119 : f32 to vector<1x64xf32>
    %add3A_121 = arith.addf %div3A_116, %add3A_120 : vector<1x64xf32>
    %rsqrt3A_122 = math.rsqrt %add3A_121 : vector<1x64xf32>
    %mul3A_123 = vector.broadcast %rsqrt3A_122 : vector<1x64xf32> to vector<8192x64xf32>
    %mul3A_124 = arith.mulf %sub3A_118, %mul3A_123 : vector<8192x64xf32>
    %mul3A_125 = vector.broadcast %get3A_19 : vector<1x64xf32> to vector<8192x64xf32>
    %mul3A_126 = arith.mulf %mul3A_124, %mul3A_125 : vector<8192x64xf32>
    %add3A_127 = vector.broadcast %get3A_22 : vector<1x64xf32> to vector<8192x64xf32>
    %add3A_128 = arith.addf %mul3A_126, %add3A_127 : vector<8192x64xf32>
    %max3A_129 = arith.constant 0.000000e+00 : f32
    %max3A_130 = vector.broadcast %max3A_129 : f32 to vector<8192x64xf32>
    %max3A_131 = arith.maximumf %add3A_128, %max3A_130 : vector<8192x64xf32>
    %dot_general3A_132 = arith.constant dense<0.000000e+00> : vector<8192x64xf32>
    %dot_general3A_133 = tpu.matmul %max3A_131, %get3A_25, %dot_general3A_132 {dimension_numbers = #tpu.dot_dimension_numbers<[1], [0], [0], [1], [0, 0, 1, 1], [], []>, transpose_lhs_hint = false} : vector<8192x64xf32>, vector<64x64xf32>, vector<8192x64xf32> -> vector<8192x64xf32>
    %add3A_134 = vector.broadcast %get3A_28 : vector<1x64xf32> to vector<8192x64xf32>
    %add3A_135 = arith.addf %dot_general3A_133, %add3A_134 : vector<8192x64xf32>
    %reduce_sum3A_136 = arith.constant dense<0.000000e+00> : vector<64xf32>
    %reduce_sum3A_137 = vector.multi_reduction <add>, %add3A_135, %reduce_sum3A_136 [0] : vector<8192x64xf32> to vector<64xf32>
    %broadcast_in_dim3A_138 = vector.shape_cast %reduce_sum3A_137 : vector<64xf32> to vector<1x64xf32>
    %div3A_139 = arith.constant 8.192000e+03 : f32
    %div3A_140 = vector.broadcast %div3A_139 : f32 to vector<1x64xf32>
    %div3A_141 = arith.divf %broadcast_in_dim3A_138, %div3A_140 : vector<1x64xf32>
    %sub3A_142 = vector.broadcast %div3A_141 : vector<1x64xf32> to vector<8192x64xf32>
    %sub3A_143 = arith.subf %add3A_135, %sub3A_142 : vector<8192x64xf32>
    %integer_pow3A_144 = arith.mulf %sub3A_143, %sub3A_143 : vector<8192x64xf32>
    %reduce_sum3A_145 = arith.constant dense<0.000000e+00> : vector<64xf32>
    %reduce_sum3A_146 = vector.multi_reduction <add>, %integer_pow3A_144, %reduce_sum3A_145 [0] : vector<8192x64xf32> to vector<64xf32>
    %broadcast_in_dim3A_147 = vector.shape_cast %reduce_sum3A_146 : vector<64xf32> to vector<1x64xf32>
    %div3A_148 = arith.constant 8.192000e+03 : f32
    %div3A_149 = vector.broadcast %div3A_148 : f32 to vector<1x64xf32>
    %div3A_150 = arith.divf %broadcast_in_dim3A_147, %div3A_149 : vector<1x64xf32>
    %sub3A_151 = vector.broadcast %div3A_141 : vector<1x64xf32> to vector<8192x64xf32>
    %sub3A_152 = arith.subf %add3A_135, %sub3A_151 : vector<8192x64xf32>
    %add3A_153 = arith.constant 9.99999974E-6 : f32
    %add3A_154 = vector.broadcast %add3A_153 : f32 to vector<1x64xf32>
    %add3A_155 = arith.addf %div3A_150, %add3A_154 : vector<1x64xf32>
    %rsqrt3A_156 = math.rsqrt %add3A_155 : vector<1x64xf32>
    %mul3A_157 = vector.broadcast %rsqrt3A_156 : vector<1x64xf32> to vector<8192x64xf32>
    %mul3A_158 = arith.mulf %sub3A_152, %mul3A_157 : vector<8192x64xf32>
    %mul3A_159 = vector.broadcast %get3A_31 : vector<1x64xf32> to vector<8192x64xf32>
    %mul3A_160 = arith.mulf %mul3A_158, %mul3A_159 : vector<8192x64xf32>
    %add3A_161 = vector.broadcast %get3A_34 : vector<1x64xf32> to vector<8192x64xf32>
    %add3A_162 = arith.addf %mul3A_160, %add3A_161 : vector<8192x64xf32>
    %max3A_163 = arith.constant 0.000000e+00 : f32
    %max3A_164 = vector.broadcast %max3A_163 : f32 to vector<8192x64xf32>
    %max3A_165 = arith.maximumf %add3A_162, %max3A_164 : vector<8192x64xf32>
    %swap3A = arith.constant 0 : index
    %swap3A_166 = arith.constant 0 : index
    %swap3A_167 = vector.load %arg26[%swap3A, %swap3A_166] : memref<8192x64xf32, #tpu.memory_space<vmem>>, vector<8192x64xf32>
    tpu.vector_store %arg26[%swap3A, %swap3A_166], %max3A_165 {strides = array<i32>} : memref<8192x64xf32, #tpu.memory_space<vmem>>, vector<8192x64xf32>,
    %get3A_168 = arith.constant 0 : index
    %get3A_169 = arith.constant 0 : index
    %get3A_170 = vector.load %arg1[%get3A_168, %get3A_169] : memref<12288x64xf32, #tpu.memory_space<vmem>>, vector<12288x64xf32>
    %dot_general3A_171 = arith.constant dense<0.000000e+00> : vector<12288x64xf32>
    %dot_general3A_172 = tpu.matmul %get3A_170, %get3A_37, %dot_general3A_171 {dimension_numbers = #tpu.dot_dimension_numbers<[1], [0], [0], [1], [0, 0, 1, 1], [], []>, transpose_lhs_hint = false} : vector<12288x64xf32>, vector<64x64xf32>, vector<12288x64xf32> -> vector<12288x64xf32>
    %add3A_173 = vector.broadcast %get3A_40 : vector<1x64xf32> to vector<12288x64xf32>
    %add3A_174 = arith.addf %dot_general3A_172, %add3A_173 : vector<12288x64xf32>
    %reduce_sum3A_175 = arith.constant dense<0.000000e+00> : vector<64xf32>
    %reduce_sum3A_176 = vector.multi_reduction <add>, %add3A_174, %reduce_sum3A_175 [0] : vector<12288x64xf32> to vector<64xf32>
    %broadcast_in_dim3A_177 = vector.shape_cast %reduce_sum3A_176 : vector<64xf32> to vector<1x64xf32>
    %div3A_178 = arith.constant 1.228800e+04 : f32
    %div3A_179 = vector.broadcast %div3A_178 : f32 to vector<1x64xf32>
    %div3A_180 = arith.divf %broadcast_in_dim3A_177, %div3A_179 : vector<1x64xf32>
    %sub3A_181 = vector.broadcast %div3A_180 : vector<1x64xf32> to vector<12288x64xf32>
    %sub3A_182 = arith.subf %add3A_174, %sub3A_181 : vector<12288x64xf32>
    %integer_pow3A_183 = arith.mulf %sub3A_182, %sub3A_182 : vector<12288x64xf32>
    %reduce_sum3A_184 = arith.constant dense<0.000000e+00> : vector<64xf32>
    %reduce_sum3A_185 = vector.multi_reduction <add>, %integer_pow3A_183, %reduce_sum3A_184 [0] : vector<12288x64xf32> to vector<64xf32>
    %broadcast_in_dim3A_186 = vector.shape_cast %reduce_sum3A_185 : vector<64xf32> to vector<1x64xf32>
    %div3A_187 = arith.constant 1.228800e+04 : f32
    %div3A_188 = vector.broadcast %div3A_187 : f32 to vector<1x64xf32>
    %div3A_189 = arith.divf %broadcast_in_dim3A_186, %div3A_188 : vector<1x64xf32>
    %sub3A_190 = vector.broadcast %div3A_180 : vector<1x64xf32> to vector<12288x64xf32>
    %sub3A_191 = arith.subf %add3A_174, %sub3A_190 : vector<12288x64xf32>
    %add3A_192 = arith.constant 9.99999974E-6 : f32
    %add3A_193 = vector.broadcast %add3A_192 : f32 to vector<1x64xf32>
    %add3A_194 = arith.addf %div3A_189, %add3A_193 : vector<1x64xf32>
    %rsqrt3A_195 = math.rsqrt %add3A_194 : vector<1x64xf32>
    %mul3A_196 = vector.broadcast %rsqrt3A_195 : vector<1x64xf32> to vector<12288x64xf32>
    %mul3A_197 = arith.mulf %sub3A_191, %mul3A_196 : vector<12288x64xf32>
    %mul3A_198 = vector.broadcast %get3A_43 : vector<1x64xf32> to vector<12288x64xf32>
    %mul3A_199 = arith.mulf %mul3A_197, %mul3A_198 : vector<12288x64xf32>
    %add3A_200 = vector.broadcast %get3A_46 : vector<1x64xf32> to vector<12288x64xf32>
    %add3A_201 = arith.addf %mul3A_199, %add3A_200 : vector<12288x64xf32>
    %max3A_202 = arith.constant 0.000000e+00 : f32
    %max3A_203 = vector.broadcast %max3A_202 : f32 to vector<12288x64xf32>
    %max3A_204 = arith.maximumf %add3A_201, %max3A_203 : vector<12288x64xf32>
    %dot_general3A_205 = arith.constant dense<0.000000e+00> : vector<12288x64xf32>
    %dot_general3A_206 = tpu.matmul %max3A_204, %get3A_49, %dot_general3A_205 {dimension_numbers = #tpu.dot_dimension_numbers<[1], [0], [0], [1], [0, 0, 1, 1], [], []>, transpose_lhs_hint = false} : vector<12288x64xf32>, vector<64x64xf32>, vector<12288x64xf32> -> vector<12288x64xf32>
    %add3A_207 = vector.broadcast %get3A_52 : vector<1x64xf32> to vector<12288x64xf32>
    %add3A_208 = arith.addf %dot_general3A_206, %add3A_207 : vector<12288x64xf32>
    %reduce_sum3A_209 = arith.constant dense<0.000000e+00> : vector<64xf32>
    %reduce_sum3A_210 = vector.multi_reduction <add>, %add3A_208, %reduce_sum3A_209 [0] : vector<12288x64xf32> to vector<64xf32>
    %broadcast_in_dim3A_211 = vector.shape_cast %reduce_sum3A_210 : vector<64xf32> to vector<1x64xf32>
    %div3A_212 = arith.constant 1.228800e+04 : f32
    %div3A_213 = vector.broadcast %div3A_212 : f32 to vector<1x64xf32>
    %div3A_214 = arith.divf %broadcast_in_dim3A_211, %div3A_213 : vector<1x64xf32>
    %sub3A_215 = vector.broadcast %div3A_214 : vector<1x64xf32> to vector<12288x64xf32>
    %sub3A_216 = arith.subf %add3A_208, %sub3A_215 : vector<12288x64xf32>
    %integer_pow3A_217 = arith.mulf %sub3A_216, %sub3A_216 : vector<12288x64xf32>
    %reduce_sum3A_218 = arith.constant dense<0.000000e+00> : vector<64xf32>
    %reduce_sum3A_219 = vector.multi_reduction <add>, %integer_pow3A_217, %reduce_sum3A_218 [0] : vector<12288x64xf32> to vector<64xf32>
    %broadcast_in_dim3A_220 = vector.shape_cast %reduce_sum3A_219 : vector<64xf32> to vector<1x64xf32>
    %div3A_221 = arith.constant 1.228800e+04 : f32
    %div3A_222 = vector.broadcast %div3A_221 : f32 to vector<1x64xf32>
    %div3A_223 = arith.divf %broadcast_in_dim3A_220, %div3A_222 : vector<1x64xf32>
    %sub3A_224 = vector.broadcast %div3A_214 : vector<1x64xf32> to vector<12288x64xf32>
    %sub3A_225 = arith.subf %add3A_208, %sub3A_224 : vector<12288x64xf32>
    %add3A_226 = arith.constant 9.99999974E-6 : f32
    %add3A_227 = vector.broadcast %add3A_226 : f32 to vector<1x64xf32>
    %add3A_228 = arith.addf %div3A_223, %add3A_227 : vector<1x64xf32>
    %rsqrt3A_229 = math.rsqrt %add3A_228 : vector<1x64xf32>
    %mul3A_230 = vector.broadcast %rsqrt3A_229 : vector<1x64xf32> to vector<12288x64xf32>
    %mul3A_231 = arith.mulf %sub3A_225, %mul3A_230 : vector<12288x64xf32>
    %mul3A_232 = vector.broadcast %get3A_55 : vector<1x64xf32> to vector<12288x64xf32>
    %mul3A_233 = arith.mulf %mul3A_231, %mul3A_232 : vector<12288x64xf32>
    %add3A_234 = vector.broadcast %get3A_58 : vector<1x64xf32> to vector<12288x64xf32>
    %add3A_235 = arith.addf %mul3A_233, %add3A_234 : vector<12288x64xf32>
    %max3A_236 = arith.constant 0.000000e+00 : f32
    %max3A_237 = vector.broadcast %max3A_236 : f32 to vector<12288x64xf32>
    %max3A_238 = arith.maximumf %add3A_235, %max3A_237 : vector<12288x64xf32>
    %dot_general3A_239 = arith.constant dense<0.000000e+00> : vector<12288x64xf32>
    %dot_general3A_240 = tpu.matmul %max3A_238, %get3A_61, %dot_general3A_239 {dimension_numbers = #tpu.dot_dimension_numbers<[1], [0], [0], [1], [0, 0, 1, 1], [], []>, transpose_lhs_hint = false} : vector<12288x64xf32>, vector<64x64xf32>, vector<12288x64xf32> -> vector<12288x64xf32>
    %add3A_241 = vector.broadcast %get3A_64 : vector<1x64xf32> to vector<12288x64xf32>
    %add3A_242 = arith.addf %dot_general3A_240, %add3A_241 : vector<12288x64xf32>
    %reduce_sum3A_243 = arith.constant dense<0.000000e+00> : vector<64xf32>
    %reduce_sum3A_244 = vector.multi_reduction <add>, %add3A_242, %reduce_sum3A_243 [0] : vector<12288x64xf32> to vector<64xf32>
    %broadcast_in_dim3A_245 = vector.shape_cast %reduce_sum3A_244 : vector<64xf32> to vector<1x64xf32>
    %div3A_246 = arith.constant 1.228800e+04 : f32
    %div3A_247 = vector.broadcast %div3A_246 : f32 to vector<1x64xf32>
    %div3A_248 = arith.divf %broadcast_in_dim3A_245, %div3A_247 : vector<1x64xf32>
    %sub3A_249 = vector.broadcast %div3A_248 : vector<1x64xf32> to vector<12288x64xf32>
    %sub3A_250 = arith.subf %add3A_242, %sub3A_249 : vector<12288x64xf32>
    %integer_pow3A_251 = arith.mulf %sub3A_250, %sub3A_250 : vector<12288x64xf32>
    %reduce_sum3A_252 = arith.constant dense<0.000000e+00> : vector<64xf32>
    %reduce_sum3A_253 = vector.multi_reduction <add>, %integer_pow3A_251, %reduce_sum3A_252 [0] : vector<12288x64xf32> to vector<64xf32>
    %broadcast_in_dim3A_254 = vector.shape_cast %reduce_sum3A_253 : vector<64xf32> to vector<1x64xf32>
    %div3A_255 = arith.constant 1.228800e+04 : f32
    %div3A_256 = vector.broadcast %div3A_255 : f32 to vector<1x64xf32>
    %div3A_257 = arith.divf %broadcast_in_dim3A_254, %div3A_256 : vector<1x64xf32>
    %sub3A_258 = vector.broadcast %div3A_248 : vector<1x64xf32> to vector<12288x64xf32>
    %sub3A_259 = arith.subf %add3A_242, %sub3A_258 : vector<12288x64xf32>
    %add3A_260 = arith.constant 9.99999974E-6 : f32
    %add3A_261 = vector.broadcast %add3A_260 : f32 to vector<1x64xf32>
    %add3A_262 = arith.addf %div3A_257, %add3A_261 : vector<1x64xf32>
    %rsqrt3A_263 = math.rsqrt %add3A_262 : vector<1x64xf32>
    %mul3A_264 = vector.broadcast %rsqrt3A_263 : vector<1x64xf32> to vector<12288x64xf32>
    %mul3A_265 = arith.mulf %sub3A_259, %mul3A_264 : vector<12288x64xf32>
    %mul3A_266 = vector.broadcast %get3A_67 : vector<1x64xf32> to vector<12288x64xf32>
    %mul3A_267 = arith.mulf %mul3A_265, %mul3A_266 : vector<12288x64xf32>
    %add3A_268 = vector.broadcast %get3A_70 : vector<1x64xf32> to vector<12288x64xf32>
    %add3A_269 = arith.addf %mul3A_267, %add3A_268 : vector<12288x64xf32>
    %max3A_270 = arith.constant 0.000000e+00 : f32
    %max3A_271 = vector.broadcast %max3A_270 : f32 to vector<12288x64xf32>
    %max3A_272 = arith.maximumf %add3A_269, %max3A_271 : vector<12288x64xf32>
    %swap3A_273 = arith.constant 0 : index
    %swap3A_274 = arith.constant 0 : index
    %swap3A_275 = vector.load %arg27[%swap3A_273, %swap3A_274] : memref<12288x64xf32, #tpu.memory_space<vmem>>, vector<12288x64xf32>
    tpu.vector_store %arg27[%swap3A_273, %swap3A_274], %max3A_272 {strides = array<i32>} : memref<12288x64xf32, #tpu.memory_space<vmem>>, vector<12288x64xf32>,
    return
  }
}

</mosaic_0001>

<sc_bundles>
// kernel: kernel.10.cloned.1.call-start
scs
__scs_entry_jumppad:
0x0: {  	(pc) =	sbr.rel $0x88, $3  }
0x1: {  	(tag) =	ssettag $0x0;
	lr =	simm.s32 $0x1  }
0x2: {  	[smem:$0x3F7B] =	sst lr;
	_ =	strace $0xD0000000  }
0x3: {  	_ = 	snop  }
0x4: {  	_ = 	snop  }
0x5: {  	_ = 	snop  }
0x6: {  	_ = 	snop  }
0x7: {  	_ = 	snop  }
__scs_overlays_trampoline_lowered:
0x8: {  	[smem:$0x3F8A] =	sst s0  }
0x9: {  	[smem:$0x3F8B] =	sst s1  }
0xa: {  	[smem:$0x3F8C] =	sst s2  }
0xb: {  	[smem:$0x3F8D] =	sst s3  }
0xc: {  	[smem:$0x3F8E] =	sst s4  }
0xd: {  	[smem:$0x3F8F] =	sst s5  }
0xe: {  	[smem:$0x3F90] =	sst s6  }
0xf: {  	[smem:$0x3F91] =	sst s7  }
0x10: {  	[smem:$0x3F92] =	sst s8  }
0x11: {  	[smem:$0x3F93] =	sst s9;
	s0 =	simm.s32 @!p0 $0x0  }
0x12: {  	s1 =	sld [smem:$0x3F79];
	s0 =	simm.s32 @p0 $0x1  }
0x13: {  	[smem:$0x3F94] =	sst s0;
	s0 =	simm.s32 @!p1 $0x0  }
0x14: {  	s2 =	sld [smem:$0x3F78];
	s0 =	simm.s32 @p1 $0x1  }
0x15: {  	[smem:$0x3F95] =	sst s0;
	s0 =	simm.s32 @!p2 $0x0  }
0x16: {  	s3 =	sld [smem:$0x3FDB];
	s0 =	simm.s32 @p2 $0x1  }
0x17: {  	s4 =	simm.s32 $0x1BF5;
	[smem:$0x3F97] =	sst s0  }
0x18: {  	s0 =	sld [smem:$0x3F7A];
	_ =	swait.ge [sflag:s4], $0x0  }
0x19: {  	s7 =	sld [smem:$0x3F7B]  }
0x1a: {  	s8 =	sadd.s32 $0xFFFFE003, lr  }
0x1b: {  	s9 =	sadd.s32 $0xFFFFFEF7, lr;
	s5 =	simm.s32 $0xFFFFFFFF;
	p2 =	slt.u32 s8, $0xFFFFF086  }
0x1c: {  	p1 =	slt.u32 s9, $0xF7A;
	s5 =	simm.s32 @!p2 $0x0  }
0x1d: {  	s5 =	simm.s32 @p1 $0x1;
	p0 =	seq.s32 s7, s2  }
0x1e: {  	s7 =	smul.u32 @!p0 $0xF7A, s2;
	p2 =	seq.s32 @!p0 s5, $0x0  }
0x1f: {  	s9 =	smul.u32 $0xF7A, s1;
	s8 =	simm.s32 @!p0 $0x1BF5;
	p2 =	por !p2, p0  }
0x20: {  	[sflag:s8] =	ssyncset.s32 @!p0 $0xFFFFF086;
	s6 =	sadd.s32 @!p0 s3, s7;
	s7 =	simm.s32 @!p0 $0x108  }
0x21: {  	s3 =	sadd.s32 s3, s9;
	s6 =	sadd.s32 @!p0 $0x88, s6;
	s7 =	simm.s32 @p2 $0x1082  }
0x22: {  	[simem:s7], [sflag:s8] =	dma.local @!p0 [hbm:s6], $0xF7A  }
0x23: {  	s9 =	sor.u32 $0xD0000000, s2;
	s6 =	simm.s32 $0x108;
	_ =	swait.ge @!p0 [sflag:s8], $0x0  }
0x24: {  	s3 =	sadd.s32 $0x88, s3;
	s6 =	simm.s32 @!p1 $0x1082;
	[sflag:s4] =	ssyncset.s32 $0xFFFFF086  }
0x25: {  	[simem:s6], [sflag:s4] =	dma.local [hbm:s3], $0xF7A  }
0x26: {  	[smem:$0x3F7B] =	sst s1;
	(tag) =	ssettag s2;
	_ =	strace s9  }
0x27: {  	s1 =	sld [smem:$0x3F8B]  }
0x28: {  	s2 =	sld [smem:$0x3F8C]  }
0x29: {  	s4 =	sld [smem:$0x3F8E]  }
0x2a: {  	p0 =	seq.s32 s5, $0x0;
	s5 =	sld [smem:$0x3F8F]  }
0x2b: {  	s6 =	sld [smem:$0x3F90]  }
0x2c: {  	s7 =	sld [smem:$0x3F91]  }
0x2d: {  	s3 =	simm.s32 $0x108;
	s8 =	sld [smem:$0x3F92]  }
0x2e: {  	s3 =	simm.s32 @!p0 $0x1082;
	s9 =	sld [smem:$0x3F93]  }
0x2f: {  	lr =	sadd.s32 s0, s3;
	s0 =	sld [smem:$0x3F8A]  }
0x30: {  	s3 =	sld [smem:$0x3F8D]  }
0x31: {  	[smem:$0x3F96] =	sst s10  }
0x32: {  	s10 =	sld [smem:$0x3F94];
	_ =	sdelay $0x3  }
0x33: {  	p0 =	seq.s32 s10, $0x1;
	s10 =	sld [smem:$0x3F96];
	_ =	sdelay $0x3  }
0x34: {  	[smem:$0x3F96] =	sst s10  }
0x35: {  	s10 =	sld [smem:$0x3F95];
	_ =	sdelay $0x3  }
0x36: {  	p1 =	seq.s32 s10, $0x1;
	s10 =	sld [smem:$0x3F96];
	_ =	sdelay $0x3  }
0x37: {  	[smem:$0x3F96] =	sst s10  }
0x38: {  	s10 =	sld [smem:$0x3F97]  }
0x39: {  	_ = 	snop;
	(pc) =	sbr.ind lr, $3  }
0x3a: {  	_ = 	snop  }
0x3b: {  	_ = 	snop  }
0x3c: {  	p2 =	seq.s32 s10, $0x1;
	s10 =	sld [smem:$0x3F96]  }
0x3d: {  	_ =	shalt  }
0x3e: {  	_ =	shalt  }
0x3f: {  	_ =	shalt  }
0x40: {  	_ =	shalt  }
0x41: {  	_ =	shalt  }
0x42: {  	_ =	shalt  }
0x43: {  	_ =	shalt  }
0x44: {  	_ =	shalt  }
0x45: {  	_ =	shalt  }
0x46: {  	_ =	shalt  }
0x47: {  	_ =	shalt  }
0x48: {  	_ =	shalt  }
0x49: {  	_ =	shalt  }
0x4a: {  	_ =	shalt  }
0x4b: {  	_ =	shalt  }
0x4c: {  	_ =	shalt  }
0x4d: {  	_ =	shalt  }
0x4e: {  	_ =	shalt  }
0x4f: {  	_ =	shalt  }
0x50: {  	_ =	shalt  }
0x51: {  	_ =	shalt  }
0x52: {  	_ =	shalt  }
0x53: {  	_ =	shalt  }
0x54: {  	_ =	shalt  }
0x55: {  	_ =	shalt  }
0x56: {  	_ =	shalt  }
0x57: {  	_ =	shalt  }
0x58: {  	_ =	shalt  }
0x59: {  	_ =	shalt  }
0x5a: {  	_ =	shalt  }
0x5b: {  	_ =	shalt  }
0x5c: {  	_ =	shalt  }
0x5d: {  	_ =	shalt  }
0x5e: {  	_ =	shalt  }
0x5f: {  	_ =	shalt  }
0x60: {  	_ =	shalt  }
0x61: {  	_ =	shalt  }
0x62: {  	_ =	shalt  }
0x63: {  	_ =	shalt  }
0x64: {  	_ =	shalt  }
0x65: {  	_ =	shalt  }
0x66: {  	_ =	shalt  }
0x67: {  	_ =	shalt  }
0x68: {  	_ =	shalt  }
0x69: {  	_ =	shalt  }
0x6a: {  	_ =	shalt  }
0x6b: {  	_ =	shalt  }
0x6c: {  	_ =	shalt  }
0x6d: {  	_ =	shalt  }
0x6e: {  	_ =	shalt  }
0x6f: {  	_ =	shalt  }
0x70: {  	_ =	shalt  }
0x71: {  	_ =	shalt  }
0x72: {  	_ =	shalt  }
0x73: {  	_ =	shalt  }
0x74: {  	_ =	shalt  }
0x75: {  	_ =	shalt  }
0x76: {  	_ =	shalt  }
0x77: {  	_ =	shalt  }
0x78: {  	_ =	shalt  }
0x79: {  	_ =	shalt  }
0x7a: {  	_ =	shalt  }
0x7b: {  	_ =	shalt  }
0x7c: {  	_ =	shalt  }
0x7d: {  	_ =	shalt  }
0x7e: {  	_ =	shalt  }
0x7f: {  	_ =	shalt  }
0x80: {  	_ =	shalt  }
0x81: {  	_ =	shalt  }
0x82: {  	_ =	shalt  }
0x83: {  	_ =	shalt  }
0x84: {  	_ =	shalt  }
0x85: {  	_ =	shalt  }
0x86: {  	_ =	shalt  }
0x87: {  	_ =	shalt  }
.Lfunc_end0:
.L_simem_size_0:
called_computation.2_lowered:
.L_overlay_start_0:
0x88: {  	s2 =	sld [smem:$0x3FD9]  }
0x89: {  	s3 =	sld [smem:$0x3FFE];
	_ =	sdelay $0x1  }
0x8a: {  	s1 =	srdreg.scid  }
0x8b: {  	s0 =	sand.u32 $0x1, s1  }
0x8c: {  	s14 =	sshll.u32 s0, $0xA;
	s2 =	sadd.s32 s3, s2  }
0x8d: {  	s2 =	sadd.s32 s2, s14  }
0x8e: {  	[smem:$0x3FA2] =	sst s2  }
0x8f: {  	_ = 	snop  }
0x90: {  	s2 =	sld [smem:$0x3FD0];
	_ =	sdelay $0x2  }
0x91: {  	s15 =	simm.s32 $0xA;
	s4 =	simm.s32 $0x10  }
0x92: {  	[smem:s4], [sflag:s15] =	dma.local [hbm:s2], $0x1  }
0x93: {  	_ =	swait.eq [sflag:s15], $0x1  }
0x94: {  	[sflag:s15] =	ssyncset.done $0x0  }
0x95: {  	[sflag:s15] =	ssyncadd.s32 $0xFFFFFFFF  }
0x96: {  	s16 =	sld [smem:$0x10];
	(tm) =	ssettm $0x1  }
0x97: {  	s17 =	sld [smem:$0x3FFB];
	_ =	sdelay $0x3  }
0x98: {  	_ =	strace s17  }
0x99: {  	s3 =	sld [smem:$0x3FFC];
	_ =	sdelay $0x3  }
0x9a: {  	_ =	strace s3  }
0x9b: {  	s3 =	sld [smem:$0x3FFD];
	_ =	sdelay $0x3  }
0x9c: {  	_ =	strace s3  }
0x9d: {  	_ =	strace $0x8FFFFFFF  }
0x9e: {  	s18 =	sld [smem:$0x3FDB];
	_ =	sdelay $0x1  }
0x9f: {  	s19 =	simm.s32 $_scs_section_size  }
0xa0: {  	s5 =	simm.s32 $_size__tile_overlayer_lowered;
	s6 =	simm.s32 $_tile_overlayer_lowered  }
0xa1: {  	s22 =	simm.s32 $0x1BFF;
	s21 =	sshll.u32 s6, $0x1;
	s3 =	sadd.s32 s19, s18  }
0xa2: {  	s7 =	simm.s32 $0x0;
	s20 =	sshll.u32 s5, $0x1;
	s5 =	sadd.s32 s21, s3  }
0xa3: {  	[timem:s7], [sflag:s22] =	dma.local [hbm:s5], s20  }
0xa4: {  	_ =	swait.ge [sflag:s22], s20  }
0xa5: {  	s4 =	ssub.s32 $0x0, s20;
	[sflag:s22] =	ssyncset.done $0x0  }
0xa6: {  	[sflag:s22] =	ssyncadd.s32 s4;
	_ =	sdelay $0x1  }
0xa7: {  	s23 =	simm.s32 $0x1B8B  }
0xa8: {  	_ =	swait.ge [sflag:s23], $0x1  }
0xa9: {  	[sflag:s23] =	ssyncset.done $0x0  }
0xaa: {  	s25 =	simm.s32 $0x1B8E;
	s24 =	sld [smem:$0x3FFE];
	[sflag:s23] =	ssyncadd.s32 $0xFFFFFFFF  }
0xab: {  	s26 =	simm.s32 $execute0_lowered;
	[smem:$0x3FD2] =	sst s25  }
0xac: {  	s5 =	sshll.u32 s26, $0x1;
	_ =	strace $0x8000004C;
	[dreg:$0x1] =	wrdreg $0xFFFFFFFF  }
0xad: {  	s28 =	simm.s32 $_size_execute0_lowered;
	s3 =	sadd.s32 s3, s5;
	[dreg:$0x0] =	wrdreg $0x0  }
0xae: {  	s5 =	sshll.u32 s28, $0x1;
	[dreg:$0x2] =	wrdreg s3  }
0xaf: {  	[dreg:$0x3] =	wrdreg s5  }
0xb0: {  	[dreg:$0x4] =	wrdreg $0xC0  }
0xb1: {  	_ =	task [dreg:s7], $0x5FFFF  }
0xb2: {  	[dreg:$0x1] =	wrdreg $0xFFFFFFFF  }
0xb3: {  	[dreg:$0x0] =	wrdreg $0x60  }
0xb4: {  	[dreg:$0x2] =	wrdreg s24  }
0xb5: {  	[dreg:$0x3] =	wrdreg s16  }
0xb6: {  	[dreg:$0x4] =	wrdreg $0x82000  }
0xb7: {  	[dreg:$0x5] =	wrdreg $0x9  }
0xb8: {  	_ =	task.clear_ibuf [dreg:s7], $0x6FFFF;
	_ =	strace $0x9000004C  }
0xb9: {  	s29 =	simm.s32 $0x9;
	_ =	strace $0x8000004E  }
0xba: {  	_ =	swait.ge [sflag:s29], $0x1  }
0xbb: {  	[sflag:s29] =	ssyncadd.s32 $0xFFFFFFFF  }
0xbc: {  	_ =	strace $0x9000004E  }
0xbd: {  	_ =	sfence  }
0xbe: {  	s30 =	sld [smem:$0x0];
	_ =	sdelay $0x2  }
0xbf: {  	s31 =	sshll.u32 s1, $0xD;
	s1 =	sshrl.u32 s1, $0x2  }
0xc0: {  	s3 =	sand.u32 $0x4000, s31;
	s1 =	sadd.s32 s1, s30  }
0xc1: {  	s0 =	sor.u32 s3, s0;
	s1 =	sshll.u32 s1, $0x11  }
0xc2: {  	s0 =	sor.u32 s1, s0  }
0xc3: {  	s0 =	sadd.s32 $0x8F2B, s0  }
0xc4: {  	[sflag:s0] =	ssyncadd.remote.s32 $0x1  }
0xc5: {  	_ =	sfence.sel $0xFFFF  }
0xc6: {  	[dreg:$0x0] =	wrdreg $0xFFFFFFFF;
	(pc) =	sbr.abs _section_cstart, $3  }
0xc7: {  	[dreg:$0x1] =	wrdreg $0xFFFFFFFF  }
0xc8: {  	_ =	task.clear_ibuf [dreg:s7], $0x2FFFF;
	_ =	strace $0x9FFFFFFF  }
0xc9: {  	(tm) =	ssettm $0x7FFFFFFF  }
tec
execute0_lowered:
.L_overlay_start_1:
0x0: {  	(tag) =	ssettag $0x1  }
0x1: {  	s24 =	rddreg [dreg:$0x0]  }
0x2: {  	s4 =	rddreg [dreg:$0x1]  }
0x3: {  	s2 =	rddreg [dreg:$0x2]  }
0x4: {  	s0 =	rddreg [dreg:$0x3];
	s3 =	simm.s32 $0x0;
	s1 =	stileid.u32  }
0x5: {  	[smem:$0x7FF] =	sst s3;
	s25 =	sshll.u32 s1, $0xC  }
0x6: {  	_ =	strace $0x8000004D;
	s5 =	sadd.s32 s4, s25;
	s4 =	simm.s32 $0x1  }
0x7: {  	[tilespmem:s3], [sflag:$0x1] =	stream.linear.gather [hbm4b:s5+s3], $0x8000, $0x38;
	[tilespmem:$0x18200] =	vst v63  }
0x8: {  	_ =	swait.ge [sflag:s4], $0x8000  }
0x9: {  	s6 =	srdreg.scid;
	s7 =	sshll.u32 s1, $0xF;
	[sflag:s4] =	ssyncset.done $0x0  }
0xa: {  	s23 =	sand.u32 $0x1, s6;
	s6 =	sadd.s32 s7, s2;
	[sflag:s4] =	ssyncadd.s32 $0xFFFF8000  }
0xb: {  	[spmem:s6] =	stream.linear.scatter [tilespmem:s3], [sflag:$0x1], $0x8000, $0x38;
	[tilespmem:$0x18200] =	vst v63  }
0xc: {  	s30 =	sshll.u32 s23, $0xB;
	_ =	swait.ge [sflag:s4], $0x8000  }
0xd: {  	s26 =	sor.u32 s30, s25;
	[sflag:s4] =	ssyncset.done $0x0  }
0xe: {  	s21 =	sadd.s32 $0x29C00, s24;
	s7 =	sshll.u32 s26, $0x3;
	[sflag:s4] =	ssyncadd.s32 $0xFFFF8000  }
0xf: {  	s7 =	sadd.s32 s21, s7;
	[bflag:$0x0] =	sbarrier.arrive $0xFFFF  }
0x10: {  	[tilespmem:s3], [sflag:$0x1] =	stream.linear.gather [hbm4b:s7+s3], $0x8000, $0x38;
	[tilespmem:$0x18200] =	vst v63  }
0x11: {  	_ =	swait.ge [sflag:s4], $0x8000  }
0x12: {  	s22 =	sadd.s32 $0x7400, s24;
	s8 =	sshrl.u32 s26, $0x3;
	[sflag:s4] =	ssyncset.done $0x0  }
0x13: {  	s9 =	simm.s32 $0x8000;
	s8 =	sadd.s32 s22, s8;
	[sflag:s4] =	ssyncadd.s32 $0xFFFF8000  }
0x14: {  	[tilespmem:s9], [sflag:$0x1] =	stream.linear.gather [hbm4b:s8+s3], $0x200, $0x38;
	[tilespmem:$0x18200] =	vst v63  }
0x15: {  	_ =	swait.ge [sflag:s4], $0x200  }
0x16: {  	[sflag:s4] =	ssyncset.done $0x0  }
0x17: {  	s10 =	simm.s32 $0x80;
	[sflag:s4] =	ssyncadd.s32 $0xFFFFFE00  }
0x18: {  	[spmem:s2] =	stream.indirect.scatter.add.f32 [tilespmem:s3], [sflag:$0x1], $0x40, s9, s10, $0xb8;
	[tilespmem:$0x18200] =	vst v63  }
0x19: {  	_ =	swait.ge [sflag:s4], $0x2000  }
0x1a: {  	[sflag:s4] =	ssyncset.done $0x0  }
0x1b: {  	s11 =	simm.s32 $0x8080;
	s12 =	simm.s32 $0x2000;
	[sflag:s4] =	ssyncadd.s32 $0xFFFFE000  }
0x1c: {  	[spmem:s2] =	stream.indirect.scatter.add.f32 [tilespmem:s12], [sflag:$0x1], $0x40, s11, s10, $0xb8;
	[tilespmem:$0x18200] =	vst v63  }
0x1d: {  	_ =	swait.ge [sflag:s4], $0x2000  }
0x1e: {  	[sflag:s4] =	ssyncset.done $0x0  }
0x1f: {  	s13 =	simm.s32 $0x8100;
	s14 =	simm.s32 $0x4000;
	[sflag:s4] =	ssyncadd.s32 $0xFFFFE000  }
0x20: {  	[spmem:s2] =	stream.indirect.scatter.add.f32 [tilespmem:s14], [sflag:$0x1], $0x40, s13, s10, $0xb8;
	[tilespmem:$0x18200] =	vst v63  }
0x21: {  	_ =	swait.ge [sflag:s4], $0x2000  }
0x22: {  	[sflag:s4] =	ssyncset.done $0x0  }
0x23: {  	s15 =	simm.s32 $0x8180;
	s16 =	simm.s32 $0x6000;
	[sflag:s4] =	ssyncadd.s32 $0xFFFFE000  }
0x24: {  	[spmem:s2] =	stream.indirect.scatter.add.f32 [tilespmem:s16], [sflag:$0x1], $0x40, s15, s10, $0xb8;
	[tilespmem:$0x18200] =	vst v63  }
0x25: {  	s18 =	sor.u32 $0x200, s26;
	_ =	swait.ge [sflag:s4], $0x2000  }
0x26: {  	s17 =	sshll.u32 s18, $0x3;
	[sflag:s4] =	ssyncset.done $0x0  }
0x27: {  	s17 =	sadd.s32 s21, s17;
	[sflag:s4] =	ssyncadd.s32 $0xFFFFE000  }
0x28: {  	[tilespmem:s3], [sflag:$0x1] =	stream.linear.gather [hbm4b:s17+s3], $0x8000, $0x38;
	[tilespmem:$0x18200] =	vst v63  }
0x29: {  	_ =	swait.ge [sflag:s4], $0x8000  }
0x2a: {  	s18 =	sshrl.u32 s18, $0x3;
	[sflag:s4] =	ssyncset.done $0x0  }
0x2b: {  	s18 =	sadd.s32 s22, s18;
	[sflag:s4] =	ssyncadd.s32 $0xFFFF8000  }
0x2c: {  	[tilespmem:s9], [sflag:$0x1] =	stream.linear.gather [hbm4b:s18+s3], $0x200, $0x38;
	[tilespmem:$0x18200] =	vst v63  }
0x2d: {  	_ =	swait.ge [sflag:s4], $0x200  }
0x2e: {  	[sflag:s4] =	ssyncset.done $0x0  }
0x2f: {  	[sflag:s4] =	ssyncadd.s32 $0xFFFFFE00  }
0x30: {  	[spmem:s2] =	stream.indirect.scatter.add.f32 [tilespmem:s3], [sflag:$0x1], $0x40, s9, s10, $0xb8;
	[tilespmem:$0x18200] =	vst v63  }
0x31: {  	_ =	swait.ge [sflag:s4], $0x2000  }
0x32: {  	[sflag:s4] =	ssyncset.done $0x0  }
0x33: {  	[sflag:s4] =	ssyncadd.s32 $0xFFFFE000  }
0x34: {  	[spmem:s2] =	stream.indirect.scatter.add.f32 [tilespmem:s12], [sflag:$0x1], $0x40, s11, s10, $0xb8;
	[tilespmem:$0x18200] =	vst v63  }
0x35: {  	_ =	swait.ge [sflag:s4], $0x2000  }
0x36: {  	[sflag:s4] =	ssyncset.done $0x0  }
0x37: {  	[sflag:s4] =	ssyncadd.s32 $0xFFFFE000  }
0x38: {  	[spmem:s2] =	stream.indirect.scatter.add.f32 [tilespmem:s14], [sflag:$0x1], $0x40, s13, s10, $0xb8;
	[tilespmem:$0x18200] =	vst v63  }
0x39: {  	_ =	swait.ge [sflag:s4], $0x2000  }
0x3a: {  	[sflag:s4] =	ssyncset.done $0x0  }
0x3b: {  	[sflag:s4] =	ssyncadd.s32 $0xFFFFE000  }
0x3c: {  	[spmem:s2] =	stream.indirect.scatter.add.f32 [tilespmem:s16], [sflag:$0x1], $0x40, s15, s10, $0xb8;
	[tilespmem:$0x18200] =	vst v63  }
0x3d: {  	s20 =	sor.u32 $0x400, s26;
	_ =	swait.ge [sflag:s4], $0x2000  }
0x3e: {  	s19 =	sshll.u32 s20, $0x3;
	[sflag:s4] =	ssyncset.done $0x0  }
0x3f: {  	s19 =	sadd.s32 s21, s19;
	[sflag:s4] =	ssyncadd.s32 $0xFFFFE000  }
0x40: {  	[tilespmem:s3], [sflag:$0x1] =	stream.linear.gather [hbm4b:s19+s3], $0x8000, $0x38;
	[tilespmem:$0x18200] =	vst v63  }
0x41: {  	_ =	swait.ge [sflag:s4], $0x8000  }
0x42: {  	s20 =	sshrl.u32 s20, $0x3;
	[sflag:s4] =	ssyncset.done $0x0  }
0x43: {  	s20 =	sadd.s32 s22, s20;
	[sflag:s4] =	ssyncadd.s32 $0xFFFF8000  }
0x44: {  	[tilespmem:s9], [sflag:$0x1] =	stream.linear.gather [hbm4b:s20+s3], $0x200, $0x38;
	[tilespmem:$0x18200] =	vst v63  }
0x45: {  	_ =	swait.ge [sflag:s4], $0x200  }
0x46: {  	[sflag:s4] =	ssyncset.done $0x0  }
0x47: {  	[sflag:s4] =	ssyncadd.s32 $0xFFFFFE00  }
0x48: {  	[spmem:s2] =	stream.indirect.scatter.add.f32 [tilespmem:s3], [sflag:$0x1], $0x40, s9, s10, $0xb8;
	[tilespmem:$0x18200] =	vst v63  }
0x49: {  	_ =	swait.ge [sflag:s4], $0x2000  }
0x4a: {  	[sflag:s4] =	ssyncset.done $0x0  }
0x4b: {  	[sflag:s4] =	ssyncadd.s32 $0xFFFFE000  }
0x4c: {  	[spmem:s2] =	stream.indirect.scatter.add.f32 [tilespmem:s12], [sflag:$0x1], $0x40, s11, s10, $0xb8;
	[tilespmem:$0x18200] =	vst v63  }
0x4d: {  	_ =	swait.ge [sflag:s4], $0x2000  }
0x4e: {  	[sflag:s4] =	ssyncset.done $0x0  }
0x4f: {  	[sflag:s4] =	ssyncadd.s32 $0xFFFFE000  }
0x50: {  	[spmem:s2] =	stream.indirect.scatter.add.f32 [tilespmem:s14], [sflag:$0x1], $0x40, s13, s10, $0xb8;
	[tilespmem:$0x18200] =	vst v63  }
0x51: {  	_ =	swait.ge [sflag:s4], $0x2000  }
0x52: {  	[sflag:s4] =	ssyncset.done $0x0  }
0x53: {  	[sflag:s4] =	ssyncadd.s32 $0xFFFFE000  }
0x54: {  	[spmem:s2] =	stream.indirect.scatter.add.f32 [tilespmem:s16], [sflag:$0x1], $0x40, s15, s10, $0xb8;
	[tilespmem:$0x18200] =	vst v63  }
0x55: {  	s26 =	sor.u32 $0x600, s26;
	_ =	swait.ge [sflag:s4], $0x2000  }
0x56: {  	s28 =	sshll.u32 s26, $0x3;
	[sflag:s4] =	ssyncset.done $0x0  }
0x57: {  	s21 =	sadd.s32 s21, s28;
	[sflag:s4] =	ssyncadd.s32 $0xFFFFE000  }
0x58: {  	[tilespmem:s3], [sflag:$0x1] =	stream.linear.gather [hbm4b:s21+s3], $0x8000, $0x38;
	[tilespmem:$0x18200] =	vst v63  }
0x59: {  	_ =	swait.ge [sflag:s4], $0x8000  }
0x5a: {  	s26 =	sshrl.u32 s26, $0x3;
	[sflag:s4] =	ssyncset.done $0x0  }
0x5b: {  	s22 =	sadd.s32 s22, s26;
	[sflag:s4] =	ssyncadd.s32 $0xFFFF8000  }
0x5c: {  	[tilespmem:s9], [sflag:$0x1] =	stream.linear.gather [hbm4b:s22+s3], $0x200, $0x38;
	[tilespmem:$0x18200] =	vst v63  }
0x5d: {  	_ =	swait.ge [sflag:s4], $0x200  }
0x5e: {  	[sflag:s4] =	ssyncset.done $0x0  }
0x5f: {  	[sflag:s4] =	ssyncadd.s32 $0xFFFFFE00  }
0x60: {  	[spmem:s2] =	stream.indirect.scatter.add.f32 [tilespmem:s3], [sflag:$0x1], $0x40, s9, s10, $0xb8;
	[tilespmem:$0x18200] =	vst v63  }
0x61: {  	_ =	swait.ge [sflag:s4], $0x2000  }
0x62: {  	[sflag:s4] =	ssyncset.done $0x0  }
0x63: {  	[sflag:s4] =	ssyncadd.s32 $0xFFFFE000  }
0x64: {  	[spmem:s2] =	stream.indirect.scatter.add.f32 [tilespmem:s12], [sflag:$0x1], $0x40, s11, s10, $0xb8;
	[tilespmem:$0x18200] =	vst v63  }
0x65: {  	_ =	swait.ge [sflag:s4], $0x2000  }
0x66: {  	[sflag:s4] =	ssyncset.done $0x0  }
0x67: {  	[sflag:s4] =	ssyncadd.s32 $0xFFFFE000  }
0x68: {  	[spmem:s2] =	stream.indirect.scatter.add.f32 [tilespmem:s14], [sflag:$0x1], $0x40, s13, s10, $0xb8;
	[tilespmem:$0x18200] =	vst v63  }
0x69: {  	_ =	swait.ge [sflag:s4], $0x2000  }
0x6a: {  	[sflag:s4] =	ssyncset.done $0x0  }
0x6b: {  	[sflag:s4] =	ssyncadd.s32 $0xFFFFE000  }
0x6c: {  	[spmem:s2] =	stream.indirect.scatter.add.f32 [tilespmem:s16], [sflag:$0x1], $0x40, s15, s10, $0xb8;
	[tilespmem:$0x18200] =	vst v63  }
0x6d: {  	s29 =	ssub.s32 $0x2, s23;
	_ =	swait.ge [sflag:s4], $0x2000  }
0x6e: {  	s31 =	sshll.u32 s23, $0x10;
	s30 =	sshrl.u32 s29, $0x1;
	[sflag:s4] =	ssyncset.done $0x0  }
0x6f: {  	s23 =	simm.s32 $0x10200;
	s26 =	ssub.s32 s29, s30;
	[sflag:s4] =	ssyncadd.s32 $0xFFFFE000  }
0x70: {  	s24 =	sadd.s32 s31, s24;
	s31 =	smax.u32 s26, $0x1;
	[bflag:$0x0] =	sbarrier.arrive $0xFFFF  }
0x71: {  	[tilespmem:s23], [sflag:$0x1] =	stream.linear.gather [spmem:s6], $0x8000, $0x38;
	[tilespmem:$0x18200] =	vst v63  }
0x72: {  	p0 =	sne.s32 s31, $0x1;
	_ =	swait.ge [sflag:s4], $0x8000  }
.Ltmp0:
0x73: {  	s24 =	sadd.s32 $0xA9C00, s24;
	[sflag:s4] =	ssyncset.done $0x0;
	(pc) =	sbr.rel @!p0 .LBB2_2-.Ltmp0, $4  }
0x74: {  	s24 =	sadd.s32 s25, s24;
	[sflag:s4] =	ssyncadd.s32 $0xFFFF8000  }
0x75: {  	[hbm4b:s24+s3] =	stream.linear.scatter [tilespmem:s23], [sflag:$0x1], $0x8000, $0x38;
	[tilespmem:$0x18200] =	vst v63  }
0x76: {  	_ =	swait.ge [sflag:s4], $0x8000  }
0x77: {  	s25 =	sadd.s32 $0xFFFFFFFF, s31;
	[sflag:s4] =	ssyncset.done $0x0  }
.LBB2_1:
0x78: {  	p0 =	sne.s32 s25, $0x1;
	s25 =	sadd.s32 $0xFFFFFFFF, s25;
	[sflag:s4] =	ssyncadd.s32 $0xFFFF8000  }
0x79: {  	[tilespmem:s3], [sflag:$0x1] =	stream.linear.gather [hbm4b:s5+s3], $0x8000, $0x38;
	[tilespmem:$0x18200] =	vst v63  }
0x7a: {  	_ =	swait.ge [sflag:s4], $0x8000  }
0x7b: {  	[sflag:s4] =	ssyncset.done $0x0  }
0x7c: {  	[sflag:s4] =	ssyncadd.s32 $0xFFFF8000  }
0x7d: {  	[spmem:s6] =	stream.linear.scatter [tilespmem:s3], [sflag:$0x1], $0x8000, $0x38;
	[tilespmem:$0x18200] =	vst v63  }
0x7e: {  	_ =	swait.ge [sflag:s4], $0x8000  }
0x7f: {  	[sflag:s4] =	ssyncset.done $0x0  }
0x80: {  	[sflag:s4] =	ssyncadd.s32 $0xFFFF8000  }
0x81: {  	[bflag:$0x0] =	sbarrier.arrive $0xFFFF  }
0x82: {  	[tilespmem:s3], [sflag:$0x1] =	stream.linear.gather [hbm4b:s7+s3], $0x8000, $0x38;
	[tilespmem:$0x18200] =	vst v63  }
0x83: {  	_ =	swait.ge [sflag:s4], $0x8000  }
0x84: {  	[sflag:s4] =	ssyncset.done $0x0  }
0x85: {  	[sflag:s4] =	ssyncadd.s32 $0xFFFF8000  }
0x86: {  	[tilespmem:s9], [sflag:$0x1] =	stream.linear.gather [hbm4b:s8+s3], $0x200, $0x38;
	[tilespmem:$0x18200] =	vst v63  }
0x87: {  	_ =	swait.ge [sflag:s4], $0x200  }
0x88: {  	[sflag:s4] =	ssyncset.done $0x0  }
0x89: {  	[sflag:s4] =	ssyncadd.s32 $0xFFFFFE00  }
0x8a: {  	[spmem:s2] =	stream.indirect.scatter.add.f32 [tilespmem:s3], [sflag:$0x1], $0x40, s9, s10, $0xb8;
	[tilespmem:$0x18200] =	vst v63  }
0x8b: {  	_ =	swait.ge [sflag:s4], $0x2000  }
0x8c: {  	[sflag:s4] =	ssyncset.done $0x0  }
0x8d: {  	[sflag:s4] =	ssyncadd.s32 $0xFFFFE000  }
0x8e: {  	[spmem:s2] =	stream.indirect.scatter.add.f32 [tilespmem:s12], [sflag:$0x1], $0x40, s11, s10, $0xb8;
	[tilespmem:$0x18200] =	vst v63  }
0x8f: {  	_ =	swait.ge [sflag:s4], $0x2000  }
0x90: {  	[sflag:s4] =	ssyncset.done $0x0  }
0x91: {  	[sflag:s4] =	ssyncadd.s32 $0xFFFFE000  }
0x92: {  	[spmem:s2] =	stream.indirect.scatter.add.f32 [tilespmem:s14], [sflag:$0x1], $0x40, s13, s10, $0xb8;
	[tilespmem:$0x18200] =	vst v63  }
0x93: {  	_ =	swait.ge [sflag:s4], $0x2000  }
0x94: {  	[sflag:s4] =	ssyncset.done $0x0  }
0x95: {  	[sflag:s4] =	ssyncadd.s32 $0xFFFFE000  }
0x96: {  	[spmem:s2] =	stream.indirect.scatter.add.f32 [tilespmem:s16], [sflag:$0x1], $0x40, s15, s10, $0xb8;
	[tilespmem:$0x18200] =	vst v63  }
0x97: {  	_ =	swait.ge [sflag:s4], $0x2000  }
0x98: {  	[sflag:s4] =	ssyncset.done $0x0  }
0x99: {  	[sflag:s4] =	ssyncadd.s32 $0xFFFFE000  }
0x9a: {  	[tilespmem:s3], [sflag:$0x1] =	stream.linear.gather [hbm4b:s17+s3], $0x8000, $0x38;
	[tilespmem:$0x18200] =	vst v63  }
0x9b: {  	_ =	swait.ge [sflag:s4], $0x8000  }
0x9c: {  	[sflag:s4] =	ssyncset.done $0x0  }
0x9d: {  	[sflag:s4] =	ssyncadd.s32 $0xFFFF8000  }
0x9e: {  	[tilespmem:s9], [sflag:$0x1] =	stream.linear.gather [hbm4b:s18+s3], $0x200, $0x38;
	[tilespmem:$0x18200] =	vst v63  }
0x9f: {  	_ =	swait.ge [sflag:s4], $0x200  }
0xa0: {  	[sflag:s4] =	ssyncset.done $0x0  }
0xa1: {  	[sflag:s4] =	ssyncadd.s32 $0xFFFFFE00  }
0xa2: {  	[spmem:s2] =	stream.indirect.scatter.add.f32 [tilespmem:s3], [sflag:$0x1], $0x40, s9, s10, $0xb8;
	[tilespmem:$0x18200] =	vst v63  }
0xa3: {  	_ =	swait.ge [sflag:s4], $0x2000  }
0xa4: {  	[sflag:s4] =	ssyncset.done $0x0  }
0xa5: {  	[sflag:s4] =	ssyncadd.s32 $0xFFFFE000  }
0xa6: {  	[spmem:s2] =	stream.indirect.scatter.add.f32 [tilespmem:s12], [sflag:$0x1], $0x40, s11, s10, $0xb8;
	[tilespmem:$0x18200] =	vst v63  }
0xa7: {  	_ =	swait.ge [sflag:s4], $0x2000  }
0xa8: {  	[sflag:s4] =	ssyncset.done $0x0  }
0xa9: {  	[sflag:s4] =	ssyncadd.s32 $0xFFFFE000  }
0xaa: {  	[spmem:s2] =	stream.indirect.scatter.add.f32 [tilespmem:s14], [sflag:$0x1], $0x40, s13, s10, $0xb8;
	[tilespmem:$0x18200] =	vst v63  }
0xab: {  	_ =	swait.ge [sflag:s4], $0x2000  }
0xac: {  	[sflag:s4] =	ssyncset.done $0x0  }
0xad: {  	[sflag:s4] =	ssyncadd.s32 $0xFFFFE000  }
0xae: {  	[spmem:s2] =	stream.indirect.scatter.add.f32 [tilespmem:s16], [sflag:$0x1], $0x40, s15, s10, $0xb8;
	[tilespmem:$0x18200] =	vst v63  }
0xaf: {  	_ =	swait.ge [sflag:s4], $0x2000  }
0xb0: {  	[sflag:s4] =	ssyncset.done $0x0  }
0xb1: {  	[sflag:s4] =	ssyncadd.s32 $0xFFFFE000  }
0xb2: {  	[tilespmem:s3], [sflag:$0x1] =	stream.linear.gather [hbm4b:s19+s3], $0x8000, $0x38;
	[tilespmem:$0x18200] =	vst v63  }
0xb3: {  	_ =	swait.ge [sflag:s4], $0x8000  }
0xb4: {  	[sflag:s4] =	ssyncset.done $0x0  }
0xb5: {  	[sflag:s4] =	ssyncadd.s32 $0xFFFF8000  }
0xb6: {  	[tilespmem:s9], [sflag:$0x1] =	stream.linear.gather [hbm4b:s20+s3], $0x200, $0x38;
	[tilespmem:$0x18200] =	vst v63  }
0xb7: {  	_ =	swait.ge [sflag:s4], $0x200  }
0xb8: {  	[sflag:s4] =	ssyncset.done $0x0  }
0xb9: {  	[sflag:s4] =	ssyncadd.s32 $0xFFFFFE00  }
0xba: {  	[spmem:s2] =	stream.indirect.scatter.add.f32 [tilespmem:s3], [sflag:$0x1], $0x40, s9, s10, $0xb8;
	[tilespmem:$0x18200] =	vst v63  }
0xbb: {  	_ =	swait.ge [sflag:s4], $0x2000  }
0xbc: {  	[sflag:s4] =	ssyncset.done $0x0  }
0xbd: {  	[sflag:s4] =	ssyncadd.s32 $0xFFFFE000  }
0xbe: {  	[spmem:s2] =	stream.indirect.scatter.add.f32 [tilespmem:s12], [sflag:$0x1], $0x40, s11, s10, $0xb8;
	[tilespmem:$0x18200] =	vst v63  }
0xbf: {  	_ =	swait.ge [sflag:s4], $0x2000  }
0xc0: {  	[sflag:s4] =	ssyncset.done $0x0  }
0xc1: {  	[sflag:s4] =	ssyncadd.s32 $0xFFFFE000  }
0xc2: {  	[spmem:s2] =	stream.indirect.scatter.add.f32 [tilespmem:s14], [sflag:$0x1], $0x40, s13, s10, $0xb8;
	[tilespmem:$0x18200] =	vst v63  }
0xc3: {  	_ =	swait.ge [sflag:s4], $0x2000  }
0xc4: {  	[sflag:s4] =	ssyncset.done $0x0  }
0xc5: {  	[sflag:s4] =	ssyncadd.s32 $0xFFFFE000  }
0xc6: {  	[spmem:s2] =	stream.indirect.scatter.add.f32 [tilespmem:s16], [sflag:$0x1], $0x40, s15, s10, $0xb8;
	[tilespmem:$0x18200] =	vst v63  }
0xc7: {  	_ =	swait.ge [sflag:s4], $0x2000  }
0xc8: {  	[sflag:s4] =	ssyncset.done $0x0  }
0xc9: {  	[sflag:s4] =	ssyncadd.s32 $0xFFFFE000  }
0xca: {  	[tilespmem:s3], [sflag:$0x1] =	stream.linear.gather [hbm4b:s21+s3], $0x8000, $0x38;
	[tilespmem:$0x18200] =	vst v63  }
0xcb: {  	_ =	swait.ge [sflag:s4], $0x8000  }
0xcc: {  	[sflag:s4] =	ssyncset.done $0x0  }
0xcd: {  	[sflag:s4] =	ssyncadd.s32 $0xFFFF8000  }
0xce: {  	[tilespmem:s9], [sflag:$0x1] =	stream.linear.gather [hbm4b:s22+s3], $0x200, $0x38;
	[tilespmem:$0x18200] =	vst v63  }
0xcf: {  	_ =	swait.ge [sflag:s4], $0x200  }
0xd0: {  	[sflag:s4] =	ssyncset.done $0x0  }
0xd1: {  	[sflag:s4] =	ssyncadd.s32 $0xFFFFFE00  }
0xd2: {  	[spmem:s2] =	stream.indirect.scatter.add.f32 [tilespmem:s3], [sflag:$0x1], $0x40, s9, s10, $0xb8;
	[tilespmem:$0x18200] =	vst v63  }
0xd3: {  	_ =	swait.ge [sflag:s4], $0x2000  }
0xd4: {  	[sflag:s4] =	ssyncset.done $0x0  }
0xd5: {  	[sflag:s4] =	ssyncadd.s32 $0xFFFFE000  }
0xd6: {  	[spmem:s2] =	stream.indirect.scatter.add.f32 [tilespmem:s12], [sflag:$0x1], $0x40, s11, s10, $0xb8;
	[tilespmem:$0x18200] =	vst v63  }
0xd7: {  	_ =	swait.ge [sflag:s4], $0x2000  }
0xd8: {  	[sflag:s4] =	ssyncset.done $0x0  }
0xd9: {  	[sflag:s4] =	ssyncadd.s32 $0xFFFFE000  }
0xda: {  	[spmem:s2] =	stream.indirect.scatter.add.f32 [tilespmem:s14], [sflag:$0x1], $0x40, s13, s10, $0xb8;
	[tilespmem:$0x18200] =	vst v63  }
0xdb: {  	_ =	swait.ge [sflag:s4], $0x2000  }
0xdc: {  	[sflag:s4] =	ssyncset.done $0x0  }
0xdd: {  	[sflag:s4] =	ssyncadd.s32 $0xFFFFE000  }
0xde: {  	[spmem:s2] =	stream.indirect.scatter.add.f32 [tilespmem:s16], [sflag:$0x1], $0x40, s15, s10, $0xb8;
	[tilespmem:$0x18200] =	vst v63  }
0xdf: {  	_ =	swait.ge [sflag:s4], $0x2000  }
0xe0: {  	[sflag:s4] =	ssyncset.done $0x0  }
0xe1: {  	[sflag:s4] =	ssyncadd.s32 $0xFFFFE000  }
0xe2: {  	[bflag:$0x0] =	sbarrier.arrive $0xFFFF  }
0xe3: {  	[tilespmem:s23], [sflag:$0x1] =	stream.linear.gather [spmem:s6], $0x8000, $0x38;
	[tilespmem:$0x18200] =	vst v63  }
0xe4: {  	_ =	swait.ge [sflag:s4], $0x8000  }
.Ltmp1:
0xe5: {  	[sflag:s4] =	ssyncset.done $0x0;
	(pc) =	sbr.rel @p0 .LBB2_1-.Ltmp1, $4  }
0xe6: {  	[sflag:s4] =	ssyncadd.s32 $0xFFFF8000  }
0xe7: {  	[hbm4b:s24+s3] =	stream.linear.scatter [tilespmem:s23], [sflag:$0x1], $0x8000, $0x38;
	[tilespmem:$0x18200] =	vst v63  }
0xe8: {  	_ =	swait.ge [sflag:s4], $0x8000  }
0xe9: {  	[sflag:s4] =	ssyncset.done $0x0  }
.LBB2_2:
0xea: {  	[sflag:s4] =	ssyncadd.s32 $0xFFFF8000  }
0xeb: {  	_ =	sfence.sel $0x180000  }
0xec: {  	[bflag:$0x0] =	sbarrier.arrive $0xFFFF  }
0xed: {  	p0 =	sne.s32 s1, $0x0;
	_ =	strace $0x9000004D  }
0xee: {  	s0 =	sadd.s32 @!p0 $0x100000, s0;
	[bflag:$0x2] =	sbarrier.arrive $0xFFFF  }
0xef: {  	[sflag:s0] =	ssyncadd.tile.s32 @!p0 $0x1;
	_ =	shalt  }
.Lfunc_end2:
_tile_overlayer_lowered:
.L_overlay_start_2:
0xf0: {  	(tag) =	ssettag $0x2  }
0xf1: {  	s0 =	rddreg [dreg:$0x0];
	s2 =	stileid.u32  }
0xf2: {  	s1 =	rddreg [dreg:$0x1];
	p0 =	sne.s32 s2, $0x0  }
0xf3: {  	s3 =	rddreg [dreg:$0x2];
	[bflag:$0x3] =	sbarrier.arrive $0xFFFF;
	s2 =	simm.s32 @!p0 $0x1C01  }
0xf4: {  	[timem:s3], [sflag:s2] =	dma.local @!p0 [hbm:s0], s1  }
0xf5: {  	s0 =	simm.s32 @!p0 $0x1  }
0xf6: {  	_ =	swait.ge @!p0 [sflag:s0], s1  }
0xf7: {  	s1 =	ssub.s32 @!p0 $0x0, s1;
	[sflag:s0] =	ssyncset.done @!p0 $0x0  }
0xf8: {  	[sflag:s0] =	ssyncadd.s32 @!p0 s1  }
0xf9: {  	[bflag:$0x3] =	sbarrier.arrive $0xFFFF  }
0xfa: {  	_ =	shalt  }

// kernel: kernel.7.cloned.1.call-start
scs
__scs_entry_jumppad:
0x0: {  	(pc) =	sbr.rel $0x88, $3  }
0x1: {  	(tag) =	ssettag $0x0;
	lr =	simm.s32 $0x1  }
0x2: {  	[smem:$0x3F7B] =	sst lr;
	_ =	strace $0xD0000000  }
0x3: {  	_ = 	snop  }
0x4: {  	_ = 	snop  }
0x5: {  	_ = 	snop  }
0x6: {  	_ = 	snop  }
0x7: {  	_ = 	snop  }
__scs_overlays_trampoline_lowered:
0x8: {  	[smem:$0x3F8A] =	sst s0  }
0x9: {  	[smem:$0x3F8B] =	sst s1  }
0xa: {  	[smem:$0x3F8C] =	sst s2  }
0xb: {  	[smem:$0x3F8D] =	sst s3  }
0xc: {  	[smem:$0x3F8E] =	sst s4  }
0xd: {  	[smem:$0x3F8F] =	sst s5  }
0xe: {  	[smem:$0x3F90] =	sst s6  }
0xf: {  	[smem:$0x3F91] =	sst s7  }
0x10: {  	[smem:$0x3F92] =	sst s8  }
0x11: {  	[smem:$0x3F93] =	sst s9;
	s0 =	simm.s32 @!p0 $0x0  }
0x12: {  	s1 =	sld [smem:$0x3F79];
	s0 =	simm.s32 @p0 $0x1  }
0x13: {  	[smem:$0x3F94] =	sst s0;
	s0 =	simm.s32 @!p1 $0x0  }
0x14: {  	s2 =	sld [smem:$0x3F78];
	s0 =	simm.s32 @p1 $0x1  }
0x15: {  	[smem:$0x3F95] =	sst s0;
	s0 =	simm.s32 @!p2 $0x0  }
0x16: {  	s3 =	sld [smem:$0x3FDB];
	s0 =	simm.s32 @p2 $0x1  }
0x17: {  	s4 =	simm.s32 $0x1BF5;
	[smem:$0x3F97] =	sst s0  }
0x18: {  	s0 =	sld [smem:$0x3F7A];
	_ =	swait.ge [sflag:s4], $0x0  }
0x19: {  	s7 =	sld [smem:$0x3F7B]  }
0x1a: {  	s8 =	sadd.s32 $0xFFFFE003, lr  }
0x1b: {  	s9 =	sadd.s32 $0xFFFFFEF7, lr;
	s5 =	simm.s32 $0xFFFFFFFF;
	p2 =	slt.u32 s8, $0xFFFFF086  }
0x1c: {  	p1 =	slt.u32 s9, $0xF7A;
	s5 =	simm.s32 @!p2 $0x0  }
0x1d: {  	s5 =	simm.s32 @p1 $0x1;
	p0 =	seq.s32 s7, s2  }
0x1e: {  	s7 =	smul.u32 @!p0 $0xF7A, s2;
	p2 =	seq.s32 @!p0 s5, $0x0  }
0x1f: {  	s9 =	smul.u32 $0xF7A, s1;
	s8 =	simm.s32 @!p0 $0x1BF5;
	p2 =	por !p2, p0  }
0x20: {  	[sflag:s8] =	ssyncset.s32 @!p0 $0xFFFFF086;
	s6 =	sadd.s32 @!p0 s3, s7;
	s7 =	simm.s32 @!p0 $0x108  }
0x21: {  	s3 =	sadd.s32 s3, s9;
	s6 =	sadd.s32 @!p0 $0x88, s6;
	s7 =	simm.s32 @p2 $0x1082  }
0x22: {  	[simem:s7], [sflag:s8] =	dma.local @!p0 [hbm:s6], $0xF7A  }
0x23: {  	s9 =	sor.u32 $0xD0000000, s2;
	s6 =	simm.s32 $0x108;
	_ =	swait.ge @!p0 [sflag:s8], $0x0  }
0x24: {  	s3 =	sadd.s32 $0x88, s3;
	s6 =	simm.s32 @!p1 $0x1082;
	[sflag:s4] =	ssyncset.s32 $0xFFFFF086  }
0x25: {  	[simem:s6], [sflag:s4] =	dma.local [hbm:s3], $0xF7A  }
0x26: {  	[smem:$0x3F7B] =	sst s1;
	(tag) =	ssettag s2;
	_ =	strace s9  }
0x27: {  	s1 =	sld [smem:$0x3F8B]  }
0x28: {  	s2 =	sld [smem:$0x3F8C]  }
0x29: {  	s4 =	sld [smem:$0x3F8E]  }
0x2a: {  	p0 =	seq.s32 s5, $0x0;
	s5 =	sld [smem:$0x3F8F]  }
0x2b: {  	s6 =	sld [smem:$0x3F90]  }
0x2c: {  	s7 =	sld [smem:$0x3F91]  }
0x2d: {  	s3 =	simm.s32 $0x108;
	s8 =	sld [smem:$0x3F92]  }
0x2e: {  	s3 =	simm.s32 @!p0 $0x1082;
	s9 =	sld [smem:$0x3F93]  }
0x2f: {  	lr =	sadd.s32 s0, s3;
	s0 =	sld [smem:$0x3F8A]  }
0x30: {  	s3 =	sld [smem:$0x3F8D]  }
0x31: {  	[smem:$0x3F96] =	sst s10  }
0x32: {  	s10 =	sld [smem:$0x3F94];
	_ =	sdelay $0x3  }
0x33: {  	p0 =	seq.s32 s10, $0x1;
	s10 =	sld [smem:$0x3F96];
	_ =	sdelay $0x3  }
0x34: {  	[smem:$0x3F96] =	sst s10  }
0x35: {  	s10 =	sld [smem:$0x3F95];
	_ =	sdelay $0x3  }
0x36: {  	p1 =	seq.s32 s10, $0x1;
	s10 =	sld [smem:$0x3F96];
	_ =	sdelay $0x3  }
0x37: {  	[smem:$0x3F96] =	sst s10  }
0x38: {  	s10 =	sld [smem:$0x3F97]  }
0x39: {  	_ = 	snop;
	(pc) =	sbr.ind lr, $3  }
0x3a: {  	_ = 	snop  }
0x3b: {  	_ = 	snop  }
0x3c: {  	p2 =	seq.s32 s10, $0x1;
	s10 =	sld [smem:$0x3F96]  }
0x3d: {  	_ =	shalt  }
0x3e: {  	_ =	shalt  }
0x3f: {  	_ =	shalt  }
0x40: {  	_ =	shalt  }
0x41: {  	_ =	shalt  }
0x42: {  	_ =	shalt  }
0x43: {  	_ =	shalt  }
0x44: {  	_ =	shalt  }
0x45: {  	_ =	shalt  }
0x46: {  	_ =	shalt  }
0x47: {  	_ =	shalt  }
0x48: {  	_ =	shalt  }
0x49: {  	_ =	shalt  }
0x4a: {  	_ =	shalt  }
0x4b: {  	_ =	shalt  }
0x4c: {  	_ =	shalt  }
0x4d: {  	_ =	shalt  }
0x4e: {  	_ =	shalt  }
0x4f: {  	_ =	shalt  }
0x50: {  	_ =	shalt  }
0x51: {  	_ =	shalt  }
0x52: {  	_ =	shalt  }
0x53: {  	_ =	shalt  }
0x54: {  	_ =	shalt  }
0x55: {  	_ =	shalt  }
0x56: {  	_ =	shalt  }
0x57: {  	_ =	shalt  }
0x58: {  	_ =	shalt  }
0x59: {  	_ =	shalt  }
0x5a: {  	_ =	shalt  }
0x5b: {  	_ =	shalt  }
0x5c: {  	_ =	shalt  }
0x5d: {  	_ =	shalt  }
0x5e: {  	_ =	shalt  }
0x5f: {  	_ =	shalt  }
0x60: {  	_ =	shalt  }
0x61: {  	_ =	shalt  }
0x62: {  	_ =	shalt  }
0x63: {  	_ =	shalt  }
0x64: {  	_ =	shalt  }
0x65: {  	_ =	shalt  }
0x66: {  	_ =	shalt  }
0x67: {  	_ =	shalt  }
0x68: {  	_ =	shalt  }
0x69: {  	_ =	shalt  }
0x6a: {  	_ =	shalt  }
0x6b: {  	_ =	shalt  }
0x6c: {  	_ =	shalt  }
0x6d: {  	_ =	shalt  }
0x6e: {  	_ =	shalt  }
0x6f: {  	_ =	shalt  }
0x70: {  	_ =	shalt  }
0x71: {  	_ =	shalt  }
0x72: {  	_ =	shalt  }
0x73: {  	_ =	shalt  }
0x74: {  	_ =	shalt  }
0x75: {  	_ =	shalt  }
0x76: {  	_ =	shalt  }
0x77: {  	_ =	shalt  }
0x78: {  	_ =	shalt  }
0x79: {  	_ =	shalt  }
0x7a: {  	_ =	shalt  }
0x7b: {  	_ =	shalt  }
0x7c: {  	_ =	shalt  }
0x7d: {  	_ =	shalt  }
0x7e: {  	_ =	shalt  }
0x7f: {  	_ =	shalt  }
0x80: {  	_ =	shalt  }
0x81: {  	_ =	shalt  }
0x82: {  	_ =	shalt  }
0x83: {  	_ =	shalt  }
0x84: {  	_ =	shalt  }
0x85: {  	_ =	shalt  }
0x86: {  	_ =	shalt  }
0x87: {  	_ =	shalt  }
.Lfunc_end0:
.L_simem_size_0:
called_computation.1_lowered:
.L_overlay_start_0:
0x88: {  	s2 =	sld [smem:$0x3FD9]  }
0x89: {  	s3 =	sld [smem:$0x3FFE];
	_ =	sdelay $0x1  }
0x8a: {  	s1 =	srdreg.scid  }
0x8b: {  	s0 =	sand.u32 $0x1, s1  }
0x8c: {  	s14 =	sshll.u32 s0, $0xA;
	s2 =	sadd.s32 s3, s2  }
0x8d: {  	s2 =	sadd.s32 s2, s14  }
0x8e: {  	[smem:$0x3FA2] =	sst s2  }
0x8f: {  	_ = 	snop  }
0x90: {  	s2 =	sld [smem:$0x3FD0];
	_ =	sdelay $0x2  }
0x91: {  	s15 =	simm.s32 $0xA;
	s4 =	simm.s32 $0x10  }
0x92: {  	[smem:s4], [sflag:s15] =	dma.local [hbm:s2], $0x1  }
0x93: {  	_ =	swait.eq [sflag:s15], $0x1  }
0x94: {  	[sflag:s15] =	ssyncset.done $0x0  }
0x95: {  	[sflag:s15] =	ssyncadd.s32 $0xFFFFFFFF  }
0x96: {  	s16 =	sld [smem:$0x11];
	(tm) =	ssettm $0x1  }
0x97: {  	s17 =	sld [smem:$0x3FFB];
	_ =	sdelay $0x3  }
0x98: {  	_ =	strace s17  }
0x99: {  	s3 =	sld [smem:$0x3FFC];
	_ =	sdelay $0x3  }
0x9a: {  	_ =	strace s3  }
0x9b: {  	s3 =	sld [smem:$0x3FFD];
	_ =	sdelay $0x3  }
0x9c: {  	_ =	strace s3  }
0x9d: {  	_ =	strace $0x8FFFFFFF  }
0x9e: {  	s18 =	sld [smem:$0x3FDB];
	_ =	sdelay $0x1  }
0x9f: {  	s19 =	simm.s32 $_scs_section_size  }
0xa0: {  	s5 =	simm.s32 $_size__tile_overlayer_lowered;
	s6 =	simm.s32 $_tile_overlayer_lowered  }
0xa1: {  	s22 =	simm.s32 $0x1BFF;
	s21 =	sshll.u32 s6, $0x1;
	s3 =	sadd.s32 s19, s18  }
0xa2: {  	s7 =	simm.s32 $0x0;
	s20 =	sshll.u32 s5, $0x1;
	s5 =	sadd.s32 s21, s3  }
0xa3: {  	[timem:s7], [sflag:s22] =	dma.local [hbm:s5], s20  }
0xa4: {  	_ =	swait.ge [sflag:s22], s20  }
0xa5: {  	s4 =	ssub.s32 $0x0, s20;
	[sflag:s22] =	ssyncset.done $0x0  }
0xa6: {  	[sflag:s22] =	ssyncadd.s32 s4;
	_ =	sdelay $0x1  }
0xa7: {  	s23 =	simm.s32 $0x1B8B  }
0xa8: {  	_ =	swait.ge [sflag:s23], $0x1  }
0xa9: {  	[sflag:s23] =	ssyncset.done $0x0  }
0xaa: {  	s25 =	simm.s32 $0x1B8E;
	s24 =	sld [smem:$0x3FFE];
	[sflag:s23] =	ssyncadd.s32 $0xFFFFFFFF  }
0xab: {  	s26 =	simm.s32 $execute0_lowered;
	[smem:$0x3FD2] =	sst s25  }
0xac: {  	s5 =	sshll.u32 s26, $0x1;
	_ =	strace $0x80000046;
	[dreg:$0x1] =	wrdreg $0xFFFFFFFF  }
0xad: {  	s28 =	simm.s32 $_size_execute0_lowered;
	s3 =	sadd.s32 s3, s5;
	[dreg:$0x0] =	wrdreg $0x0  }
0xae: {  	s5 =	sshll.u32 s28, $0x1;
	[dreg:$0x2] =	wrdreg s3  }
0xaf: {  	[dreg:$0x3] =	wrdreg s5  }
0xb0: {  	[dreg:$0x4] =	wrdreg $0xC0  }
0xb1: {  	_ =	task [dreg:s7], $0x5FFFF  }
0xb2: {  	[dreg:$0x1] =	wrdreg $0xFFFFFFFF  }
0xb3: {  	[dreg:$0x0] =	wrdreg $0x60  }
0xb4: {  	[dreg:$0x2] =	wrdreg s24  }
0xb5: {  	[dreg:$0x3] =	wrdreg s16  }
0xb6: {  	[dreg:$0x4] =	wrdreg $0x9  }
0xb7: {  	_ =	task.clear_ibuf [dreg:s7], $0x5FFFF;
	_ =	strace $0x90000046  }
0xb8: {  	s29 =	simm.s32 $0x9;
	_ =	strace $0x80000048  }
0xb9: {  	_ =	swait.ge [sflag:s29], $0x1  }
0xba: {  	[sflag:s29] =	ssyncadd.s32 $0xFFFFFFFF  }
0xbb: {  	_ =	strace $0x90000048  }
0xbc: {  	_ =	sfence  }
0xbd: {  	s30 =	sld [smem:$0x0];
	_ =	sdelay $0x2  }
0xbe: {  	s31 =	sshll.u32 s1, $0xD;
	s1 =	sshrl.u32 s1, $0x2  }
0xbf: {  	s3 =	sand.u32 $0x4000, s31;
	s1 =	sadd.s32 s1, s30  }
0xc0: {  	s0 =	sor.u32 s3, s0;
	s1 =	sshll.u32 s1, $0x11  }
0xc1: {  	s0 =	sor.u32 s1, s0  }
0xc2: {  	s0 =	sadd.s32 $0x8F2B, s0  }
0xc3: {  	[sflag:s0] =	ssyncadd.remote.s32 $0x1  }
0xc4: {  	_ =	sfence.sel $0xFFFF  }
0xc5: {  	[dreg:$0x0] =	wrdreg $0xFFFFFFFF;
	(pc) =	sbr.abs _section_cstart, $3  }
0xc6: {  	[dreg:$0x1] =	wrdreg $0xFFFFFFFF  }
0xc7: {  	_ =	task.clear_ibuf [dreg:s7], $0x2FFFF;
	_ =	strace $0x9FFFFFFF  }
0xc8: {  	(tm) =	ssettm $0x7FFFFFFF  }
0xc9: {  	_ =	shalt  }
tec
execute0_lowered:
.L_overlay_start_1:
0x0: {  	(tag) =	ssettag $0x1  }
0x1: {  	s4 =	rddreg [dreg:$0x0]  }
0x2: {  	s5 =	rddreg [dreg:$0x1]  }
0x3: {  	s0 =	rddreg [dreg:$0x2];
	s2 =	simm.s32 $0x0;
	s3 =	srdreg.scid  }
0x4: {  	s1 =	stileid.u32;
	s9 =	simm.s32 $0x0;
	s3 =	sand.u32 $0x1, s3  }
0x5: {  	[smem:$0x7FF] =	sst s2;
	s7 =	sshll.u32 s1, $0xF;
	s6 =	ssub.s32 $0x2, s3  }
0x6: {  	s3 =	sshll.u32 s3, $0xE;
	_ =	strace $0x80000047;
	s8 =	sshrl.u32 s6, $0x1  }
0x7: {  	s7 =	sor.u32 s3, s7;
	s3 =	sadd.s32 $0x5400, s4;
	s4 =	sadd.s32 $0x9400, s4  }
0x8: {  	s6 =	ssub.s32 s6, s8;
	s31 =	sshrl.u32 s7, $0x3;
	v0 =	vmov s7;
	s7 =	simm.s32 $0x10000  }
0x9: {  	v1 =	vlaneseq.u32;
	s8 =	simm.s32 $0x1;
	s5 =	sadd.s32 s5, s31;
	s6 =	smax.u32 s6, $0x1  }
.LBB2_1:
0xa: {  	[tilespmem:s7], [sflag:$0x1] =	stream.linear.gather [hbm4b:s4+s2], $0x4000, $0x38;
	[tilespmem:$0x14000] =	vst v63  }
0xb: {  	_ =	swait.ge [sflag:s8], $0x4000  }
0xc: {  	[sflag:s8] =	ssyncset.done $0x0  }
0xd: {  	[sflag:s8] =	ssyncadd.s32 $0xFFFFC000  }
0xe: {  	[tilespmem:s2], [sflag:$0x1] =	stream.linear.gather [hbm4b:s3+s2], $0x10000, $0x38;
	[tilespmem:$0x14000] =	vst v63  }
0xf: {  	_ =	swait.ge [sflag:s8], $0x10000  }
0x10: {  	[sflag:s8] =	ssyncset.done $0x0  }
0x11: {  	s10 =	simm.s32 $0x20;
	s11 =	simm.s32 $0x0;
	[sflag:s8] =	ssyncadd.s32 $0xFFFF0000  }
.LBB2_2:
0x12: {  	v2 =	vld [tilespmem:s10+$0xFFFFFFE0];
	_ =	sdelay $0x4  }
0x13: {  	v3 =	vsub.s32 v2, v0  }
0x14: {  	vm0 =	vlt.u32 v3, $0x4000  }
0x15: {  	(xrf1) =	vunique.msk.u32 vm0, v3;
	_ =	sdelay $0xd  }
0x16: {  	_, v4, vm1 =	vpop (xrf1)  }
0x17: {  	v2 =	vand.u32 $0x7F, v2;
	v3 =	vand.u32 $0xFFFFFF80, v3;
	vm0 =	vmand vm0, vm1  }
0x18: {  	v2 =	vor.u32 v2, v3;
	_ =	sdelay $0x3  }
0x19: {  	v3 =	vor.u32 s11, v1  }
0x1a: {  	[tilespmem:v2+s7+$0x0] =	vst.idx.msk vm0, v3  }
0x1b: {  	v2 =	vld [tilespmem:s10+$0xFFFFFFF0];
	_ =	sdelay $0x4  }
0x1c: {  	v3 =	vsub.s32 v2, v0  }
0x1d: {  	vm10 =	vlt.u32 v3, $0x4000  }
0x1e: {  	(xrf1) =	vunique.msk.u32 vm10, v3;
	_ =	sdelay $0xd  }
0x1f: {  	_, v4, vm11 =	vpop (xrf1)  }
0x20: {  	v2 =	vand.u32 $0x7F, v2;
	v3 =	vand.u32 $0xFFFFFF80, v3;
	vm0 =	vmand vm10, vm11  }
0x21: {  	v2 =	vor.u32 v2, v3;
	_ =	sdelay $0x2  }
0x22: {  	s12 =	sadd.s32 $0x10, s11  }
0x23: {  	v3 =	vor.u32 s12, v1  }
0x24: {  	[tilespmem:v2+s7+$0x0] =	vst.idx.msk vm0, v3  }
0x25: {  	v2 =	vld [tilespmem:s10+$0x0];
	_ =	sdelay $0x4  }
0x26: {  	v3 =	vsub.s32 v2, v0  }
0x27: {  	vm12 =	vlt.u32 v3, $0x4000  }
0x28: {  	(xrf1) =	vunique.msk.u32 vm12, v3;
	_ =	sdelay $0xd  }
0x29: {  	_, v4, vm13 =	vpop (xrf1)  }
0x2a: {  	v2 =	vand.u32 $0x7F, v2;
	v3 =	vand.u32 $0xFFFFFF80, v3;
	vm0 =	vmand vm12, vm13  }
0x2b: {  	v2 =	vor.u32 v2, v3;
	_ =	sdelay $0x2  }
0x2c: {  	s30 =	sadd.s32 $0x20, s11  }
0x2d: {  	v3 =	vor.u32 s30, v1  }
0x2e: {  	[tilespmem:v2+s7+$0x0] =	vst.idx.msk vm0, v3  }
0x2f: {  	v2 =	vld [tilespmem:s10+$0x10];
	_ =	sdelay $0x4  }
0x30: {  	v3 =	vsub.s32 v2, v0  }
0x31: {  	vm14 =	vlt.u32 v3, $0x4000  }
0x32: {  	(xrf1) =	vunique.msk.u32 vm14, v3;
	_ =	sdelay $0xd  }
0x33: {  	_, v4, vm15 =	vpop (xrf1)  }
0x34: {  	v2 =	vand.u32 $0x7F, v2;
	v3 =	vand.u32 $0xFFFFFF80, v3;
	vm0 =	vmand vm14, vm15  }
0x35: {  	p0 =	sne.s32 s11, $0xFFC0;
	v2 =	vor.u32 v2, v3  }
.Ltmp0:
0x36: {  	_ = 	snop;
	(pc) =	sbr.rel @p0 .LBB2_2-.Ltmp0, $4  }
0x37: {  	_ = 	snop  }
0x38: {  	s31 =	sadd.s32 $0x30, s11  }
0x39: {  	v3 =	vor.u32 s31, v1  }
0x3a: {  	s11 =	sadd.s32 $0x40, s11;
	s10 =	sadd.s32 $0x40, s10;
	[tilespmem:v2+s7+$0x0] =	vst.idx.msk vm0, v3  }
0x3b: {  	s9 =	sadd.s32 $0x1, s9  }
0x3c: {  	p0 =	sne.s32 s9, s6  }
.Ltmp1:
0x3d: {  	_ = 	snop;
	(pc) =	sbr.rel @p0 .LBB2_1-.Ltmp1, $4  }
0x3e: {  	[hbm4b:s5+s2] =	stream.linear.scatter [tilespmem:s7], [sflag:$0x1], $0x4000, $0x38;
	[tilespmem:$0x14000] =	vst v63  }
0x3f: {  	_ =	swait.ge [sflag:s8], $0x4000  }
0x40: {  	[sflag:s8] =	ssyncset.done $0x0  }
0x41: {  	[sflag:s8] =	ssyncadd.s32 $0xFFFFC000  }
0x42: {  	_ =	sfence.sel $0x180000  }
0x43: {  	[bflag:$0x0] =	sbarrier.arrive $0xFFFF  }
0x44: {  	p0 =	sne.s32 s1, $0x0;
	_ =	strace $0x90000047  }
0x45: {  	s0 =	sadd.s32 @!p0 $0x100000, s0;
	[bflag:$0x2] =	sbarrier.arrive $0xFFFF  }
0x46: {  	[sflag:s0] =	ssyncadd.tile.s32 @!p0 $0x1;
	_ =	shalt  }
.Lfunc_end2:
_tile_overlayer_lowered:
.L_overlay_start_2:
0x47: {  	(tag) =	ssettag $0x2  }
0x48: {  	s0 =	rddreg [dreg:$0x0];
	s2 =	stileid.u32  }
0x49: {  	s1 =	rddreg [dreg:$0x1];
	p0 =	sne.s32 s2, $0x0  }
0x4a: {  	s3 =	rddreg [dreg:$0x2];
	[bflag:$0x3] =	sbarrier.arrive $0xFFFF;
	s2 =	simm.s32 @!p0 $0x1C01  }
0x4b: {  	[timem:s3], [sflag:s2] =	dma.local @!p0 [hbm:s0], s1  }
0x4c: {  	s0 =	simm.s32 @!p0 $0x1  }
0x4d: {  	_ =	swait.ge @!p0 [sflag:s0], s1  }
0x4e: {  	s1 =	ssub.s32 @!p0 $0x0, s1;
	[sflag:s0] =	ssyncset.done @!p0 $0x0  }
0x4f: {  	[sflag:s0] =	ssyncadd.s32 @!p0 s1  }
0x50: {  	[bflag:$0x3] =	sbarrier.arrive $0xFFFF  }
0x51: {  	_ =	shalt  }

// kernel: scatter_offload_async_start
scs
__scs_entry_jumppad:
0x0: {  	(pc) =	sbr.rel $0x88, $3  }
0x1: {  	(tag) =	ssettag $0x0;
	lr =	simm.s32 $0x1  }
0x2: {  	[smem:$0x3F7B] =	sst lr;
	_ =	strace $0xD0000000  }
0x3: {  	_ = 	snop  }
0x4: {  	_ = 	snop  }
0x5: {  	_ = 	snop  }
0x6: {  	_ = 	snop  }
0x7: {  	_ = 	snop  }
__scs_overlays_trampoline_lowered:
0x8: {  	[smem:$0x3F8A] =	sst s0  }
0x9: {  	[smem:$0x3F8B] =	sst s1  }
0xa: {  	[smem:$0x3F8C] =	sst s2  }
0xb: {  	[smem:$0x3F8D] =	sst s3  }
0xc: {  	[smem:$0x3F8E] =	sst s4  }
0xd: {  	[smem:$0x3F8F] =	sst s5  }
0xe: {  	[smem:$0x3F90] =	sst s6  }
0xf: {  	[smem:$0x3F91] =	sst s7  }
0x10: {  	[smem:$0x3F92] =	sst s8  }
0x11: {  	[smem:$0x3F93] =	sst s9;
	s0 =	simm.s32 @!p0 $0x0  }
0x12: {  	s1 =	sld [smem:$0x3F79];
	s0 =	simm.s32 @p0 $0x1  }
0x13: {  	[smem:$0x3F94] =	sst s0;
	s0 =	simm.s32 @!p1 $0x0  }
0x14: {  	s2 =	sld [smem:$0x3F78];
	s0 =	simm.s32 @p1 $0x1  }
0x15: {  	[smem:$0x3F95] =	sst s0;
	s0 =	simm.s32 @!p2 $0x0  }
0x16: {  	s3 =	sld [smem:$0x3FDB];
	s0 =	simm.s32 @p2 $0x1  }
0x17: {  	s4 =	simm.s32 $0x1BF5;
	[smem:$0x3F97] =	sst s0  }
0x18: {  	s0 =	sld [smem:$0x3F7A];
	_ =	swait.ge [sflag:s4], $0x0  }
0x19: {  	s7 =	sld [smem:$0x3F7B]  }
0x1a: {  	s8 =	sadd.s32 $0xFFFFE003, lr  }
0x1b: {  	s9 =	sadd.s32 $0xFFFFFEF7, lr;
	s5 =	simm.s32 $0xFFFFFFFF;
	p2 =	slt.u32 s8, $0xFFFFF086  }
0x1c: {  	p1 =	slt.u32 s9, $0xF7A;
	s5 =	simm.s32 @!p2 $0x0  }
0x1d: {  	s5 =	simm.s32 @p1 $0x1;
	p0 =	seq.s32 s7, s2  }
0x1e: {  	s7 =	smul.u32 @!p0 $0xF7A, s2;
	p2 =	seq.s32 @!p0 s5, $0x0  }
0x1f: {  	s9 =	smul.u32 $0xF7A, s1;
	s8 =	simm.s32 @!p0 $0x1BF5;
	p2 =	por !p2, p0  }
0x20: {  	[sflag:s8] =	ssyncset.s32 @!p0 $0xFFFFF086;
	s6 =	sadd.s32 @!p0 s3, s7;
	s7 =	simm.s32 @!p0 $0x108  }
0x21: {  	s3 =	sadd.s32 s3, s9;
	s6 =	sadd.s32 @!p0 $0x88, s6;
	s7 =	simm.s32 @p2 $0x1082  }
0x22: {  	[simem:s7], [sflag:s8] =	dma.local @!p0 [hbm:s6], $0xF7A  }
0x23: {  	s9 =	sor.u32 $0xD0000000, s2;
	s6 =	simm.s32 $0x108;
	_ =	swait.ge @!p0 [sflag:s8], $0x0  }
0x24: {  	s3 =	sadd.s32 $0x88, s3;
	s6 =	simm.s32 @!p1 $0x1082;
	[sflag:s4] =	ssyncset.s32 $0xFFFFF086  }
0x25: {  	[simem:s6], [sflag:s4] =	dma.local [hbm:s3], $0xF7A  }
0x26: {  	[smem:$0x3F7B] =	sst s1;
	(tag) =	ssettag s2;
	_ =	strace s9  }
0x27: {  	s1 =	sld [smem:$0x3F8B]  }
0x28: {  	s2 =	sld [smem:$0x3F8C]  }
0x29: {  	s4 =	sld [smem:$0x3F8E]  }
0x2a: {  	p0 =	seq.s32 s5, $0x0;
	s5 =	sld [smem:$0x3F8F]  }
0x2b: {  	s6 =	sld [smem:$0x3F90]  }
0x2c: {  	s7 =	sld [smem:$0x3F91]  }
0x2d: {  	s3 =	simm.s32 $0x108;
	s8 =	sld [smem:$0x3F92]  }
0x2e: {  	s3 =	simm.s32 @!p0 $0x1082;
	s9 =	sld [smem:$0x3F93]  }
0x2f: {  	lr =	sadd.s32 s0, s3;
	s0 =	sld [smem:$0x3F8A]  }
0x30: {  	s3 =	sld [smem:$0x3F8D]  }
0x31: {  	[smem:$0x3F96] =	sst s10  }
0x32: {  	s10 =	sld [smem:$0x3F94];
	_ =	sdelay $0x3  }
0x33: {  	p0 =	seq.s32 s10, $0x1;
	s10 =	sld [smem:$0x3F96];
	_ =	sdelay $0x3  }
0x34: {  	[smem:$0x3F96] =	sst s10  }
0x35: {  	s10 =	sld [smem:$0x3F95];
	_ =	sdelay $0x3  }
0x36: {  	p1 =	seq.s32 s10, $0x1;
	s10 =	sld [smem:$0x3F96];
	_ =	sdelay $0x3  }
0x37: {  	[smem:$0x3F96] =	sst s10  }
0x38: {  	s10 =	sld [smem:$0x3F97]  }
0x39: {  	_ = 	snop;
	(pc) =	sbr.ind lr, $3  }
0x3a: {  	_ = 	snop  }
0x3b: {  	_ = 	snop  }
0x3c: {  	p2 =	seq.s32 s10, $0x1;
	s10 =	sld [smem:$0x3F96]  }
0x3d: {  	_ =	shalt  }
0x3e: {  	_ =	shalt  }
0x3f: {  	_ =	shalt  }
0x40: {  	_ =	shalt  }
0x41: {  	_ =	shalt  }
0x42: {  	_ =	shalt  }
0x43: {  	_ =	shalt  }
0x44: {  	_ =	shalt  }
0x45: {  	_ =	shalt  }
0x46: {  	_ =	shalt  }
0x47: {  	_ =	shalt  }
0x48: {  	_ =	shalt  }
0x49: {  	_ =	shalt  }
0x4a: {  	_ =	shalt  }
0x4b: {  	_ =	shalt  }
0x4c: {  	_ =	shalt  }
0x4d: {  	_ =	shalt  }
0x4e: {  	_ =	shalt  }
0x4f: {  	_ =	shalt  }
0x50: {  	_ =	shalt  }
0x51: {  	_ =	shalt  }
0x52: {  	_ =	shalt  }
0x53: {  	_ =	shalt  }
0x54: {  	_ =	shalt  }
0x55: {  	_ =	shalt  }
0x56: {  	_ =	shalt  }
0x57: {  	_ =	shalt  }
0x58: {  	_ =	shalt  }
0x59: {  	_ =	shalt  }
0x5a: {  	_ =	shalt  }
0x5b: {  	_ =	shalt  }
0x5c: {  	_ =	shalt  }
0x5d: {  	_ =	shalt  }
0x5e: {  	_ =	shalt  }
0x5f: {  	_ =	shalt  }
0x60: {  	_ =	shalt  }
0x61: {  	_ =	shalt  }
0x62: {  	_ =	shalt  }
0x63: {  	_ =	shalt  }
0x64: {  	_ =	shalt  }
0x65: {  	_ =	shalt  }
0x66: {  	_ =	shalt  }
0x67: {  	_ =	shalt  }
0x68: {  	_ =	shalt  }
0x69: {  	_ =	shalt  }
0x6a: {  	_ =	shalt  }
0x6b: {  	_ =	shalt  }
0x6c: {  	_ =	shalt  }
0x6d: {  	_ =	shalt  }
0x6e: {  	_ =	shalt  }
0x6f: {  	_ =	shalt  }
0x70: {  	_ =	shalt  }
0x71: {  	_ =	shalt  }
0x72: {  	_ =	shalt  }
0x73: {  	_ =	shalt  }
0x74: {  	_ =	shalt  }
0x75: {  	_ =	shalt  }
0x76: {  	_ =	shalt  }
0x77: {  	_ =	shalt  }
0x78: {  	_ =	shalt  }
0x79: {  	_ =	shalt  }
0x7a: {  	_ =	shalt  }
0x7b: {  	_ =	shalt  }
0x7c: {  	_ =	shalt  }
0x7d: {  	_ =	shalt  }
0x7e: {  	_ =	shalt  }
0x7f: {  	_ =	shalt  }
0x80: {  	_ =	shalt  }
0x81: {  	_ =	shalt  }
0x82: {  	_ =	shalt  }
0x83: {  	_ =	shalt  }
0x84: {  	_ =	shalt  }
0x85: {  	_ =	shalt  }
0x86: {  	_ =	shalt  }
0x87: {  	_ =	shalt  }
.Lfunc_end0:
.L_simem_size_0:
called_computation_lowered:
.L_overlay_start_0:
0x88: {  	s0 =	sld [smem:$0x3FD9]  }
0x89: {  	s1 =	sld [smem:$0x3FFE];
	_ =	sdelay $0x3  }
0x8a: {  	s0 =	sadd.s32 s1, s0  }
0x8b: {  	[smem:$0x3FA2] =	sst s0  }
0x8c: {  	_ = 	snop  }
0x8d: {  	s0 =	sld [smem:$0x3FD0];
	_ =	sdelay $0x2  }
0x8e: {  	s13 =	simm.s32 $0xA;
	s2 =	simm.s32 $0x10  }
0x8f: {  	[smem:s2], [sflag:s13] =	dma.local [hbm:s0], $0x1  }
0x90: {  	_ =	swait.eq [sflag:s13], $0x1  }
0x91: {  	[sflag:s13] =	ssyncset.done $0x0  }
0x92: {  	s14 =	sld [smem:$0x10];
	[sflag:s13] =	ssyncadd.s32 $0xFFFFFFFF  }
0x93: {  	s15 =	sld [smem:$0x11];
	(tm) =	ssettm $0x1  }
0x94: {  	s16 =	sld [smem:$0x3FFB];
	_ =	sdelay $0x3  }
0x95: {  	_ =	strace s16  }
0x96: {  	s2 =	sld [smem:$0x3FFC];
	_ =	sdelay $0x3  }
0x97: {  	_ =	strace s2  }
0x98: {  	s2 =	sld [smem:$0x3FFD];
	_ =	sdelay $0x3  }
0x99: {  	_ =	strace s2  }
0x9a: {  	_ =	strace $0x8FFFFFFF  }
0x9b: {  	s17 =	sld [smem:$0x3FDB];
	_ =	sdelay $0x1  }
0x9c: {  	s3 =	simm.s32 $_scs_section_size  }
0x9d: {  	s4 =	simm.s32 $_size__tile_overlayer_lowered;
	s5 =	simm.s32 $_tile_overlayer_lowered  }
0x9e: {  	s20 =	simm.s32 $0x1BFF;
	s19 =	sshll.u32 s5, $0x1;
	s2 =	sadd.s32 s3, s17  }
0x9f: {  	s6 =	simm.s32 $0x0;
	s18 =	sshll.u32 s4, $0x1;
	s4 =	sadd.s32 s19, s2  }
0xa0: {  	[timem:s6], [sflag:s20] =	dma.local [hbm:s4], s18  }
0xa1: {  	_ =	swait.ge [sflag:s20], s18  }
0xa2: {  	s3 =	ssub.s32 $0x0, s18;
	[sflag:s20] =	ssyncset.done $0x0  }
0xa3: {  	[sflag:s20] =	ssyncadd.s32 s3;
	_ =	sdelay $0x1  }
0xa4: {  	s21 =	simm.s32 $0x1B8B  }
0xa5: {  	_ =	swait.ge [sflag:s21], $0x1  }
0xa6: {  	[sflag:s21] =	ssyncset.done $0x0  }
0xa7: {  	s23 =	simm.s32 $0x1B8E;
	s22 =	sld [smem:$0x3FFE];
	[sflag:s21] =	ssyncadd.s32 $0xFFFFFFFF  }
0xa8: {  	s24 =	simm.s32 $execute0_lowered;
	[smem:$0x3FD2] =	sst s23  }
0xa9: {  	s4 =	sshll.u32 s24, $0x1;
	_ =	strace $0x80000049;
	[dreg:$0x1] =	wrdreg $0xFFFFFFFF  }
0xaa: {  	s25 =	simm.s32 $_size_execute0_lowered;
	s2 =	sadd.s32 s2, s4;
	[dreg:$0x0] =	wrdreg $0x0  }
0xab: {  	s4 =	sshll.u32 s25, $0x1;
	[dreg:$0x2] =	wrdreg s2  }
0xac: {  	[dreg:$0x3] =	wrdreg s4  }
0xad: {  	[dreg:$0x4] =	wrdreg $0xC0  }
0xae: {  	_ =	task [dreg:s6], $0x5FFFF  }
0xaf: {  	[dreg:$0x1] =	wrdreg $0xFFFFFFFF  }
0xb0: {  	[dreg:$0x0] =	wrdreg $0x60  }
0xb1: {  	[dreg:$0x2] =	wrdreg s22  }
0xb2: {  	[dreg:$0x3] =	wrdreg s14  }
0xb3: {  	[dreg:$0x4] =	wrdreg s15  }
0xb4: {  	[dreg:$0x5] =	wrdreg $0x9  }
0xb5: {  	_ =	task.clear_ibuf [dreg:s6], $0x6FFFF;
	_ =	strace $0x90000049  }
0xb6: {  	s26 =	simm.s32 $0x9;
	_ =	strace $0x8000004B  }
0xb7: {  	_ =	swait.ge [sflag:s26], $0x1  }
0xb8: {  	[sflag:s26] =	ssyncadd.s32 $0xFFFFFFFF  }
0xb9: {  	_ =	strace $0x9000004B  }
0xba: {  	_ =	sfence  }
0xbb: {  	s28 =	sld [smem:$0x0];
	_ =	sdelay $0x1  }
0xbc: {  	s29 =	srdreg.scid  }
0xbd: {  	s30 =	sshll.u32 s29, $0xD;
	s31 =	sshrl.u32 s29, $0x2  }
0xbe: {  	s1 =	sand.u32 $0x1, s29;
	s2 =	sand.u32 $0x4000, s30;
	s0 =	sadd.s32 s31, s28  }
0xbf: {  	s1 =	sor.u32 s2, s1;
	s0 =	sshll.u32 s0, $0x11  }
0xc0: {  	s0 =	sor.u32 s0, s1  }
0xc1: {  	s0 =	sadd.s32 $0x8F2B, s0  }
0xc2: {  	[sflag:s0] =	ssyncadd.remote.s32 $0x1  }
0xc3: {  	_ =	sfence.sel $0xFFFF  }
0xc4: {  	[dreg:$0x0] =	wrdreg $0xFFFFFFFF;
	(pc) =	sbr.abs _section_cstart, $3  }
0xc5: {  	[dreg:$0x1] =	wrdreg $0xFFFFFFFF  }
0xc6: {  	_ =	task.clear_ibuf [dreg:s6], $0x2FFFF;
	_ =	strace $0x9FFFFFFF  }
0xc7: {  	(tm) =	ssettm $0x7FFFFFFF  }
tec
execute0_lowered:
.L_overlay_start_1:
0x0: {  	(tag) =	ssettag $0x1  }
0x1: {  	s1 =	rddreg [dreg:$0x0]  }
0x2: {  	s2 =	rddreg [dreg:$0x1]  }
0x3: {  	s3 =	rddreg [dreg:$0x2]  }
0x4: {  	s0 =	rddreg [dreg:$0x3];
	_ =	strace $0x8000004A;
	s4 =	simm.s32 $0x1  }
0x5: {  	v1 =	vimm.s32 $0xFFFFFFFF;
	[sflag:s4] =	ssyncpa.u1 $0x0  }
0x6: {  	[tilespmem:$0x10] =	vst v1  }
0x7: {  	v0 =	vimm.f32 $0.0e+00;
	[tilespmem:$0x20] =	vst v1  }
0x8: {  	[tilespmem:$0x30] =	vst v0  }
0x9: {  	[tilespmem:$0x40] =	vst v0  }
0xa: {  	[tilespmem:$0x50] =	vst v0  }
0xb: {  	[tilespmem:$0x60] =	vst v1  }
0xc: {  	s5 =	simm.s32 $0x2;
	s6 =	simm.s32 $0x7;
	s7 =	simm.s32 $0x8;
	[tilespmem:$0x70] =	vst v1  }
0xd: {  	s10 =	simm.s32 $0x9;
	s14 =	simm.s32 $0x0;
	s15 =	simm.s32 $0xFFFFE000;
	[tilespmem:$0x80] =	vst v1  }
0xe: {  	p0 =	por $0x0, $0x0;
	s16 =	simm.s32 $0xFFFFC100;
	s17 =	simm.s32 $0xFFFFFFFE;
	v1 =	vimm.s32 $0x0;
	[tilespmem:$0xB0] =	vst v0  }
0xf: {  	s18 =	simm.s32 $0xF;
	s19 =	simm.s32 $0x30;
	s22 =	simm.s32 $0x0;
	[tilespmem:$0x90] =	vst v1  }
.Ltmp0:
0x10: {  	s20 =	simm.s32 $0x0;
	[tilespmem:$0xA0] =	vst v1;
	[sflag:s5] =	ssyncpa.u1 $0x0;
	(pc) =	sbr.rel .LBB2_1-.Ltmp0, $4  }
0x11: {  	s1 =	sadd.s32 $0x32B000, s1;
	s5 =	stileid.u32;
	[sflag:s6] =	ssyncpa.u1 $0x0  }
0x12: {  	s8 =	sshll.u32 s5, $0xF;
	s12 =	sshllo.u32 s5, $0x1;
	[sflag:s7] =	ssyncpa.u1 $0x0  }
0x13: {  	vm0 =	vmmov $0xffff;
	v2 =	vlaneseq.u32;
	s9 =	sadd.s32 $0x8000, s8;
	[sflag:s10] =	ssyncpa.u1 $0x0;
	s10 =	sshll.u32 s5, $0x1  }
0x14: {  	vm1 =	vmxor vm1, vm1;
	vm2 =	vmmov $0x1;
	vm3 =	vcmask $0x3F3C;
	s21 =	smov.u32 s8;
	s11 =	sor.u32 $0x81, s10;
	s13 =	sor.u32 $0x80, s10  }
.LBB2_10:
0x15: {  	p1 =	slt.u32 s20, $0x3  }
0x16: {  	s22 =	simm.s32 @!p1 $0x2  }
0x17: {  	_ =	swait.ge @!p1 [sflag:s22], $0x2000  }
0x18: {  	[sflag:s22] =	ssyncset.done @!p1 $0x0  }
0x19: {  	[sflag:s22] =	ssyncadd.s32 @!p1 $0xFFFFE000;
	s22 =	simm.s32 @!p1 $0x9  }
0x1a: {  	_ =	swait.ge @!p1 [sflag:s22], $0x10  }
0x1b: {  	s23 =	sadd.s32 $0x2000, s21;
	s24 =	smov.u32 s8;
	[sflag:s22] =	ssyncset.done @!p1 $0x0  }
0x1c: {  	s20 =	sadd.s32 $0x1, s20;
	[sflag:s22] =	ssyncadd.s32 @!p1 $0xFFFFFFF0;
	p1 =	slt.s32 s23, s9  }
0x1d: {  	s24 =	smov.u32 @p1 s23;
	p1 =	sne.s32 s20, $0x7  }
.Ltmp1:
0x1e: {  	_ = 	snop;
	(pc) =	sbr.rel @!p1 .LBB2_11-.Ltmp1, $3  }
0x1f: {  	_ =	sdelay $0x1  }
0x20: {  	s15 =	sadd.s32 $0x2000, s15;
	p0 =	por !p0, !p0;
	s16 =	sadd.s32 $0x2000, s16  }
0x21: {  	s17 =	sadd.s32 $0x1, s17;
	s22 =	smov.u32 s21;
	s21 =	smov.u32 s24  }
.LBB2_1:
0x22: {  	p1 =	sgt.u32 s20, $0x3  }
0x23: {  	p2 =	seq.s32 @!p1 s20, $0x3  }
0x24: {  	s23 =	sshll.u32 @!p1 s20, $0xF;
	p2 =	por !p2, p1  }
0x25: {  	s23 =	simm.s32 @!p2 $0x0  }
0x26: {  	s24 =	sshrl.u32 @!p1 s21, $0x3;
	s23 =	sshrl.u32 @!p1 s23, $0x2  }
0x27: {  	s25 =	sand.u32 @!p1 $0x7, s21;
	s24 =	sadd.s32 @!p1 s2, s24;
	s23 =	sor.u32 @!p1 $0x100, s23  }
0x28: {  	[tilespmem:s23], [sflag:$0x7] =	stream.linear.gather @!p1 [hbm4b:s24+s25], $0x2000, $0x38;
	[tilespmem:$0x12120] =	vst v63  }
0x29: {  	s24 =	sadd.s32 $0xFFFFFFFF, s20  }
0x2a: {  	p1 =	sgt.u32 s24, $0x3  }
.Ltmp2:
0x2b: {  	_ = 	snop;
	(pc) =	sbr.rel @p1 .LBB2_5-.Ltmp2, $1  }
0x2c: {  	_ =	sdelay $0x3  }
0x2d: {  	s23 =	sadd.s32 $0x1FFFC, s20;
	p1 =	seq.s32 s24, $0x3;
	s25 =	smov.u32 s24  }
0x2e: {  	s25 =	smov.u32 @p1 s23  }
0x2f: {  	s23 =	sshll.u32 s25, $0xF  }
0x30: {  	_ =	swait.ge [sflag:s6], $0x2000;
	s23 =	sshra.s32 s23, $0x2  }
0x31: {  	[sflag:s6] =	ssyncset.done $0x0;
	s28 =	sor.u32 $0x100, s23  }
0x32: {  	[sflag:s6] =	ssyncadd.s32 $0xFFFFE000;
	(ifvalue) =	ssetifvalue $0xFFFFFFFF;
	v3 =	vld.msk [tilespmem:s28+$0x0 ss:$0x1], $0xffff;
	_ =	sdelay $0x2  }
0x33: {  	p1 =	sne.s32 s20, $0x1  }
0x34: {  	v4 =	vimm.s32 @!p1 $0x0  }
0x35: {  	v4 =	vperm.xlane @!p1 v3, v4  }
0x36: {  	s29 =	sshll.u32 s20, $0x4;
	vm4 =	vlt.u32 v3, $0x10400  }
0x37: {  	s25 =	sand.u32 $0x10, s29;
	v3 =	vnsel vm4, $0xFFFFFFFE, v3;
	vm4 =	vlt.u32 @!p1 v4, $0x10400  }
0x38: {  	[tilespmem:s25+$0x60] =	vst v3;
	v3 =	vnsel @!p1 vm4, $0xFFFFFFFE, v4  }
0x39: {  	s28 =	sadd.s32 $0x20F0, s23;
	[tilespmem:$0x80] =	vst @!p1 v3  }
0x3a: {  	v3 =	vld.msk [tilespmem:s28+$0x0 ss:$0x1], $0xffff;
	_ =	sdelay $0x4  }
0x3b: {  	(xrf1) =	vunique.msk.u32 $0xffff, v3;
	_ =	sdelay $0xd  }
0x3c: {  	v4 =	vimm.s32 $0xFFFFFFFF;
	v5, _, _ =	vpop (xrf1)  }
0x3d: {  	vm5 =	vne.s32 v3, v4;
	vm4 =	veq.s32 v5, v2  }
0x3e: {  	vm6 =	vlt.u32 v3, $0x10400;
	vm4 =	vmand vm5, vm4  }
0x3f: {  	vm4 =	vmand vm6, vm4  }
0x40: {  	v4 =	vnsel vm4, $0xFFFFFFFF, v3;
	_ =	sdelay $0x2  }
0x41: {  	s30 =	sand.u32 $0x2000, s15  }
0x42: {  	s31 =	sshll.u32 s24, $0xD;
	s23 =	sor.u32 $0x80F0, s30;
	(ifvalue) =	ssetifvalue $0xFFFFFFFF  }
0x43: {  	v3 =	vperm.xlane v3, v1;
	[tilespmem:s23], [sflag:$0x8] =	stream.indirect_vreg.gather [hbm4b:s1+s14], $0x1, v4, vm0, $0x4038;
	v4 =	vnsel vm6, $0xFFFFFFFE, v4;
	[tilespmem:$0x12120] =	vst v63  }
0x44: {  	s24 =	sand.u32 $0x2000, s31;
	s26 =	sadd.s32 $0xFFFFFFF0, s28;
	s25 =	simm.s32 $0x0;
	[tilespmem:s28+$0x0] =	vst v4  }
.LBB2_3:
0x45: {  	v4 =	vld.msk [tilespmem:s26+$0x0 ss:$0x1], $0xffff;
	s25 =	sadd.s32 $0x10, s25;
	v5 =	vmov v3;
	s28 =	smov.u32 s26  }
0x46: {  	p1 =	slt.u32 s25, $0x1FF0;
	_ =	sdelay $0x4  }
0x47: {  	v3 =	vperm.xlane v4, v1;
	(xrf1) =	vunique.msk.u32 $0xffff, v4;
	_ =	sdelay $0xd  }
0x48: {  	v6, _, _ =	vpop (xrf1)  }
0x49: {  	vm5 =	vne.s32 v4, v5;
	vm4 =	veq.s32 v6, v2  }
0x4a: {  	vm6 =	vlt.u32 v4, $0x10400;
	vm4 =	vmand vm5, vm4  }
0x4b: {  	vm4 =	vmand vm6, vm4  }
0x4c: {  	v4 =	vnsel vm4, $0xFFFFFFFF, v4  }
.Ltmp3:
0x4d: {  	v5 =	vnsel vm6, $0xFFFFFFFE, v4;
	(pc) =	sbr.rel @p1 .LBB2_3-.Ltmp3, $3  }
0x4e: {  	_ =	sdelay $0x1  }
0x4f: {  	s26 =	sadd.s32 $0xFFFFFFF0, s26;
	s23 =	sadd.s32 $0xFFFFFFF0, s23;
	(ifvalue) =	ssetifvalue $0xFFFFFFFF  }
0x50: {  	[tilespmem:s23], [sflag:$0x8] =	stream.indirect_vreg.gather [hbm4b:s1+s14], $0x1, v4, vm0, $0x4038;
	[tilespmem:s28+$0x0] =	vst v5  }
0x51: {  	s22 =	sshrl.u32 s22, $0x3  }
0x52: {  	s23 =	sadd.s32 $0xA100, s24;
	s22 =	sadd.s32 s3, s22  }
0x53: {  	[tilespmem:s23], [sflag:$0x8] =	stream.linear.gather [hbm:s22], $0x2000, $0x38;
	[tilespmem:$0x12120] =	vst v63  }
.LBB2_5:
0x54: {  	p1 =	sgt.u32 s20, $0x6  }
.Ltmp4:
0x55: {  	_ = 	snop;
	(pc) =	sbr.rel @p1 .LBB2_7-.Ltmp4, $1  }
0x56: {  	_ =	sdelay $0x3  }
0x57: {  	s22 =	sshll.u32 s4, s20  }
0x58: {  	s22 =	sand.u32 $0x43, s22  }
0x59: {  	p1 =	sne.s32 s22, $0x0  }
.Ltmp5:
0x5a: {  	_ = 	snop;
	(pc) =	sbr.rel @p1 .LBB2_10-.Ltmp5, $1  }
0x5b: {  	_ =	sdelay $0x3  }
.LBB2_7:
0x5c: {  	s22 =	sadd.s32 $0xFFFFFFFE, s20  }
0x5d: {  	s23 =	smulhi.u32 $0xAAAAAAAB, s22;
	_ =	sdelay $0x1  }
0x5e: {  	s23 =	sshrl.u32 s23, $0x1  }
0x5f: {  	s23 =	smul.u32 $0x3, s23;
	_ =	sdelay $0x1  }
0x60: {  	_ =	swait.ge [sflag:s7], $0x4000;
	s22 =	ssub.s32 s22, s23  }
0x61: {  	p1 =	sne.s32 s20, $0x5;
	[sflag:s7] =	ssyncset.done $0x0;
	s26 =	sshll.u32 s22, $0xD  }
0x62: {  	[sflag:s7] =	ssyncadd.s32 $0xFFFFC000;
	s22 =	sadd.s32 @!p1 $0x20FF, s26  }
0x63: {  	[spmem:s11] =	stream.linear.scatter @!p1 [tilespmem:s22], [sflag:$0x1], $0x1, $0x38;
	[tilespmem:$0x12120] =	vst v63  }
0x64: {  	s22 =	simm.s32 @!p1 $0x1  }
0x65: {  	_ =	swait.ge @!p1 [sflag:s22], $0x1  }
0x66: {  	s25 =	sshll.u32 s20, $0x4;
	[sflag:s22] =	ssyncset.done @!p1 $0x0  }
0x67: {  	[sflag:s22] =	ssyncadd.s32 @!p1 $0xFFFFFFFF;
	s22 =	sand.u32 $0x10, s25  }
0x68: {  	v4 =	vld [tilespmem:s22+$0x10];
	s28 =	sxor.u32 $0x10, s22  }
0x69: {  	v5 =	vld [tilespmem:s28+$0x60]  }
0x6a: {  	v3 =	vld [tilespmem:$0x80];
	_ =	sdelay $0x2  }
0x6b: {  	(v2sf) =	vpush v4, $0x0  }
0x6c: {  	(v2sf) =	vpush v5, $0x0  }
0x6d: {  	(v2sf) =	vpush v3, $0x0;
	_ =	sdelay $0xc  }
0x6e: {  	s23 =	spop (v2sf)  }
0x6f: {  	s25 =	spop (v2sf)  }
0x70: {  	s24 =	spop (v2sf)  }
0x71: {  	p2 =	seq.s32 s23, s25;
	p3 =	seq.s32 s24, s23  }
0x72: {  	p3 =	por p2, p3  }
0x73: {  	v4 =	vpsel p3, $0xFFFFFFFF, v4  }
0x74: {  	s23 =	sand.u32 $0x1, s20;
	[tilespmem:s22+$0x10] =	vst.msk $0x1, v4  }
0x75: {  	s25 =	sshll.u32 s23, $0xD;
	v4 =	vld [tilespmem:$0x30]  }
0x76: {  	v5 =	vld [tilespmem:s25+$0xA100]  }
0x77: {  	v6 =	vld [tilespmem:s22+$0x40];
	_ =	sdelay $0x3  }
0x78: {  	vm4 =	vmmov vm1;
	v5 =	vadd.f32 v5, v4  }
0x79: {  	vm5 =	vmmov vm2;
	vm4 =	vmmov @p2 vm2;
	s23 =	sshll.u32 s23, $0x4;
	v4 =	vadd.f32 v6, v4  }
0x7a: {  	vm5 =	vmmov @p3 vm1;
	s23 =	sor.u32 $0x12100, s23;
	[tilespmem:s25+$0xA100] =	vst.msk vm4, v5  }
0x7b: {  	[tilespmem:s23+$0x0] =	vst.msk vm5, v4  }
0x7c: {  	v4 =	vld [tilespmem:s25+$0x80F0];
	_ =	sdelay $0x3  }
0x7d: {  	v5 =	vimm.f32 $0.0e+00  }
0x7e: {  	v4 =	vshift.insert v4, v5, s18  }
0x7f: {  	s29 =	sor.u32 $0x40, s28  }
0x80: {  	[tilespmem:s29+$0x0] =	vst.msk $0x1, v4  }
0x81: {  	[tilespmem:s25+$0x80FF] =	vst.msk $0x1, v5  }
0x82: {  	v4 =	vld [tilespmem:s26+$0x20F0];
	_ =	sdelay $0x1  }
0x83: {  	s26 =	smulhi.u32 $0xAAAAAAAB, s17;
	_ =	sdelay $0x1  }
0x84: {  	s29 =	simm.s32 $0x1;
	s26 =	sshrl.u32 s26, $0x1  }
0x85: {  	s29 =	simm.s32 @!p0 $0x0;
	s30 =	smul.u32 $0xFFFE8000, s26;
	v4 =	vshift.insert v4, v1, s18  }
0x86: {  	s29 =	sshll.u32 s29, $0xD  }
0x87: {  	s26 =	sadd.s32 $0xA100, s29;
	s30 =	sshra.s32 s30, $0x2;
	[tilespmem:s28+$0x10] =	vst.msk $0x1, v4  }
0x88: {  	s31 =	sadd.s32 s30, s16;
	v6 =	vld [tilespmem:s26+$0x0]  }
0x89: {  	v7 =	vld [tilespmem:s31+$0x0];
	_ =	sdelay $0x3  }
0x8a: {  	v5 =	vadd.f32 v6, v5  }
0x8b: {  	vm4 =	vne.s32 v7, $0xFFFFFFFF  }
0x8c: {  	(xrf2) =	vadd.seg.scan.f32 vm4, v5;
	_ =	sdelay $0x3  }
0x8d: {  	s28 =	sadd.s32 $0x6100, s29;
	v5 =	vperm.xlane v4, v1  }
0x8e: {  	v6 =	vld [tilespmem:s28+$0x0]  }
0x8f: {  	vm5 =	veq.s32 v7, v3;
	vm6 =	veq.s32 v7, v5  }
0x90: {  	vm7 =	vgt.u32 v7, $0xFFFFFFFD;
	vm6 =	vmor vm6, vm5  }
0x91: {  	vm6 =	vmor vm6, vm7  }
0x92: {  	v9 =	vld [tilespmem:$0xA0];
	v7 =	vsel vm6, $0xFFFFFFFF, v7  }
0x93: {  	v10 =	vld [tilespmem:$0x90];
	v6 =	vsel vm5, $0x0, v6;
	v8, _, _ =	vpop (xrf2)  }
0x94: {  	v6 =	vadd.f32 v8, v6  }
0x95: {  	s29 =	sadd.s32 $0xE100, s29  }
0x96: {  	vm4 =	vmand vm4, vm3;
	[tilespmem:s29+$0x0] =	vst v6;
	(ifvalue) =	ssetifvalue $0xFFFFFFFF  }
0x97: {  	vm6 =	veq.s32 v9, $0x1;
	[hbm4b:s1+s14] =	stream.indirect_vreg.scatter [tilespmem:s29], [sflag:$0x2], $0x1, v7, vm0, $0x4038;
	v7 =	vsel vm4, $0x0, v8;
	[tilespmem:$0x12120] =	vst v63  }
0x98: {  	s30 =	simm.s32 $0x0;
	s31 =	sadd.s32 $0x10, s31;
	vm4 =	vmor vm6, vm5;
	v6 =	vsel vm5, v8, v10;
	v7 =	vshift.insert v7, v0, s18  }
.LBB2_8:
0x99: {  	v8 =	vld [tilespmem:s31+$0x0];
	s26 =	sadd.s32 $0x10, s26  }
0x9a: {  	s28 =	sadd.s32 $0x10, s28;
	v9 =	vld [tilespmem:s26+$0x0]  }
0x9b: {  	s30 =	sadd.s32 $0x10, s30;
	v10 =	vld [tilespmem:s28+$0x0]  }
0x9c: {  	p2 =	slt.u32 s30, $0x1FF0;
	_ =	sdelay $0x2  }
0x9d: {  	v7 =	vadd.f32 v9, v7  }
0x9e: {  	vm5 =	vne.s32 v8, $0xFFFFFFFF  }
0x9f: {  	vm6 =	vmand vm5, vm3;
	(xrf2) =	vadd.seg.scan.f32 vm5, v7;
	_ =	sdelay $0x5  }
0xa0: {  	vm7 =	veq.s32 v8, v5;
	vm5 =	veq.s32 v8, v3  }
0xa1: {  	vm8 =	vgt.u32 v8, $0xFFFFFFFD;
	vm4 =	vmor vm4, vm5;
	vm7 =	vmor vm7, vm5  }
0xa2: {  	vm7 =	vmor vm7, vm8  }
0xa3: {  	v8 =	vsel vm7, $0xFFFFFFFF, v8  }
.Ltmp6:
0xa4: {  	v7 =	vsel vm5, $0x0, v10;
	v9, _, _ =	vpop (xrf2);
	(pc) =	sbr.rel @p2 .LBB2_8-.Ltmp6, $4  }
0xa5: {  	v6 =	vsel vm5, v9, v6;
	v10 =	vadd.f32 v9, v7;
	v7 =	vsel vm6, $0x0, v9  }
0xa6: {  	s29 =	sadd.s32 $0x10, s29;
	v7 =	vshift.insert v7, v0, s18  }
0xa7: {  	s31 =	sadd.s32 $0x10, s31;
	[tilespmem:s29+$0x0] =	vst v10;
	(ifvalue) =	ssetifvalue $0xFFFFFFFF  }
0xa8: {  	[hbm4b:s1+s14] =	stream.indirect_vreg.scatter [tilespmem:s29], [sflag:$0x2], $0x1, v8, vm0, $0x4038;
	[tilespmem:$0x12120] =	vst v63  }
0xa9: {  	v3 =	vld [tilespmem:s25+$0x100F0];
	_ =	sdelay $0x4  }
0xaa: {  	v3 =	vshift.insert v3, v0, s18;
	_ =	sdelay $0x1  }
0xab: {  	[tilespmem:s19+$0x0] =	vst.msk $0x1, v3  }
0xac: {  	v3 =	vsel vm4, $0x1, v1;
	[tilespmem:$0x90] =	vst v6  }
0xad: {  	s25 =	sadd.s32 @!p1 $0x100FF, s25;
	[tilespmem:$0xA0] =	vst v3  }
0xae: {  	[spmem:s12] =	stream.linear.scatter @!p1 [tilespmem:s25], [sflag:$0x1], $0x1, $0x38;
	[tilespmem:$0x12120] =	vst v63  }
0xaf: {  	s25 =	simm.s32 @!p1 $0x1  }
0xb0: {  	v3 =	vmctz.xlane @!p1 vm4;
	_ =	swait.ge @!p1 [sflag:s25], $0x1  }
0xb1: {  	(v2sf) =	vpush @!p1 v4, $0x0  }
0xb2: {  	(v2sf) =	vpush @!p1 v3, $0x0;
	_ =	sdelay $0xd  }
0xb3: {  	s26 =	spop @!p1 (v2sf)  }
0xb4: {  	s28 =	spop @!p1 (v2sf)  }
0xb5: {  	p2 =	sne.s32 @!p1 s24, s26;
	p3 =	slt.s32 @!p1 s28, $0xF  }
0xb6: {  	[sflag:s25] =	ssyncset.done @!p1 $0x0;
	p2 =	por p2, p1;
	p3 =	por !p3, p1  }
0xb7: {  	[sflag:s25] =	ssyncadd.s32 @!p1 $0xFFFFFFFF;
	v3 =	vimm.s32 @!p2 $0xFFFFFFFF;
	s28 =	simm.s32 @p3 $0xF  }
0xb8: {  	[tilespmem:$0x80] =	vst @!p2 v3;
	s24 =	sadd.s32 @!p1 $0x90, s28  }
0xb9: {  	[spmem:s10] =	stream.linear.scatter @!p1 [tilespmem:s24], [sflag:$0x1], $0x1, $0x38;
	[tilespmem:$0x12120] =	vst v63  }
0xba: {  	_ =	swait.ge @!p1 [sflag:s25], $0x1  }
0xbb: {  	[sflag:s25] =	ssyncset.done @!p1 $0x0  }
0xbc: {  	s24 =	simm.s32 @!p1 $0x80;
	[sflag:s25] =	ssyncadd.s32 @!p1 $0xFFFFFFFF  }
0xbd: {  	[spmem:s13] =	stream.linear.scatter @!p1 [tilespmem:s24], [sflag:$0x1], $0x1, $0x38;
	[tilespmem:$0x12120] =	vst v63  }
0xbe: {  	_ =	swait.ge @!p1 [sflag:s25], $0x1  }
0xbf: {  	[sflag:s25] =	ssyncset.done @!p1 $0x0  }
0xc0: {  	[sflag:s25] =	ssyncadd.s32 @!p1 $0xFFFFFFFF;
	(ifvalue) =	ssetifvalue $0xFFFFFFFF;
	v3 =	vld [tilespmem:s22+$0x10];
	_ =	sdelay $0x3  }
.Ltmp7:
0xc1: {  	_ = 	snop;
	(pc) =	sbr.rel .LBB2_10-.Ltmp7, $3  }
0xc2: {  	_ =	sdelay $0x1  }
0xc3: {  	(ifvalue) =	ssetifvalue $0xFFFFFFFF  }
0xc4: {  	[hbm4b:s1+s14] =	stream.indirect_vreg.scatter [tilespmem:s23], [sflag:$0x9], $0x1, v3, vm0, $0x4038;
	[tilespmem:$0x12120] =	vst v63  }
.LBB2_11:
0xc5: {  	_ =	sfence.sel $0x180000  }
0xc6: {  	s2 =	simm.s32 $0x7;
	[bflag:$0x0] =	sbarrier.arrive $0xFFFF  }
0xc7: {  	s26 =	simm.s32 $0x8;
	[sflag:s2] =	ssyncpa.u1 $0x1  }
0xc8: {  	s28 =	simm.s32 $0x9;
	[sflag:s26] =	ssyncpa.u1 $0x1  }
0xc9: {  	[sflag:s28] =	ssyncpa.u1 $0x1  }
0xca: {  	_ =	sfence.stream.spmem  }
0xcb: {  	s29 =	simm.s32 $0x3;
	[bflag:$0x0] =	sbarrier.arrive $0xFFFF  }
0xcc: {  	s30 =	simm.s32 $0x4;
	[sflag:s29] =	ssyncpa.u1 $0x1  }
0xcd: {  	s31 =	simm.s32 $0x3C;
	[sflag:s30] =	ssyncpa.u1 $0x1  }
0xce: {  	p0 =	sne.s32 s5, $0x0;
	[sflag:s31] =	ssyncpa.u1 $0x1  }
0xcf: {  	s0 =	simm.s32 @p0 $0x1;
	_ =	sfence @p0  }
0xd0: {  	[sflag:s0] =	ssyncpa.u1 @p0 $0x1;
	s0 =	simm.s32 @p0 $0x2  }
0xd1: {  	[sflag:s0] =	ssyncpa.u1 @p0 $0x1  }
0xd2: {  	_ =	strace @p0 $0x9000004A  }
0xd3: {  	[bflag:$0x2] =	sbarrier.arrive @p0 $0xFFFF  }
0xd4: {  	_ =	shalt @p0  }
.LBB2_12:
0xd5: {  	_ =	sfence.stream.spmem;
	s4 =	simm.s32 $0x5  }
0xd6: {  	s2 =	simm.s32 $0x80;
	s3 =	simm.s32 $0xC0;
	[sflag:s4] =	ssyncpa.u1 $0x0  }
0xd7: {  	[tilespmem:s3], [sflag:$0x5] =	stream.linear.gather [spmem:s2], $0x20, $0x38;
	[tilespmem:$0x12120] =	vst v63  }
0xd8: {  	s2 =	simm.s32 $0x0;
	s3 =	simm.s32 $0xE0  }
0xd9: {  	[tilespmem:s3], [sflag:$0x5] =	stream.linear.gather [spmem:s2], $0x20, $0x38;
	[tilespmem:$0x12120] =	vst v63  }
.Ltmp8:
0xda: {  	_ = 	snop;
	(pc) =	sbr.rel .LBB2_13-.Ltmp8, $4  }
0xdb: {  	_ =	swait.ge [sflag:s4], $0x40  }
0xdc: {  	[sflag:s4] =	ssyncset.done $0x0  }
0xdd: {  	s31 =	simm.s32 $0x6;
	[sflag:s4] =	ssyncadd.s32 $0xFFFFFFC0  }
0xde: {  	s4 =	simm.s32 $0x0;
	[sflag:s31] =	ssyncpa.u1 $0x0  }
.LBB2_18:
0xdf: {  	p0 =	sgt.u32 s5, $0x103FF  }
0xe0: {  	s6 =	sshrl.u32 @!p0 s5, $0x3  }
0xe1: {  	s5 =	sand.u32 @!p0 $0x7, s5;
	s7 =	simm.s32 @!p0 $0xB0;
	s6 =	sadd.s32 @!p0 s1, s6  }
0xe2: {  	[tilespmem:s7], [sflag:$0x6] =	stream.linear.gather @!p0 [hbm4b:s6+s5], $0x1, $0x38;
	[tilespmem:$0x12120] =	vst v63  }
0xe3: {  	s5 =	simm.s32 @!p0 $0x6  }
0xe4: {  	_ =	swait.ge @!p0 [sflag:s5], $0x1  }
0xe5: {  	[sflag:s5] =	ssyncset.done @!p0 $0x0  }
0xe6: {  	[sflag:s5] =	ssyncadd.s32 @!p0 $0xFFFFFFFF  }
0xe7: {  	v2 =	vmov @!p0 s4;
	v1 =	vld.msk @!p0 [tilespmem:$0xB0], $0x1;
	_ =	sdelay $0x3  }
0xe8: {  	s5 =	simm.s32 @!p0 $0xE0  }
0xe9: {  	[tilespmem:v2+s5+$0x0], v1 =	vst.idx.ret.add.f32.msk @!p0 $0x1, v1  }
0xea: {  	[tilespmem:s2+$0xC0] =	vst.msk $0x1, v0  }
0xeb: {  	v0 =	vld.msk [tilespmem:s4+$0xE0], $0x1;
	_ =	sdelay $0x4  }
0xec: {  	[tilespmem:s2+$0xE0] =	vst.msk $0x1, v0;
	s2 =	sadd.s32 $0x1, s2  }
.LBB2_20:
0xed: {  	s4 =	sadd.s32 $0x1, s4  }
0xee: {  	p0 =	sne.s32 s4, $0x20  }
.Ltmp9:
0xef: {  	_ = 	snop;
	(pc) =	sbr.rel @!p0 .LBB2_21-.Ltmp9, $1  }
0xf0: {  	_ =	sdelay $0x3  }
.LBB2_13:
0xf1: {  	v0 =	vld.msk [tilespmem:s4+$0xC0], $0x1;
	_ =	sdelay $0x4  }
0xf2: {  	(v2sf) =	vpush v0, $0x0;
	_ =	sdelay $0xe  }
0xf3: {  	s5 =	spop (v2sf)  }
0xf4: {  	p0 =	seq.s32 s5, $0xFFFFFFFF  }
.Ltmp10:
0xf5: {  	_ = 	snop;
	(pc) =	sbr.rel @p0 .LBB2_20-.Ltmp10, $1  }
0xf6: {  	_ =	sdelay $0x3  }
0xf7: {  	p0 =	slt.s32 s2, $0x1  }
.Ltmp11:
0xf8: {  	_ = 	snop;
	(pc) =	sbr.rel @p0 .LBB2_18-.Ltmp11, $1  }
0xf9: {  	_ =	sdelay $0x3  }
0xfa: {  	s6 =	simm.s32 $0xC0;
	p0 =	por $0x0, $0x0  }
0xfb: {  	v1 =	vld.msk @!p0 [tilespmem:s6+$0x0], $0x1;
	_ =	sdelay $0x4  }
0xfc: {  	(v2sf) =	vpush @!p0 v1, $0x0;
	_ =	sdelay $0xd  }
0xfd: {  	p2 =	sne.s32 s2, $0x1  }
.Ltmp12:
0xfe: {  	s7 =	spop @!p0 (v2sf);
	(pc) =	sbr.rel @!p2 .LBB2_17-.Ltmp12, $4  }
0xff: {  	p1 =	seq.s32 @!p0 s5, s7  }
0x100: {  	s7 =	simm.s32 $0x0;
	p1 =	por !p1, p0  }
0x101: {  	s9 =	simm.s32 $0xFFFFFFFF;
	s7 =	simm.s32 @p1 $0xFFFFFFFF  }
0x102: {  	s8 =	simm.s32 $0x1;
	s7 =	smov.u32 @p0 s9  }
.LBB2_16:
0x103: {  	s9 =	smov.u32 s7;
	p0 =	sne.s32 s7, $0xFFFFFFFF  }
0x104: {  	s6 =	sadd.s32 $0x1, s6;
	s7 =	smov.u32 s8;
	s8 =	sadd.s32 $0x1, s8  }
0x105: {  	p1 =	sne.s32 s2, s8;
	v1 =	vld.msk @!p0 [tilespmem:s6+$0x0], $0x1;
	_ =	sdelay $0x4  }
0x106: {  	(v2sf) =	vpush @!p0 v1, $0x0;
	_ =	sdelay $0xe  }
.Ltmp13:
0x107: {  	s10 =	spop @!p0 (v2sf);
	(pc) =	sbr.rel @p1 .LBB2_16-.Ltmp13, $4  }
0x108: {  	p2 =	seq.s32 @!p0 s5, s10  }
0x109: {  	p2 =	por !p2, p0  }
0x10a: {  	s7 =	simm.s32 @p2 $0xFFFFFFFF  }
0x10b: {  	s7 =	smov.u32 @p0 s9  }
.LBB2_17:
0x10c: {  	p0 =	sne.s32 s7, $0xFFFFFFFF  }
.Ltmp14:
0x10d: {  	_ = 	snop;
	(pc) =	sbr.rel @!p0 .LBB2_18-.Ltmp14, $1  }
0x10e: {  	_ =	sdelay $0x3  }
0x10f: {  	v0 =	vld.msk [tilespmem:s4+$0xE0], $0x1;
	v1 =	vmov s7  }
.Ltmp15:
0x110: {  	_ = 	snop;
	(pc) =	sbr.rel .LBB2_20-.Ltmp15, $2  }
0x111: {  	_ =	sdelay $0x2  }
0x112: {  	[tilespmem:v1+s3+$0x0], v0 =	vst.idx.ret.add.f32.msk $0x1, v0  }
.LBB2_21:
0x113: {  	p0 =	slt.s32 s2, $0x1  }
.Ltmp16:
0x114: {  	_ = 	snop;
	(pc) =	sbr.rel @p0 .LBB2_25-.Ltmp16, $3  }
0x115: {  	_ =	sdelay $0x1  }
0x116: {  	s3 =	simm.s32 $0x6  }
0x117: {  	[sflag:s3] =	ssyncpa.u1 $0x1;
	s3 =	simm.s32 $0x0  }
0x118: {  	s4 =	simm.s32 $0xC0  }
0x119: {  	v0 =	vld.msk [tilespmem:s4+$0x0], $0x1;
	_ =	sdelay $0x4  }
0x11a: {  	(v2sf) =	vpush v0, $0x0;
	_ =	sdelay $0xe  }
0x11b: {  	s2 =	sadd.s32 $0xFFFFFFFF, s2;
	s5 =	spop (v2sf)  }
0x11c: {  	p1 =	sne.s32 s2, $0x0;
	p0 =	sgt.u32 s5, $0x103FF  }
.Ltmp17:
0x11d: {  	s6 =	sshrl.u32 @!p0 s5, $0x3;
	(pc) =	sbr.rel @!p1 .LBB2_24-.Ltmp17, $4  }
0x11e: {  	s4 =	simm.s32 $0xE0;
	s5 =	sand.u32 @!p0 $0x7, s5;
	s6 =	sadd.s32 @!p0 s1, s6  }
0x11f: {  	[hbm4b:s6+s5] =	stream.linear.scatter @!p0 [tilespmem:s4], [sflag:$0x5], $0x1, $0x38;
	[tilespmem:$0x12120] =	vst v63  }
0x120: {  	s6 =	simm.s32 $0x0  }
0x121: {  	s5 =	simm.s32 $0xC1;
	s6 =	simm.s32 @!p0 $0x4  }
.LBB2_23:
0x122: {  	v0 =	vld.msk [tilespmem:s5+$0x0], $0x1;
	s2 =	sadd.s32 $0xFFFFFFFF, s2;
	s3 =	sadd.s32 s3, s6  }
0x123: {  	p0 =	sne.s32 s2, $0x0;
	_ =	sdelay $0x3  }
0x124: {  	(v2sf) =	vpush v0, $0x0;
	_ =	sdelay $0xe  }
.Ltmp18:
0x125: {  	s7 =	spop (v2sf);
	(pc) =	sbr.rel @p0 .LBB2_23-.Ltmp18, $4  }
0x126: {  	s6 =	simm.s32 $0x0;
	p1 =	sgt.u32 s7, $0x103FF  }
0x127: {  	s4 =	sadd.s32 $0x1, s4;
	s6 =	simm.s32 @!p1 $0x4;
	s8 =	sshrl.u32 @!p1 s7, $0x3  }
0x128: {  	s5 =	sadd.s32 $0x1, s5;
	s7 =	sand.u32 @!p1 $0x7, s7;
	s8 =	sadd.s32 @!p1 s1, s8  }
0x129: {  	[hbm4b:s8+s7] =	stream.linear.scatter @!p1 [tilespmem:s4], [sflag:$0x5], $0x1, $0x38;
	[tilespmem:$0x12120] =	vst v63  }
.LBB2_24:
0x12a: {  	s1 =	sadd.s32 s3, s6  }
0x12b: {  	s3 =	sshrl.u32 s1, $0x2  }
.LBB2_25:
0x12c: {  	s1 =	simm.s32 $0x5  }
0x12d: {  	_ =	swait.ge [sflag:s1], s3  }
0x12e: {  	s2 =	ssub.s32 $0x0, s3;
	[sflag:s1] =	ssyncset.done $0x0  }
0x12f: {  	[sflag:s1] =	ssyncadd.s32 s2  }
0x130: {  	[sflag:s1] =	ssyncpa.u1 $0x1  }
0x131: {  	s30 =	simm.s32 $0x1;
	_ =	sfence  }
0x132: {  	s31 =	simm.s32 $0x2;
	[sflag:s30] =	ssyncpa.u1 $0x1  }
0x133: {  	[sflag:s31] =	ssyncpa.u1 $0x1  }
0x134: {  	_ =	strace $0x9000004A  }
0x135: {  	s0 =	sadd.s32 $0x100000, s0;
	[bflag:$0x2] =	sbarrier.arrive $0xFFFF  }
0x136: {  	[sflag:s0] =	ssyncadd.tile.s32 $0x1;
	_ =	shalt  }
.Lfunc_end2:
_tile_overlayer_lowered:
.L_overlay_start_2:
0x137: {  	(tag) =	ssettag $0x2  }
0x138: {  	s0 =	rddreg [dreg:$0x0];
	s2 =	stileid.u32  }
0x139: {  	s1 =	rddreg [dreg:$0x1];
	p0 =	sne.s32 s2, $0x0  }
0x13a: {  	s3 =	rddreg [dreg:$0x2];
	[bflag:$0x3] =	sbarrier.arrive $0xFFFF;
	s2 =	simm.s32 @!p0 $0x1C01  }
0x13b: {  	[timem:s3], [sflag:s2] =	dma.local @!p0 [hbm:s0], s1  }
0x13c: {  	s0 =	simm.s32 @!p0 $0x1  }
0x13d: {  	_ =	swait.ge @!p0 [sflag:s0], s1  }
0x13e: {  	s1 =	ssub.s32 @!p0 $0x0, s1;
	[sflag:s0] =	ssyncset.done @!p0 $0x0  }
0x13f: {  	[sflag:s0] =	ssyncadd.s32 @!p0 s1  }
0x140: {  	[bflag:$0x3] =	sbarrier.arrive $0xFFFF  }
0x141: {  	_ =	shalt  }

</sc_bundles>
